<compile_context>
chip_gen: v7x
topology: tpu7x:2x2x1
jax: 0.10.2.dev20260603
libtpu: 0.0.44.dev20260713+nightly
codegen_flags: <defaults>
</compile_context>

<pallas_src>
import functools

import jax
import jax.numpy as jnp
from jax import lax
from jax.experimental import pallas as pl
from jax.experimental.pallas import tpu as pltpu
from jax.experimental.pallas import tpu_sc as plsc

_NUM_EMB = 1024
_EMB_DIM = 256
_GROUP_NUM = 4
_GROUP_DIM = _EMB_DIM // _GROUP_NUM
_CC = 0.25
_DECAY = 0.99
_EPS = 1e-05

_ROWS = 32 * 576
_TILE = 2048
_NTILE = _ROWS // _TILE

_NC = 2
_NS = 16
_NW = _NC * _NS
_RPW = _ROWS // _NW
_CHUNK = 64
_NCHUNK = _RPW // _CHUNK



def _argmin_body(flat_ref, emb_ref, idx_ref, dsum_ref, dwx_ref, *, g):
    f = flat_ref[:, g, :]
    e = emb_ref[...]
    fb = f.astype(jnp.bfloat16)
    eb = e.astype(jnp.bfloat16)
    dot = lax.dot_general(fb, eb, (((1,), (1,)), ((), ())),
                          preferred_element_type=jnp.float32)
    f2 = jnp.sum(f * f, axis=1, keepdims=True)
    e2 = jnp.sum(e * e, axis=1)
    d = f2 + e2[None, :] - 2.0 * dot
    m = jnp.min(d, axis=1, keepdims=True)
    col = lax.broadcasted_iota(jnp.int32, d.shape, 1)
    idx = jnp.min(jnp.where(d == m, col, _NUM_EMB), axis=1)
    idx_ref[...] = idx[None, None, :].astype(jnp.int32)

    row = lax.broadcasted_iota(jnp.int32, (_NUM_EMB, _TILE), 0)
    encT = (row == idx[None, :]).astype(jnp.bfloat16)
    fx = jnp.concatenate(
        [fb, jnp.ones((_TILE, _GROUP_DIM), jnp.bfloat16)], axis=1)
    stat = lax.dot_general(encT, fx, (((1,), (0,)), ((), ())),
                           preferred_element_type=jnp.float32)

    part = jnp.sum(m.reshape(_TILE // 128, 128), axis=0)

    @pl.when(pl.program_id(0) == 0)
    def _init():
        dsum_ref[...] = jnp.zeros_like(dsum_ref)
        dwx_ref[...] = jnp.zeros_like(dwx_ref)

    dsum_ref[...] += part[None, :]
    dwx_ref[...] += stat


def _argmin_call(g, x4, emb):
    return pl.pallas_call(
        functools.partial(_argmin_body, g=g),
        grid=(_NTILE,),
        in_specs=[
            pl.BlockSpec((_TILE, _GROUP_NUM, _GROUP_DIM), lambda i: (i, 0, 0)),
            pl.BlockSpec((_NUM_EMB, _GROUP_DIM), lambda i: (0, 0)),
        ],
        out_specs=[
            pl.BlockSpec((1, 1, _TILE), lambda i: (i, 0, 0)),
            pl.BlockSpec((1, 128), lambda i: (0, 0)),
            pl.BlockSpec((_NUM_EMB, 2 * _GROUP_DIM), lambda i: (0, 0)),
        ],
        out_shape=[
            jax.ShapeDtypeStruct((_NTILE, 1, _TILE), jnp.int32),
            jax.ShapeDtypeStruct((1, 128), jnp.float32),
            jax.ShapeDtypeStruct((_NUM_EMB, 2 * _GROUP_DIM), jnp.float32),
        ],
    )(x4, emb)



def _gather_body(idx_hbm, emb_hbm, quant_hbm, idx_v, qrows, sem):
    c = lax.axis_index("c")
    s = lax.axis_index("s")
    wid = c * _NS + s
    base = pl.multiple_of(wid * _RPW, _RPW)

    pltpu.sync_copy(idx_hbm.at[wid], idx_v)
    cps = [
        pltpu.async_copy(emb_hbm.at[idx_v.at[j]],
                         qrows.at[pl.ds(j * _CHUNK, _CHUNK)], sem)
        for j in range(_NCHUNK)
    ]
    for cp in cps:
        cp.wait()
    pltpu.sync_copy(qrows, quant_hbm.at[pl.ds(base, _RPW)])


@functools.cache
def _gather_kernel():
    return pl.kernel(
        _gather_body,
        out_type=[
            jax.ShapeDtypeStruct((_ROWS, _GROUP_DIM), jnp.float32),
        ],
        mesh=plsc.VectorSubcoreMesh(core_axis_name="c", subcore_axis_name="s",
                                    num_cores=_NC, num_subcores=_NS),
        compiler_params=pltpu.CompilerParams(use_tc_tiling_on_sc=False),
        scratch_types=[
            pltpu.VMEM((_NCHUNK, _CHUNK), jnp.int32),
            pltpu.VMEM((_RPW, _GROUP_DIM), jnp.float32),
            pltpu.SemaphoreType.DMA,
        ],
    )



def _ema_body(dwx_ref, hc_ref, hdw_ref, dsum_ref,
              emb_out, hc_out, hdw_out, stat_ref, *, counter):
    dwx = dwx_ref[...]
    counts = dwx[:, _GROUP_DIM:_GROUP_DIM + 1]
    dw = dwx[:, :_GROUP_DIM]
    hc = hc_ref[...]
    hc_new = hc - (hc - counts) * (1.0 - _DECAY)
    bias = 1.0 - _DECAY ** counter
    avg_c = hc_new / bias
    n = jnp.sum(avg_c)
    upd_c = (avg_c + _EPS) / (n + _NUM_EMB * _EPS) * n

    hdw = hdw_ref[...]
    hdw_new = hdw - (hdw - dw) * (1.0 - _DECAY)
    avg_dw = hdw_new / bias

    emb_out[...] = avg_dw / upd_c
    hc_out[...] = hc_new
    hdw_out[...] = hdw_new

    avg_p = counts / float(_ROWS)
    perp = jnp.exp(-jnp.sum(avg_p * jnp.log(avg_p + 1e-06)))
    loss = _CC * (jnp.sum(dsum_ref[...]) / float(_ROWS * _GROUP_DIM))
    lane = lax.broadcasted_iota(jnp.int32, (1, 128), 1)
    stat_ref[...] = jnp.where(lane == 0, loss,
                              jnp.where(lane == 1, perp, 0.0))


def _ema_call(counter, dwx, hc, hdw, dsum):
    return pl.pallas_call(
        functools.partial(_ema_body, counter=counter),
        out_shape=[
            jax.ShapeDtypeStruct((_NUM_EMB, _GROUP_DIM), jnp.float32),
            jax.ShapeDtypeStruct((_NUM_EMB, 1), jnp.float32),
            jax.ShapeDtypeStruct((_NUM_EMB, _GROUP_DIM), jnp.float32),
            jax.ShapeDtypeStruct((1, 128), jnp.float32),
        ],
    )(dwx, hc, hdw, dsum)


def _stat_body(dwx_ref, dsum_ref, stat_ref):
    counts = dwx_ref[...][:, _GROUP_DIM:_GROUP_DIM + 1]
    avg_p = counts / float(_ROWS)
    perp = jnp.exp(-jnp.sum(avg_p * jnp.log(avg_p + 1e-06)))
    loss = _CC * (jnp.sum(dsum_ref[...]) / float(_ROWS * _GROUP_DIM))
    lane = lax.broadcasted_iota(jnp.int32, (1, 128), 1)
    stat_ref[...] = jnp.where(lane == 0, loss,
                              jnp.where(lane == 1, perp, 0.0))


def _stat_call(dwx, dsum):
    return pl.pallas_call(
        _stat_body,
        out_shape=[jax.ShapeDtypeStruct((1, 128), jnp.float32)],
    )(dwx, dsum)



def kernel(x, embeddings):
    x4 = x.reshape(_ROWS, _GROUP_NUM, _GROUP_DIM)
    emb = embeddings
    hc = jnp.zeros((_NUM_EMB, 1), jnp.float32)
    hdw = jnp.zeros((_NUM_EMB, _GROUP_DIM), jnp.float32)
    quants, stats = [], []
    for g in range(_GROUP_NUM):
        idx3, dsum, dwx = _argmin_call(g, x4, emb)
        idx2 = idx3.reshape(_NW, _NCHUNK, _CHUNK)
        quant = _gather_kernel()(idx2, emb)[0]
        if g == _GROUP_NUM - 1:
            st = _stat_call(dwx, dsum)[0]
        else:
            emb, hc, hdw, st = _ema_call(g + 1, dwx, hc, hdw, dsum)
        quants.append(quant.reshape(32, 576, _GROUP_DIM))
        stats.append(st)
    quantized = jnp.concatenate(quants, axis=-1)
    loss = sum(st[0, 0] for st in stats) / _GROUP_NUM
    perplexity = sum(st[0, 1] for st in stats) / _GROUP_NUM
    return (quantized, loss, perplexity)

# --- scband reference (transcript-rebuilt; emitter-appended) ---
"""Pipeline reference for scband-multi-vector-quantizer-ema-76682346102952 (READ-ONLY COPY).

The authoritative reference and input builder live on the scoring server;
editing this copy changes nothing except your own understanding.
"""

import jax, jax.numpy as jnp
import numpy as np

NUM_EMB = 1024
EMB_DIM = 256
GROUP_NUM = 4
GROUP_DIM = EMB_DIM // GROUP_NUM
CC = 0.25
DECAY = 0.99
EPS = 1e-05


def setup_inputs(seed: int = 0) -> dict:
    key = jax.random.key(seed)
    k1, k2 = jax.random.split(key)
    x = jax.random.normal(k1, (32, 576, 256), dtype=jnp.float32)
    # shared codebook buffer (ModuleList([m] * group_num) aliases ONE module)
    embeddings = jax.random.normal(k2, (NUM_EMB, GROUP_DIM), dtype=jnp.float32)
    return {"x": x, "embeddings": embeddings}


def reference(x, embeddings):
    # NOTE: torch code uses [VectorQuantizerEMA(...)] * group_num, so every group
    # shares the SAME codebook + EMA buffers; updates from group g are seen by g+1.
    emb = embeddings
    hidden_dw = jnp.zeros_like(emb)
    hidden_c = jnp.zeros((NUM_EMB,), jnp.float32)
    q_list, losses, perps = [], [], []
    for g in range(GROUP_NUM):
        block = x[..., g * GROUP_DIM:(g + 1) * GROUP_DIM]
        flat = block.reshape(-1, GROUP_DIM)
        d = jnp.sum(flat ** 2, axis=1, keepdims=True) + jnp.sum(emb ** 2, axis=1) - 2.0 * (flat @ emb.T)
        idx = jnp.argmin(d, axis=1)
        quant = jnp.take(emb, idx, axis=0).reshape(block.shape)
        enc = jax.nn.one_hot(idx, NUM_EMB, dtype=jnp.float32)
        counter = g + 1  # shared EMA module counter increments each call
        hidden_c = hidden_c - (hidden_c - jnp.sum(enc, axis=0)) * (1.0 - DECAY)
        avg_c = hidden_c / (1.0 - DECAY ** counter)
        n = jnp.sum(avg_c)
        upd_c = (avg_c + EPS) / (n + NUM_EMB * EPS) * n
        dw = enc.T @ flat
        hidden_dw = hidden_dw - (hidden_dw - dw) * (1.0 - DECAY)
        avg_dw = hidden_dw / (1.0 - DECAY ** counter)
        new_emb = avg_dw / upd_c[:, None]
        e_loss = jnp.mean((block - quant) ** 2)
        losses.append(CC * e_loss)
        q_st = block + (quant - block)  # straight-through; identical values in fwd
        q_list.append(q_st)
        avg_p = jnp.mean(enc, axis=0)
        perps.append(jnp.exp(-jnp.sum(avg_p * jnp.log(avg_p + 1e-06))))
        emb = new_emb
    quantized = jnp.concatenate(q_list, axis=-1)
    loss = sum(losses) / GROUP_NUM
    perplexity = sum(perps) / GROUP_NUM
    return (quantized, loss, perplexity)

if __name__ == "__main__":
    import jax
    _d = setup_inputs()
    print(jax.jit(kernel)(*tuple(_d.values())))

</pallas_src>

<mosaic_0001>
#map = affine_map<(d0, d1) -> (0, 0, 0)>
#map1 = affine_map<(d0, d1) -> (0, 0)>
module attributes {stable_mosaic.version = 14 : i64} {
  func.func @_gather_body(%arg0: i32, %arg1: i32, %arg2: memref<32x9x64xi32, #tpu.memory_space<hbm>>, %arg3: memref<1024x64xf32, #tpu.memory_space<hbm>>, %arg4: memref<18432x64xf32, #tpu.memory_space<hbm>>, %arg5: memref<9x64xi32, #tpu.memory_space<vmem>>, %arg6: memref<576x64xf32, #tpu.memory_space<vmem>>, %arg7: memref<!tpu.dma_semaphore, #tpu.memory_space<semaphore_mem>>) attributes {dimension_semantics = [#tpu.dimension_semantics<core_parallel>, #tpu.dimension_semantics<subcore_parallel>], iteration_bounds = array<i64: 2, 16>, scalar_prefetch = 0 : i64, scratch_operands = 3 : i64, tpu.core_type = #tpu.core_type<sc_vector_subcore>, window_params = [{transform_indices = #map}, {transform_indices = #map1}, {transform_indices = #map1}]} {
    %mul3A = arith.constant 16 : i32
    %mul3A_0 = arith.muli %arg0, %mul3A : i32
    %add3A = arith.addi %mul3A_0, %arg1 : i32
    %mul3A_1 = arith.constant 576 : i32
    %mul3A_2 = arith.muli %add3A, %mul3A_1 : i32
    %multiple_of3A = tpu.assume_multiple %mul3A_2, 576 : i32
    "tpu.region"() ({
      %run_scoped3A = tpu.sem_alloc : memref<!tpu.dma_semaphore, #tpu.memory_space<semaphore_mem>>
      %dma_start3A_181 = arith.constant 0 : i32
      %dma_start3A_182 = arith.constant 0 : i32
      %dma_start3A_183 = tpu.memref_slice %arg2[%add3A, %dma_start3A_181, %dma_start3A_182] : memref<32x9x64xi32, #tpu.memory_space<hbm>> -> memref<1x9x64xi32, #tpu.memory_space<hbm>>
      %dma_start3A_184 = tpu.memref_squeeze %dma_start3A_183 : memref<1x9x64xi32, #tpu.memory_space<hbm>> -> memref<9x64xi32, #tpu.memory_space<hbm>>
      %dma_start3A_185 = arith.constant 0 : i32
      %dma_start3A_186 = arith.constant 0 : i32
      %dma_start3A_187 = tpu.memref_slice %arg2[%add3A, %dma_start3A_185, %dma_start3A_186] : memref<32x9x64xi32, #tpu.memory_space<hbm>> -> memref<1x9x64xi32, #tpu.memory_space<hbm>>
      %dma_start3A_188 = tpu.memref_squeeze %dma_start3A_187 : memref<1x9x64xi32, #tpu.memory_space<hbm>> -> memref<9x64xi32, #tpu.memory_space<hbm>>
      tpu.enqueue_dma source(%dma_start3A_188 : memref<9x64xi32, #tpu.memory_space<hbm>>) target(%arg5 : memref<9x64xi32, #tpu.memory_space<vmem>>) target_semaphore(%run_scoped3A : memref<!tpu.dma_semaphore, #tpu.memory_space<semaphore_mem>>)
      %dma_wait3A_189 = arith.constant 0 : i32
      %dma_wait3A_190 = arith.constant 0 : i32
      %dma_wait3A_191 = tpu.memref_slice %arg2[%add3A, %dma_wait3A_189, %dma_wait3A_190] : memref<32x9x64xi32, #tpu.memory_space<hbm>> -> memref<1x9x64xi32, #tpu.memory_space<hbm>>
      %dma_wait3A_192 = tpu.memref_squeeze %dma_wait3A_191 : memref<1x9x64xi32, #tpu.memory_space<hbm>> -> memref<9x64xi32, #tpu.memory_space<hbm>>
      %dma_wait3A_193 = arith.constant 0 : i32
      %dma_wait3A_194 = arith.constant 0 : i32
      %dma_wait3A_195 = tpu.memref_slice %arg2[%add3A, %dma_wait3A_193, %dma_wait3A_194] : memref<32x9x64xi32, #tpu.memory_space<hbm>> -> memref<1x9x64xi32, #tpu.memory_space<hbm>>
      %dma_wait3A_196 = tpu.memref_squeeze %dma_wait3A_195 : memref<1x9x64xi32, #tpu.memory_space<hbm>> -> memref<9x64xi32, #tpu.memory_space<hbm>>
      tpu.wait_dma2 semaphore(%run_scoped3A : memref<!tpu.dma_semaphore, #tpu.memory_space<semaphore_mem>>) src(%dma_wait3A_196 : memref<9x64xi32, #tpu.memory_space<hbm>>) dst(%arg5 : memref<9x64xi32, #tpu.memory_space<vmem>>)
      tpu.yield
    }) : () -> ()
    %dma_start3A = arith.constant 0 : i32
    %dma_start3A_3 = arith.constant 0 : i32
    %dma_start3A_4 = arith.constant 0 : i32
    %dma_start3A_5 = tpu.memref_slice %arg6[%dma_start3A_3, %dma_start3A_4] : memref<576x64xf32, #tpu.memory_space<vmem>> -> memref<64x64xf32, #tpu.memory_space<vmem>>
    %dma_start3A_6 = arith.constant 0 : i32
    %dma_start3A_7 = tpu.memref_slice %arg5[%dma_start3A, %dma_start3A_6] : memref<9x64xi32, #tpu.memory_space<vmem>> -> memref<1x64xi32, #tpu.memory_space<vmem>>
    %dma_start3A_8 = tpu.memref_squeeze %dma_start3A_7 : memref<1x64xi32, #tpu.memory_space<vmem>> -> memref<64xi32, #tpu.memory_space<vmem>>
    %dma_start3A_9 = arith.constant 0 : i32
    %dma_start3A_10 = arith.constant 0 : i32
    %dma_start3A_11 = tpu.memref_slice %arg3[%dma_start3A_9, %dma_start3A_10] : memref<1024x64xf32, #tpu.memory_space<hbm>> -> memref<1024x64xf32, #tpu.memory_space<hbm>>
    tpu.enqueue_indirect_dma source(%dma_start3A_11 : memref<1024x64xf32, #tpu.memory_space<hbm>>) target(%dma_start3A_5 : memref<64x64xf32, #tpu.memory_space<vmem>>) offsets(%dma_start3A_8 : memref<64xi32, #tpu.memory_space<vmem>>) semaphore(%arg7 : memref<!tpu.dma_semaphore, #tpu.memory_space<semaphore_mem>>)
    %dma_start3A_12 = arith.constant 1 : i32
    %dma_start3A_13 = arith.constant 64 : i32
    %dma_start3A_14 = arith.constant 0 : i32
    %dma_start3A_15 = tpu.memref_slice %arg6[%dma_start3A_13, %dma_start3A_14] : memref<576x64xf32, #tpu.memory_space<vmem>> -> memref<64x64xf32, #tpu.memory_space<vmem>>
    %dma_start3A_16 = arith.constant 0 : i32
    %dma_start3A_17 = tpu.memref_slice %arg5[%dma_start3A_12, %dma_start3A_16] : memref<9x64xi32, #tpu.memory_space<vmem>> -> memref<1x64xi32, #tpu.memory_space<vmem>>
    %dma_start3A_18 = tpu.memref_squeeze %dma_start3A_17 : memref<1x64xi32, #tpu.memory_space<vmem>> -> memref<64xi32, #tpu.memory_space<vmem>>
    %dma_start3A_19 = arith.constant 0 : i32
    %dma_start3A_20 = arith.constant 0 : i32
    %dma_start3A_21 = tpu.memref_slice %arg3[%dma_start3A_19, %dma_start3A_20] : memref<1024x64xf32, #tpu.memory_space<hbm>> -> memref<1024x64xf32, #tpu.memory_space<hbm>>
    tpu.enqueue_indirect_dma source(%dma_start3A_21 : memref<1024x64xf32, #tpu.memory_space<hbm>>) target(%dma_start3A_15 : memref<64x64xf32, #tpu.memory_space<vmem>>) offsets(%dma_start3A_18 : memref<64xi32, #tpu.memory_space<vmem>>) semaphore(%arg7 : memref<!tpu.dma_semaphore, #tpu.memory_space<semaphore_mem>>)
    %dma_start3A_22 = arith.constant 2 : i32
    %dma_start3A_23 = arith.constant 128 : i32
    %dma_start3A_24 = arith.constant 0 : i32
    %dma_start3A_25 = tpu.memref_slice %arg6[%dma_start3A_23, %dma_start3A_24] : memref<576x64xf32, #tpu.memory_space<vmem>> -> memref<64x64xf32, #tpu.memory_space<vmem>>
    %dma_start3A_26 = arith.constant 0 : i32
    %dma_start3A_27 = tpu.memref_slice %arg5[%dma_start3A_22, %dma_start3A_26] : memref<9x64xi32, #tpu.memory_space<vmem>> -> memref<1x64xi32, #tpu.memory_space<vmem>>
    %dma_start3A_28 = tpu.memref_squeeze %dma_start3A_27 : memref<1x64xi32, #tpu.memory_space<vmem>> -> memref<64xi32, #tpu.memory_space<vmem>>
    %dma_start3A_29 = arith.constant 0 : i32
    %dma_start3A_30 = arith.constant 0 : i32
    %dma_start3A_31 = tpu.memref_slice %arg3[%dma_start3A_29, %dma_start3A_30] : memref<1024x64xf32, #tpu.memory_space<hbm>> -> memref<1024x64xf32, #tpu.memory_space<hbm>>
    tpu.enqueue_indirect_dma source(%dma_start3A_31 : memref<1024x64xf32, #tpu.memory_space<hbm>>) target(%dma_start3A_25 : memref<64x64xf32, #tpu.memory_space<vmem>>) offsets(%dma_start3A_28 : memref<64xi32, #tpu.memory_space<vmem>>) semaphore(%arg7 : memref<!tpu.dma_semaphore, #tpu.memory_space<semaphore_mem>>)
    %dma_start3A_32 = arith.constant 3 : i32
    %dma_start3A_33 = arith.constant 192 : i32
    %dma_start3A_34 = arith.constant 0 : i32
    %dma_start3A_35 = tpu.memref_slice %arg6[%dma_start3A_33, %dma_start3A_34] : memref<576x64xf32, #tpu.memory_space<vmem>> -> memref<64x64xf32, #tpu.memory_space<vmem>>
    %dma_start3A_36 = arith.constant 0 : i32
    %dma_start3A_37 = tpu.memref_slice %arg5[%dma_start3A_32, %dma_start3A_36] : memref<9x64xi32, #tpu.memory_space<vmem>> -> memref<1x64xi32, #tpu.memory_space<vmem>>
    %dma_start3A_38 = tpu.memref_squeeze %dma_start3A_37 : memref<1x64xi32, #tpu.memory_space<vmem>> -> memref<64xi32, #tpu.memory_space<vmem>>
    %dma_start3A_39 = arith.constant 0 : i32
    %dma_start3A_40 = arith.constant 0 : i32
    %dma_start3A_41 = tpu.memref_slice %arg3[%dma_start3A_39, %dma_start3A_40] : memref<1024x64xf32, #tpu.memory_space<hbm>> -> memref<1024x64xf32, #tpu.memory_space<hbm>>
    tpu.enqueue_indirect_dma source(%dma_start3A_41 : memref<1024x64xf32, #tpu.memory_space<hbm>>) target(%dma_start3A_35 : memref<64x64xf32, #tpu.memory_space<vmem>>) offsets(%dma_start3A_38 : memref<64xi32, #tpu.memory_space<vmem>>) semaphore(%arg7 : memref<!tpu.dma_semaphore, #tpu.memory_space<semaphore_mem>>)
    %dma_start3A_42 = arith.constant 4 : i32
    %dma_start3A_43 = arith.constant 256 : i32
    %dma_start3A_44 = arith.constant 0 : i32
    %dma_start3A_45 = tpu.memref_slice %arg6[%dma_start3A_43, %dma_start3A_44] : memref<576x64xf32, #tpu.memory_space<vmem>> -> memref<64x64xf32, #tpu.memory_space<vmem>>
    %dma_start3A_46 = arith.constant 0 : i32
    %dma_start3A_47 = tpu.memref_slice %arg5[%dma_start3A_42, %dma_start3A_46] : memref<9x64xi32, #tpu.memory_space<vmem>> -> memref<1x64xi32, #tpu.memory_space<vmem>>
    %dma_start3A_48 = tpu.memref_squeeze %dma_start3A_47 : memref<1x64xi32, #tpu.memory_space<vmem>> -> memref<64xi32, #tpu.memory_space<vmem>>
    %dma_start3A_49 = arith.constant 0 : i32
    %dma_start3A_50 = arith.constant 0 : i32
    %dma_start3A_51 = tpu.memref_slice %arg3[%dma_start3A_49, %dma_start3A_50] : memref<1024x64xf32, #tpu.memory_space<hbm>> -> memref<1024x64xf32, #tpu.memory_space<hbm>>
    tpu.enqueue_indirect_dma source(%dma_start3A_51 : memref<1024x64xf32, #tpu.memory_space<hbm>>) target(%dma_start3A_45 : memref<64x64xf32, #tpu.memory_space<vmem>>) offsets(%dma_start3A_48 : memref<64xi32, #tpu.memory_space<vmem>>) semaphore(%arg7 : memref<!tpu.dma_semaphore, #tpu.memory_space<semaphore_mem>>)
    %dma_start3A_52 = arith.constant 5 : i32
    %dma_start3A_53 = arith.constant 320 : i32
    %dma_start3A_54 = arith.constant 0 : i32
    %dma_start3A_55 = tpu.memref_slice %arg6[%dma_start3A_53, %dma_start3A_54] : memref<576x64xf32, #tpu.memory_space<vmem>> -> memref<64x64xf32, #tpu.memory_space<vmem>>
    %dma_start3A_56 = arith.constant 0 : i32
    %dma_start3A_57 = tpu.memref_slice %arg5[%dma_start3A_52, %dma_start3A_56] : memref<9x64xi32, #tpu.memory_space<vmem>> -> memref<1x64xi32, #tpu.memory_space<vmem>>
    %dma_start3A_58 = tpu.memref_squeeze %dma_start3A_57 : memref<1x64xi32, #tpu.memory_space<vmem>> -> memref<64xi32, #tpu.memory_space<vmem>>
    %dma_start3A_59 = arith.constant 0 : i32
    %dma_start3A_60 = arith.constant 0 : i32
    %dma_start3A_61 = tpu.memref_slice %arg3[%dma_start3A_59, %dma_start3A_60] : memref<1024x64xf32, #tpu.memory_space<hbm>> -> memref<1024x64xf32, #tpu.memory_space<hbm>>
    tpu.enqueue_indirect_dma source(%dma_start3A_61 : memref<1024x64xf32, #tpu.memory_space<hbm>>) target(%dma_start3A_55 : memref<64x64xf32, #tpu.memory_space<vmem>>) offsets(%dma_start3A_58 : memref<64xi32, #tpu.memory_space<vmem>>) semaphore(%arg7 : memref<!tpu.dma_semaphore, #tpu.memory_space<semaphore_mem>>)
    %dma_start3A_62 = arith.constant 6 : i32
    %dma_start3A_63 = arith.constant 384 : i32
    %dma_start3A_64 = arith.constant 0 : i32
    %dma_start3A_65 = tpu.memref_slice %arg6[%dma_start3A_63, %dma_start3A_64] : memref<576x64xf32, #tpu.memory_space<vmem>> -> memref<64x64xf32, #tpu.memory_space<vmem>>
    %dma_start3A_66 = arith.constant 0 : i32
    %dma_start3A_67 = tpu.memref_slice %arg5[%dma_start3A_62, %dma_start3A_66] : memref<9x64xi32, #tpu.memory_space<vmem>> -> memref<1x64xi32, #tpu.memory_space<vmem>>
    %dma_start3A_68 = tpu.memref_squeeze %dma_start3A_67 : memref<1x64xi32, #tpu.memory_space<vmem>> -> memref<64xi32, #tpu.memory_space<vmem>>
    %dma_start3A_69 = arith.constant 0 : i32
    %dma_start3A_70 = arith.constant 0 : i32
    %dma_start3A_71 = tpu.memref_slice %arg3[%dma_start3A_69, %dma_start3A_70] : memref<1024x64xf32, #tpu.memory_space<hbm>> -> memref<1024x64xf32, #tpu.memory_space<hbm>>
    tpu.enqueue_indirect_dma source(%dma_start3A_71 : memref<1024x64xf32, #tpu.memory_space<hbm>>) target(%dma_start3A_65 : memref<64x64xf32, #tpu.memory_space<vmem>>) offsets(%dma_start3A_68 : memref<64xi32, #tpu.memory_space<vmem>>) semaphore(%arg7 : memref<!tpu.dma_semaphore, #tpu.memory_space<semaphore_mem>>)
    %dma_start3A_72 = arith.constant 7 : i32
    %dma_start3A_73 = arith.constant 448 : i32
    %dma_start3A_74 = arith.constant 0 : i32
    %dma_start3A_75 = tpu.memref_slice %arg6[%dma_start3A_73, %dma_start3A_74] : memref<576x64xf32, #tpu.memory_space<vmem>> -> memref<64x64xf32, #tpu.memory_space<vmem>>
    %dma_start3A_76 = arith.constant 0 : i32
    %dma_start3A_77 = tpu.memref_slice %arg5[%dma_start3A_72, %dma_start3A_76] : memref<9x64xi32, #tpu.memory_space<vmem>> -> memref<1x64xi32, #tpu.memory_space<vmem>>
    %dma_start3A_78 = tpu.memref_squeeze %dma_start3A_77 : memref<1x64xi32, #tpu.memory_space<vmem>> -> memref<64xi32, #tpu.memory_space<vmem>>
    %dma_start3A_79 = arith.constant 0 : i32
    %dma_start3A_80 = arith.constant 0 : i32
    %dma_start3A_81 = tpu.memref_slice %arg3[%dma_start3A_79, %dma_start3A_80] : memref<1024x64xf32, #tpu.memory_space<hbm>> -> memref<1024x64xf32, #tpu.memory_space<hbm>>
    tpu.enqueue_indirect_dma source(%dma_start3A_81 : memref<1024x64xf32, #tpu.memory_space<hbm>>) target(%dma_start3A_75 : memref<64x64xf32, #tpu.memory_space<vmem>>) offsets(%dma_start3A_78 : memref<64xi32, #tpu.memory_space<vmem>>) semaphore(%arg7 : memref<!tpu.dma_semaphore, #tpu.memory_space<semaphore_mem>>)
    %dma_start3A_82 = arith.constant 8 : i32
    %dma_start3A_83 = arith.constant 512 : i32
    %dma_start3A_84 = arith.constant 0 : i32
    %dma_start3A_85 = tpu.memref_slice %arg6[%dma_start3A_83, %dma_start3A_84] : memref<576x64xf32, #tpu.memory_space<vmem>> -> memref<64x64xf32, #tpu.memory_space<vmem>>
    %dma_start3A_86 = arith.constant 0 : i32
    %dma_start3A_87 = tpu.memref_slice %arg5[%dma_start3A_82, %dma_start3A_86] : memref<9x64xi32, #tpu.memory_space<vmem>> -> memref<1x64xi32, #tpu.memory_space<vmem>>
    %dma_start3A_88 = tpu.memref_squeeze %dma_start3A_87 : memref<1x64xi32, #tpu.memory_space<vmem>> -> memref<64xi32, #tpu.memory_space<vmem>>
    %dma_start3A_89 = arith.constant 0 : i32
    %dma_start3A_90 = arith.constant 0 : i32
    %dma_start3A_91 = tpu.memref_slice %arg3[%dma_start3A_89, %dma_start3A_90] : memref<1024x64xf32, #tpu.memory_space<hbm>> -> memref<1024x64xf32, #tpu.memory_space<hbm>>
    tpu.enqueue_indirect_dma source(%dma_start3A_91 : memref<1024x64xf32, #tpu.memory_space<hbm>>) target(%dma_start3A_85 : memref<64x64xf32, #tpu.memory_space<vmem>>) offsets(%dma_start3A_88 : memref<64xi32, #tpu.memory_space<vmem>>) semaphore(%arg7 : memref<!tpu.dma_semaphore, #tpu.memory_space<semaphore_mem>>)
    %dma_wait3A = arith.constant 0 : i32
    %dma_wait3A_92 = arith.constant 0 : i32
    %dma_wait3A_93 = arith.constant 0 : i32
    %dma_wait3A_94 = tpu.memref_slice %arg6[%dma_wait3A_92, %dma_wait3A_93] : memref<576x64xf32, #tpu.memory_space<vmem>> -> memref<64x64xf32, #tpu.memory_space<vmem>>
    %dma_wait3A_95 = arith.constant 0 : i32
    %dma_wait3A_96 = tpu.memref_slice %arg5[%dma_wait3A, %dma_wait3A_95] : memref<9x64xi32, #tpu.memory_space<vmem>> -> memref<1x64xi32, #tpu.memory_space<vmem>>
    %dma_wait3A_97 = tpu.memref_squeeze %dma_wait3A_96 : memref<1x64xi32, #tpu.memory_space<vmem>> -> memref<64xi32, #tpu.memory_space<vmem>>
    %dma_wait3A_98 = arith.constant 0 : i32
    %dma_wait3A_99 = arith.constant 0 : i32
    %dma_wait3A_100 = tpu.memref_slice %arg3[%dma_wait3A_98, %dma_wait3A_99] : memref<1024x64xf32, #tpu.memory_space<hbm>> -> memref<1024x64xf32, #tpu.memory_space<hbm>>
    tpu.wait_indirect_dma semaphore(%arg7 : memref<!tpu.dma_semaphore, #tpu.memory_space<semaphore_mem>>) src(%dma_wait3A_100 : memref<1024x64xf32, #tpu.memory_space<hbm>>) dst(%dma_wait3A_94 : memref<64x64xf32, #tpu.memory_space<vmem>>)
    %dma_wait3A_101 = arith.constant 1 : i32
    %dma_wait3A_102 = arith.constant 64 : i32
    %dma_wait3A_103 = arith.constant 0 : i32
    %dma_wait3A_104 = tpu.memref_slice %arg6[%dma_wait3A_102, %dma_wait3A_103] : memref<576x64xf32, #tpu.memory_space<vmem>> -> memref<64x64xf32, #tpu.memory_space<vmem>>
    %dma_wait3A_105 = arith.constant 0 : i32
    %dma_wait3A_106 = tpu.memref_slice %arg5[%dma_wait3A_101, %dma_wait3A_105] : memref<9x64xi32, #tpu.memory_space<vmem>> -> memref<1x64xi32, #tpu.memory_space<vmem>>
    %dma_wait3A_107 = tpu.memref_squeeze %dma_wait3A_106 : memref<1x64xi32, #tpu.memory_space<vmem>> -> memref<64xi32, #tpu.memory_space<vmem>>
    %dma_wait3A_108 = arith.constant 0 : i32
    %dma_wait3A_109 = arith.constant 0 : i32
    %dma_wait3A_110 = tpu.memref_slice %arg3[%dma_wait3A_108, %dma_wait3A_109] : memref<1024x64xf32, #tpu.memory_space<hbm>> -> memref<1024x64xf32, #tpu.memory_space<hbm>>
    tpu.wait_indirect_dma semaphore(%arg7 : memref<!tpu.dma_semaphore, #tpu.memory_space<semaphore_mem>>) src(%dma_wait3A_110 : memref<1024x64xf32, #tpu.memory_space<hbm>>) dst(%dma_wait3A_104 : memref<64x64xf32, #tpu.memory_space<vmem>>)
    %dma_wait3A_111 = arith.constant 2 : i32
    %dma_wait3A_112 = arith.constant 128 : i32
    %dma_wait3A_113 = arith.constant 0 : i32
    %dma_wait3A_114 = tpu.memref_slice %arg6[%dma_wait3A_112, %dma_wait3A_113] : memref<576x64xf32, #tpu.memory_space<vmem>> -> memref<64x64xf32, #tpu.memory_space<vmem>>
    %dma_wait3A_115 = arith.constant 0 : i32
    %dma_wait3A_116 = tpu.memref_slice %arg5[%dma_wait3A_111, %dma_wait3A_115] : memref<9x64xi32, #tpu.memory_space<vmem>> -> memref<1x64xi32, #tpu.memory_space<vmem>>
    %dma_wait3A_117 = tpu.memref_squeeze %dma_wait3A_116 : memref<1x64xi32, #tpu.memory_space<vmem>> -> memref<64xi32, #tpu.memory_space<vmem>>
    %dma_wait3A_118 = arith.constant 0 : i32
    %dma_wait3A_119 = arith.constant 0 : i32
    %dma_wait3A_120 = tpu.memref_slice %arg3[%dma_wait3A_118, %dma_wait3A_119] : memref<1024x64xf32, #tpu.memory_space<hbm>> -> memref<1024x64xf32, #tpu.memory_space<hbm>>
    tpu.wait_indirect_dma semaphore(%arg7 : memref<!tpu.dma_semaphore, #tpu.memory_space<semaphore_mem>>) src(%dma_wait3A_120 : memref<1024x64xf32, #tpu.memory_space<hbm>>) dst(%dma_wait3A_114 : memref<64x64xf32, #tpu.memory_space<vmem>>)
    %dma_wait3A_121 = arith.constant 3 : i32
    %dma_wait3A_122 = arith.constant 192 : i32
    %dma_wait3A_123 = arith.constant 0 : i32
    %dma_wait3A_124 = tpu.memref_slice %arg6[%dma_wait3A_122, %dma_wait3A_123] : memref<576x64xf32, #tpu.memory_space<vmem>> -> memref<64x64xf32, #tpu.memory_space<vmem>>
    %dma_wait3A_125 = arith.constant 0 : i32
    %dma_wait3A_126 = tpu.memref_slice %arg5[%dma_wait3A_121, %dma_wait3A_125] : memref<9x64xi32, #tpu.memory_space<vmem>> -> memref<1x64xi32, #tpu.memory_space<vmem>>
    %dma_wait3A_127 = tpu.memref_squeeze %dma_wait3A_126 : memref<1x64xi32, #tpu.memory_space<vmem>> -> memref<64xi32, #tpu.memory_space<vmem>>
    %dma_wait3A_128 = arith.constant 0 : i32
    %dma_wait3A_129 = arith.constant 0 : i32
    %dma_wait3A_130 = tpu.memref_slice %arg3[%dma_wait3A_128, %dma_wait3A_129] : memref<1024x64xf32, #tpu.memory_space<hbm>> -> memref<1024x64xf32, #tpu.memory_space<hbm>>
    tpu.wait_indirect_dma semaphore(%arg7 : memref<!tpu.dma_semaphore, #tpu.memory_space<semaphore_mem>>) src(%dma_wait3A_130 : memref<1024x64xf32, #tpu.memory_space<hbm>>) dst(%dma_wait3A_124 : memref<64x64xf32, #tpu.memory_space<vmem>>)
    %dma_wait3A_131 = arith.constant 4 : i32
    %dma_wait3A_132 = arith.constant 256 : i32
    %dma_wait3A_133 = arith.constant 0 : i32
    %dma_wait3A_134 = tpu.memref_slice %arg6[%dma_wait3A_132, %dma_wait3A_133] : memref<576x64xf32, #tpu.memory_space<vmem>> -> memref<64x64xf32, #tpu.memory_space<vmem>>
    %dma_wait3A_135 = arith.constant 0 : i32
    %dma_wait3A_136 = tpu.memref_slice %arg5[%dma_wait3A_131, %dma_wait3A_135] : memref<9x64xi32, #tpu.memory_space<vmem>> -> memref<1x64xi32, #tpu.memory_space<vmem>>
    %dma_wait3A_137 = tpu.memref_squeeze %dma_wait3A_136 : memref<1x64xi32, #tpu.memory_space<vmem>> -> memref<64xi32, #tpu.memory_space<vmem>>
    %dma_wait3A_138 = arith.constant 0 : i32
    %dma_wait3A_139 = arith.constant 0 : i32
    %dma_wait3A_140 = tpu.memref_slice %arg3[%dma_wait3A_138, %dma_wait3A_139] : memref<1024x64xf32, #tpu.memory_space<hbm>> -> memref<1024x64xf32, #tpu.memory_space<hbm>>
    tpu.wait_indirect_dma semaphore(%arg7 : memref<!tpu.dma_semaphore, #tpu.memory_space<semaphore_mem>>) src(%dma_wait3A_140 : memref<1024x64xf32, #tpu.memory_space<hbm>>) dst(%dma_wait3A_134 : memref<64x64xf32, #tpu.memory_space<vmem>>)
    %dma_wait3A_141 = arith.constant 5 : i32
    %dma_wait3A_142 = arith.constant 320 : i32
    %dma_wait3A_143 = arith.constant 0 : i32
    %dma_wait3A_144 = tpu.memref_slice %arg6[%dma_wait3A_142, %dma_wait3A_143] : memref<576x64xf32, #tpu.memory_space<vmem>> -> memref<64x64xf32, #tpu.memory_space<vmem>>
    %dma_wait3A_145 = arith.constant 0 : i32
    %dma_wait3A_146 = tpu.memref_slice %arg5[%dma_wait3A_141, %dma_wait3A_145] : memref<9x64xi32, #tpu.memory_space<vmem>> -> memref<1x64xi32, #tpu.memory_space<vmem>>
    %dma_wait3A_147 = tpu.memref_squeeze %dma_wait3A_146 : memref<1x64xi32, #tpu.memory_space<vmem>> -> memref<64xi32, #tpu.memory_space<vmem>>
    %dma_wait3A_148 = arith.constant 0 : i32
    %dma_wait3A_149 = arith.constant 0 : i32
    %dma_wait3A_150 = tpu.memref_slice %arg3[%dma_wait3A_148, %dma_wait3A_149] : memref<1024x64xf32, #tpu.memory_space<hbm>> -> memref<1024x64xf32, #tpu.memory_space<hbm>>
    tpu.wait_indirect_dma semaphore(%arg7 : memref<!tpu.dma_semaphore, #tpu.memory_space<semaphore_mem>>) src(%dma_wait3A_150 : memref<1024x64xf32, #tpu.memory_space<hbm>>) dst(%dma_wait3A_144 : memref<64x64xf32, #tpu.memory_space<vmem>>)
    %dma_wait3A_151 = arith.constant 6 : i32
    %dma_wait3A_152 = arith.constant 384 : i32
    %dma_wait3A_153 = arith.constant 0 : i32
    %dma_wait3A_154 = tpu.memref_slice %arg6[%dma_wait3A_152, %dma_wait3A_153] : memref<576x64xf32, #tpu.memory_space<vmem>> -> memref<64x64xf32, #tpu.memory_space<vmem>>
    %dma_wait3A_155 = arith.constant 0 : i32
    %dma_wait3A_156 = tpu.memref_slice %arg5[%dma_wait3A_151, %dma_wait3A_155] : memref<9x64xi32, #tpu.memory_space<vmem>> -> memref<1x64xi32, #tpu.memory_space<vmem>>
    %dma_wait3A_157 = tpu.memref_squeeze %dma_wait3A_156 : memref<1x64xi32, #tpu.memory_space<vmem>> -> memref<64xi32, #tpu.memory_space<vmem>>
    %dma_wait3A_158 = arith.constant 0 : i32
    %dma_wait3A_159 = arith.constant 0 : i32
    %dma_wait3A_160 = tpu.memref_slice %arg3[%dma_wait3A_158, %dma_wait3A_159] : memref<1024x64xf32, #tpu.memory_space<hbm>> -> memref<1024x64xf32, #tpu.memory_space<hbm>>
    tpu.wait_indirect_dma semaphore(%arg7 : memref<!tpu.dma_semaphore, #tpu.memory_space<semaphore_mem>>) src(%dma_wait3A_160 : memref<1024x64xf32, #tpu.memory_space<hbm>>) dst(%dma_wait3A_154 : memref<64x64xf32, #tpu.memory_space<vmem>>)
    %dma_wait3A_161 = arith.constant 7 : i32
    %dma_wait3A_162 = arith.constant 448 : i32
    %dma_wait3A_163 = arith.constant 0 : i32
    %dma_wait3A_164 = tpu.memref_slice %arg6[%dma_wait3A_162, %dma_wait3A_163] : memref<576x64xf32, #tpu.memory_space<vmem>> -> memref<64x64xf32, #tpu.memory_space<vmem>>
    %dma_wait3A_165 = arith.constant 0 : i32
    %dma_wait3A_166 = tpu.memref_slice %arg5[%dma_wait3A_161, %dma_wait3A_165] : memref<9x64xi32, #tpu.memory_space<vmem>> -> memref<1x64xi32, #tpu.memory_space<vmem>>
    %dma_wait3A_167 = tpu.memref_squeeze %dma_wait3A_166 : memref<1x64xi32, #tpu.memory_space<vmem>> -> memref<64xi32, #tpu.memory_space<vmem>>
    %dma_wait3A_168 = arith.constant 0 : i32
    %dma_wait3A_169 = arith.constant 0 : i32
    %dma_wait3A_170 = tpu.memref_slice %arg3[%dma_wait3A_168, %dma_wait3A_169] : memref<1024x64xf32, #tpu.memory_space<hbm>> -> memref<1024x64xf32, #tpu.memory_space<hbm>>
    tpu.wait_indirect_dma semaphore(%arg7 : memref<!tpu.dma_semaphore, #tpu.memory_space<semaphore_mem>>) src(%dma_wait3A_170 : memref<1024x64xf32, #tpu.memory_space<hbm>>) dst(%dma_wait3A_164 : memref<64x64xf32, #tpu.memory_space<vmem>>)
    %dma_wait3A_171 = arith.constant 8 : i32
    %dma_wait3A_172 = arith.constant 512 : i32
    %dma_wait3A_173 = arith.constant 0 : i32
    %dma_wait3A_174 = tpu.memref_slice %arg6[%dma_wait3A_172, %dma_wait3A_173] : memref<576x64xf32, #tpu.memory_space<vmem>> -> memref<64x64xf32, #tpu.memory_space<vmem>>
    %dma_wait3A_175 = arith.constant 0 : i32
    %dma_wait3A_176 = tpu.memref_slice %arg5[%dma_wait3A_171, %dma_wait3A_175] : memref<9x64xi32, #tpu.memory_space<vmem>> -> memref<1x64xi32, #tpu.memory_space<vmem>>
    %dma_wait3A_177 = tpu.memref_squeeze %dma_wait3A_176 : memref<1x64xi32, #tpu.memory_space<vmem>> -> memref<64xi32, #tpu.memory_space<vmem>>
    %dma_wait3A_178 = arith.constant 0 : i32
    %dma_wait3A_179 = arith.constant 0 : i32
    %dma_wait3A_180 = tpu.memref_slice %arg3[%dma_wait3A_178, %dma_wait3A_179] : memref<1024x64xf32, #tpu.memory_space<hbm>> -> memref<1024x64xf32, #tpu.memory_space<hbm>>
    tpu.wait_indirect_dma semaphore(%arg7 : memref<!tpu.dma_semaphore, #tpu.memory_space<semaphore_mem>>) src(%dma_wait3A_180 : memref<1024x64xf32, #tpu.memory_space<hbm>>) dst(%dma_wait3A_174 : memref<64x64xf32, #tpu.memory_space<vmem>>)
    "tpu.region"() ({
      %run_scoped3A = tpu.sem_alloc : memref<!tpu.dma_semaphore, #tpu.memory_space<semaphore_mem>>
      %dma_start3A_181 = arith.constant 0 : i32
      %dma_start3A_182 = tpu.memref_slice %arg4[%multiple_of3A, %dma_start3A_181] : memref<18432x64xf32, #tpu.memory_space<hbm>> -> memref<576x64xf32, #tpu.memory_space<hbm>>
      %dma_start3A_183 = arith.constant 0 : i32
      %dma_start3A_184 = tpu.memref_slice %arg4[%multiple_of3A, %dma_start3A_183] : memref<18432x64xf32, #tpu.memory_space<hbm>> -> memref<576x64xf32, #tpu.memory_space<hbm>>
      tpu.enqueue_dma source(%arg6 : memref<576x64xf32, #tpu.memory_space<vmem>>) target(%dma_start3A_184 : memref<576x64xf32, #tpu.memory_space<hbm>>) target_semaphore(%run_scoped3A : memref<!tpu.dma_semaphore, #tpu.memory_space<semaphore_mem>>)
      %dma_wait3A_185 = arith.constant 0 : i32
      %dma_wait3A_186 = tpu.memref_slice %arg4[%multiple_of3A, %dma_wait3A_185] : memref<18432x64xf32, #tpu.memory_space<hbm>> -> memref<576x64xf32, #tpu.memory_space<hbm>>
      %dma_wait3A_187 = arith.constant 0 : i32
      %dma_wait3A_188 = tpu.memref_slice %arg4[%multiple_of3A, %dma_wait3A_187] : memref<18432x64xf32, #tpu.memory_space<hbm>> -> memref<576x64xf32, #tpu.memory_space<hbm>>
      tpu.wait_dma2 semaphore(%run_scoped3A : memref<!tpu.dma_semaphore, #tpu.memory_space<semaphore_mem>>) src(%arg6 : memref<576x64xf32, #tpu.memory_space<vmem>>) dst(%dma_wait3A_188 : memref<576x64xf32, #tpu.memory_space<hbm>>)
      tpu.yield
    }) : () -> ()
    return
  }
}

#map = affine_map<(d0, d1) -> (0, 0, 0)>
#map1 = affine_map<(d0, d1) -> (0, 0)>
module attributes {stable_mosaic.version = 14 : i64} {
  func.func @_gather_body(%arg0: i32, %arg1: i32, %arg2: memref<32x9x64xi32, #tpu.memory_space<hbm>>, %arg3: memref<1024x64xf32, #tpu.memory_space<hbm>>, %arg4: memref<18432x64xf32, #tpu.memory_space<hbm>>, %arg5: memref<9x64xi32, #tpu.memory_space<vmem>>, %arg6: memref<576x64xf32, #tpu.memory_space<vmem>>, %arg7: memref<!tpu.dma_semaphore, #tpu.memory_space<semaphore_mem>>) attributes {dimension_semantics = [#tpu.dimension_semantics<core_parallel>, #tpu.dimension_semantics<subcore_parallel>], iteration_bounds = array<i64: 2, 16>, scalar_prefetch = 0 : i64, scratch_operands = 3 : i64, tpu.core_type = #tpu.core_type<sc_vector_subcore>, window_params = [{transform_indices = #map}, {transform_indices = #map1}, {transform_indices = #map1}]} {
    %mul3A = arith.constant 16 : i32
    %mul3A_0 = arith.muli %arg0, %mul3A : i32
    %add3A = arith.addi %mul3A_0, %arg1 : i32
    %mul3A_1 = arith.constant 576 : i32
    %mul3A_2 = arith.muli %add3A, %mul3A_1 : i32
    %multiple_of3A = tpu.assume_multiple %mul3A_2, 576 : i32
    "tpu.region"() ({
      %run_scoped3A = tpu.sem_alloc : memref<!tpu.dma_semaphore, #tpu.memory_space<semaphore_mem>>
      %dma_start3A_181 = arith.constant 0 : i32
      %dma_start3A_182 = arith.constant 0 : i32
      %dma_start3A_183 = tpu.memref_slice %arg2[%add3A, %dma_start3A_181, %dma_start3A_182] : memref<32x9x64xi32, #tpu.memory_space<hbm>> -> memref<1x9x64xi32, #tpu.memory_space<hbm>>
      %dma_start3A_184 = tpu.memref_squeeze %dma_start3A_183 : memref<1x9x64xi32, #tpu.memory_space<hbm>> -> memref<9x64xi32, #tpu.memory_space<hbm>>
      %dma_start3A_185 = arith.constant 0 : i32
      %dma_start3A_186 = arith.constant 0 : i32
      %dma_start3A_187 = tpu.memref_slice %arg2[%add3A, %dma_start3A_185, %dma_start3A_186] : memref<32x9x64xi32, #tpu.memory_space<hbm>> -> memref<1x9x64xi32, #tpu.memory_space<hbm>>
      %dma_start3A_188 = tpu.memref_squeeze %dma_start3A_187 : memref<1x9x64xi32, #tpu.memory_space<hbm>> -> memref<9x64xi32, #tpu.memory_space<hbm>>
      tpu.enqueue_dma source(%dma_start3A_188 : memref<9x64xi32, #tpu.memory_space<hbm>>) target(%arg5 : memref<9x64xi32, #tpu.memory_space<vmem>>) target_semaphore(%run_scoped3A : memref<!tpu.dma_semaphore, #tpu.memory_space<semaphore_mem>>)
      %dma_wait3A_189 = arith.constant 0 : i32
      %dma_wait3A_190 = arith.constant 0 : i32
      %dma_wait3A_191 = tpu.memref_slice %arg2[%add3A, %dma_wait3A_189, %dma_wait3A_190] : memref<32x9x64xi32, #tpu.memory_space<hbm>> -> memref<1x9x64xi32, #tpu.memory_space<hbm>>
      %dma_wait3A_192 = tpu.memref_squeeze %dma_wait3A_191 : memref<1x9x64xi32, #tpu.memory_space<hbm>> -> memref<9x64xi32, #tpu.memory_space<hbm>>
      %dma_wait3A_193 = arith.constant 0 : i32
      %dma_wait3A_194 = arith.constant 0 : i32
      %dma_wait3A_195 = tpu.memref_slice %arg2[%add3A, %dma_wait3A_193, %dma_wait3A_194] : memref<32x9x64xi32, #tpu.memory_space<hbm>> -> memref<1x9x64xi32, #tpu.memory_space<hbm>>
      %dma_wait3A_196 = tpu.memref_squeeze %dma_wait3A_195 : memref<1x9x64xi32, #tpu.memory_space<hbm>> -> memref<9x64xi32, #tpu.memory_space<hbm>>
      tpu.wait_dma2 semaphore(%run_scoped3A : memref<!tpu.dma_semaphore, #tpu.memory_space<semaphore_mem>>) src(%dma_wait3A_196 : memref<9x64xi32, #tpu.memory_space<hbm>>) dst(%arg5 : memref<9x64xi32, #tpu.memory_space<vmem>>)
      tpu.yield
    }) : () -> ()
    %dma_start3A = arith.constant 0 : i32
    %dma_start3A_3 = arith.constant 0 : i32
    %dma_start3A_4 = arith.constant 0 : i32
    %dma_start3A_5 = tpu.memref_slice %arg6[%dma_start3A_3, %dma_start3A_4] : memref<576x64xf32, #tpu.memory_space<vmem>> -> memref<64x64xf32, #tpu.memory_space<vmem>>
    %dma_start3A_6 = arith.constant 0 : i32
    %dma_start3A_7 = tpu.memref_slice %arg5[%dma_start3A, %dma_start3A_6] : memref<9x64xi32, #tpu.memory_space<vmem>> -> memref<1x64xi32, #tpu.memory_space<vmem>>
    %dma_start3A_8 = tpu.memref_squeeze %dma_start3A_7 : memref<1x64xi32, #tpu.memory_space<vmem>> -> memref<64xi32, #tpu.memory_space<vmem>>
    %dma_start3A_9 = arith.constant 0 : i32
    %dma_start3A_10 = arith.constant 0 : i32
    %dma_start3A_11 = tpu.memref_slice %arg3[%dma_start3A_9, %dma_start3A_10] : memref<1024x64xf32, #tpu.memory_space<hbm>> -> memref<1024x64xf32, #tpu.memory_space<hbm>>
    tpu.enqueue_indirect_dma source(%dma_start3A_11 : memref<1024x64xf32, #tpu.memory_space<hbm>>) target(%dma_start3A_5 : memref<64x64xf32, #tpu.memory_space<vmem>>) offsets(%dma_start3A_8 : memref<64xi32, #tpu.memory_space<vmem>>) semaphore(%arg7 : memref<!tpu.dma_semaphore, #tpu.memory_space<semaphore_mem>>)
    %dma_start3A_12 = arith.constant 1 : i32
    %dma_start3A_13 = arith.constant 64 : i32
    %dma_start3A_14 = arith.constant 0 : i32
    %dma_start3A_15 = tpu.memref_slice %arg6[%dma_start3A_13, %dma_start3A_14] : memref<576x64xf32, #tpu.memory_space<vmem>> -> memref<64x64xf32, #tpu.memory_space<vmem>>
    %dma_start3A_16 = arith.constant 0 : i32
    %dma_start3A_17 = tpu.memref_slice %arg5[%dma_start3A_12, %dma_start3A_16] : memref<9x64xi32, #tpu.memory_space<vmem>> -> memref<1x64xi32, #tpu.memory_space<vmem>>
    %dma_start3A_18 = tpu.memref_squeeze %dma_start3A_17 : memref<1x64xi32, #tpu.memory_space<vmem>> -> memref<64xi32, #tpu.memory_space<vmem>>
    %dma_start3A_19 = arith.constant 0 : i32
    %dma_start3A_20 = arith.constant 0 : i32
    %dma_start3A_21 = tpu.memref_slice %arg3[%dma_start3A_19, %dma_start3A_20] : memref<1024x64xf32, #tpu.memory_space<hbm>> -> memref<1024x64xf32, #tpu.memory_space<hbm>>
    tpu.enqueue_indirect_dma source(%dma_start3A_21 : memref<1024x64xf32, #tpu.memory_space<hbm>>) target(%dma_start3A_15 : memref<64x64xf32, #tpu.memory_space<vmem>>) offsets(%dma_start3A_18 : memref<64xi32, #tpu.memory_space<vmem>>) semaphore(%arg7 : memref<!tpu.dma_semaphore, #tpu.memory_space<semaphore_mem>>)
    %dma_start3A_22 = arith.constant 2 : i32
    %dma_start3A_23 = arith.constant 128 : i32
    %dma_start3A_24 = arith.constant 0 : i32
    %dma_start3A_25 = tpu.memref_slice %arg6[%dma_start3A_23, %dma_start3A_24] : memref<576x64xf32, #tpu.memory_space<vmem>> -> memref<64x64xf32, #tpu.memory_space<vmem>>
    %dma_start3A_26 = arith.constant 0 : i32
    %dma_start3A_27 = tpu.memref_slice %arg5[%dma_start3A_22, %dma_start3A_26] : memref<9x64xi32, #tpu.memory_space<vmem>> -> memref<1x64xi32, #tpu.memory_space<vmem>>
    %dma_start3A_28 = tpu.memref_squeeze %dma_start3A_27 : memref<1x64xi32, #tpu.memory_space<vmem>> -> memref<64xi32, #tpu.memory_space<vmem>>
    %dma_start3A_29 = arith.constant 0 : i32
    %dma_start3A_30 = arith.constant 0 : i32
    %dma_start3A_31 = tpu.memref_slice %arg3[%dma_start3A_29, %dma_start3A_30] : memref<1024x64xf32, #tpu.memory_space<hbm>> -> memref<1024x64xf32, #tpu.memory_space<hbm>>
    tpu.enqueue_indirect_dma source(%dma_start3A_31 : memref<1024x64xf32, #tpu.memory_space<hbm>>) target(%dma_start3A_25 : memref<64x64xf32, #tpu.memory_space<vmem>>) offsets(%dma_start3A_28 : memref<64xi32, #tpu.memory_space<vmem>>) semaphore(%arg7 : memref<!tpu.dma_semaphore, #tpu.memory_space<semaphore_mem>>)
    %dma_start3A_32 = arith.constant 3 : i32
    %dma_start3A_33 = arith.constant 192 : i32
    %dma_start3A_34 = arith.constant 0 : i32
    %dma_start3A_35 = tpu.memref_slice %arg6[%dma_start3A_33, %dma_start3A_34] : memref<576x64xf32, #tpu.memory_space<vmem>> -> memref<64x64xf32, #tpu.memory_space<vmem>>
    %dma_start3A_36 = arith.constant 0 : i32
    %dma_start3A_37 = tpu.memref_slice %arg5[%dma_start3A_32, %dma_start3A_36] : memref<9x64xi32, #tpu.memory_space<vmem>> -> memref<1x64xi32, #tpu.memory_space<vmem>>
    %dma_start3A_38 = tpu.memref_squeeze %dma_start3A_37 : memref<1x64xi32, #tpu.memory_space<vmem>> -> memref<64xi32, #tpu.memory_space<vmem>>
    %dma_start3A_39 = arith.constant 0 : i32
    %dma_start3A_40 = arith.constant 0 : i32
    %dma_start3A_41 = tpu.memref_slice %arg3[%dma_start3A_39, %dma_start3A_40] : memref<1024x64xf32, #tpu.memory_space<hbm>> -> memref<1024x64xf32, #tpu.memory_space<hbm>>
    tpu.enqueue_indirect_dma source(%dma_start3A_41 : memref<1024x64xf32, #tpu.memory_space<hbm>>) target(%dma_start3A_35 : memref<64x64xf32, #tpu.memory_space<vmem>>) offsets(%dma_start3A_38 : memref<64xi32, #tpu.memory_space<vmem>>) semaphore(%arg7 : memref<!tpu.dma_semaphore, #tpu.memory_space<semaphore_mem>>)
    %dma_start3A_42 = arith.constant 4 : i32
    %dma_start3A_43 = arith.constant 256 : i32
    %dma_start3A_44 = arith.constant 0 : i32
    %dma_start3A_45 = tpu.memref_slice %arg6[%dma_start3A_43, %dma_start3A_44] : memref<576x64xf32, #tpu.memory_space<vmem>> -> memref<64x64xf32, #tpu.memory_space<vmem>>
    %dma_start3A_46 = arith.constant 0 : i32
    %dma_start3A_47 = tpu.memref_slice %arg5[%dma_start3A_42, %dma_start3A_46] : memref<9x64xi32, #tpu.memory_space<vmem>> -> memref<1x64xi32, #tpu.memory_space<vmem>>
    %dma_start3A_48 = tpu.memref_squeeze %dma_start3A_47 : memref<1x64xi32, #tpu.memory_space<vmem>> -> memref<64xi32, #tpu.memory_space<vmem>>
    %dma_start3A_49 = arith.constant 0 : i32
    %dma_start3A_50 = arith.constant 0 : i32
    %dma_start3A_51 = tpu.memref_slice %arg3[%dma_start3A_49, %dma_start3A_50] : memref<1024x64xf32, #tpu.memory_space<hbm>> -> memref<1024x64xf32, #tpu.memory_space<hbm>>
    tpu.enqueue_indirect_dma source(%dma_start3A_51 : memref<1024x64xf32, #tpu.memory_space<hbm>>) target(%dma_start3A_45 : memref<64x64xf32, #tpu.memory_space<vmem>>) offsets(%dma_start3A_48 : memref<64xi32, #tpu.memory_space<vmem>>) semaphore(%arg7 : memref<!tpu.dma_semaphore, #tpu.memory_space<semaphore_mem>>)
    %dma_start3A_52 = arith.constant 5 : i32
    %dma_start3A_53 = arith.constant 320 : i32
    %dma_start3A_54 = arith.constant 0 : i32
    %dma_start3A_55 = tpu.memref_slice %arg6[%dma_start3A_53, %dma_start3A_54] : memref<576x64xf32, #tpu.memory_space<vmem>> -> memref<64x64xf32, #tpu.memory_space<vmem>>
    %dma_start3A_56 = arith.constant 0 : i32
    %dma_start3A_57 = tpu.memref_slice %arg5[%dma_start3A_52, %dma_start3A_56] : memref<9x64xi32, #tpu.memory_space<vmem>> -> memref<1x64xi32, #tpu.memory_space<vmem>>
    %dma_start3A_58 = tpu.memref_squeeze %dma_start3A_57 : memref<1x64xi32, #tpu.memory_space<vmem>> -> memref<64xi32, #tpu.memory_space<vmem>>
    %dma_start3A_59 = arith.constant 0 : i32
    %dma_start3A_60 = arith.constant 0 : i32
    %dma_start3A_61 = tpu.memref_slice %arg3[%dma_start3A_59, %dma_start3A_60] : memref<1024x64xf32, #tpu.memory_space<hbm>> -> memref<1024x64xf32, #tpu.memory_space<hbm>>
    tpu.enqueue_indirect_dma source(%dma_start3A_61 : memref<1024x64xf32, #tpu.memory_space<hbm>>) target(%dma_start3A_55 : memref<64x64xf32, #tpu.memory_space<vmem>>) offsets(%dma_start3A_58 : memref<64xi32, #tpu.memory_space<vmem>>) semaphore(%arg7 : memref<!tpu.dma_semaphore, #tpu.memory_space<semaphore_mem>>)
    %dma_start3A_62 = arith.constant 6 : i32
    %dma_start3A_63 = arith.constant 384 : i32
    %dma_start3A_64 = arith.constant 0 : i32
    %dma_start3A_65 = tpu.memref_slice %arg6[%dma_start3A_63, %dma_start3A_64] : memref<576x64xf32, #tpu.memory_space<vmem>> -> memref<64x64xf32, #tpu.memory_space<vmem>>
    %dma_start3A_66 = arith.constant 0 : i32
    %dma_start3A_67 = tpu.memref_slice %arg5[%dma_start3A_62, %dma_start3A_66] : memref<9x64xi32, #tpu.memory_space<vmem>> -> memref<1x64xi32, #tpu.memory_space<vmem>>
    %dma_start3A_68 = tpu.memref_squeeze %dma_start3A_67 : memref<1x64xi32, #tpu.memory_space<vmem>> -> memref<64xi32, #tpu.memory_space<vmem>>
    %dma_start3A_69 = arith.constant 0 : i32
    %dma_start3A_70 = arith.constant 0 : i32
    %dma_start3A_71 = tpu.memref_slice %arg3[%dma_start3A_69, %dma_start3A_70] : memref<1024x64xf32, #tpu.memory_space<hbm>> -> memref<1024x64xf32, #tpu.memory_space<hbm>>
    tpu.enqueue_indirect_dma source(%dma_start3A_71 : memref<1024x64xf32, #tpu.memory_space<hbm>>) target(%dma_start3A_65 : memref<64x64xf32, #tpu.memory_space<vmem>>) offsets(%dma_start3A_68 : memref<64xi32, #tpu.memory_space<vmem>>) semaphore(%arg7 : memref<!tpu.dma_semaphore, #tpu.memory_space<semaphore_mem>>)
    %dma_start3A_72 = arith.constant 7 : i32
    %dma_start3A_73 = arith.constant 448 : i32
    %dma_start3A_74 = arith.constant 0 : i32
    %dma_start3A_75 = tpu.memref_slice %arg6[%dma_start3A_73, %dma_start3A_74] : memref<576x64xf32, #tpu.memory_space<vmem>> -> memref<64x64xf32, #tpu.memory_space<vmem>>
    %dma_start3A_76 = arith.constant 0 : i32
    %dma_start3A_77 = tpu.memref_slice %arg5[%dma_start3A_72, %dma_start3A_76] : memref<9x64xi32, #tpu.memory_space<vmem>> -> memref<1x64xi32, #tpu.memory_space<vmem>>
    %dma_start3A_78 = tpu.memref_squeeze %dma_start3A_77 : memref<1x64xi32, #tpu.memory_space<vmem>> -> memref<64xi32, #tpu.memory_space<vmem>>
    %dma_start3A_79 = arith.constant 0 : i32
    %dma_start3A_80 = arith.constant 0 : i32
    %dma_start3A_81 = tpu.memref_slice %arg3[%dma_start3A_79, %dma_start3A_80] : memref<1024x64xf32, #tpu.memory_space<hbm>> -> memref<1024x64xf32, #tpu.memory_space<hbm>>
    tpu.enqueue_indirect_dma source(%dma_start3A_81 : memref<1024x64xf32, #tpu.memory_space<hbm>>) target(%dma_start3A_75 : memref<64x64xf32, #tpu.memory_space<vmem>>) offsets(%dma_start3A_78 : memref<64xi32, #tpu.memory_space<vmem>>) semaphore(%arg7 : memref<!tpu.dma_semaphore, #tpu.memory_space<semaphore_mem>>)
    %dma_start3A_82 = arith.constant 8 : i32
    %dma_start3A_83 = arith.constant 512 : i32
    %dma_start3A_84 = arith.constant 0 : i32
    %dma_start3A_85 = tpu.memref_slice %arg6[%dma_start3A_83, %dma_start3A_84] : memref<576x64xf32, #tpu.memory_space<vmem>> -> memref<64x64xf32, #tpu.memory_space<vmem>>
    %dma_start3A_86 = arith.constant 0 : i32
    %dma_start3A_87 = tpu.memref_slice %arg5[%dma_start3A_82, %dma_start3A_86] : memref<9x64xi32, #tpu.memory_space<vmem>> -> memref<1x64xi32, #tpu.memory_space<vmem>>
    %dma_start3A_88 = tpu.memref_squeeze %dma_start3A_87 : memref<1x64xi32, #tpu.memory_space<vmem>> -> memref<64xi32, #tpu.memory_space<vmem>>
    %dma_start3A_89 = arith.constant 0 : i32
    %dma_start3A_90 = arith.constant 0 : i32
    %dma_start3A_91 = tpu.memref_slice %arg3[%dma_start3A_89, %dma_start3A_90] : memref<1024x64xf32, #tpu.memory_space<hbm>> -> memref<1024x64xf32, #tpu.memory_space<hbm>>
    tpu.enqueue_indirect_dma source(%dma_start3A_91 : memref<1024x64xf32, #tpu.memory_space<hbm>>) target(%dma_start3A_85 : memref<64x64xf32, #tpu.memory_space<vmem>>) offsets(%dma_start3A_88 : memref<64xi32, #tpu.memory_space<vmem>>) semaphore(%arg7 : memref<!tpu.dma_semaphore, #tpu.memory_space<semaphore_mem>>)
    %dma_wait3A = arith.constant 0 : i32
    %dma_wait3A_92 = arith.constant 0 : i32
    %dma_wait3A_93 = arith.constant 0 : i32
    %dma_wait3A_94 = tpu.memref_slice %arg6[%dma_wait3A_92, %dma_wait3A_93] : memref<576x64xf32, #tpu.memory_space<vmem>> -> memref<64x64xf32, #tpu.memory_space<vmem>>
    %dma_wait3A_95 = arith.constant 0 : i32
    %dma_wait3A_96 = tpu.memref_slice %arg5[%dma_wait3A, %dma_wait3A_95] : memref<9x64xi32, #tpu.memory_space<vmem>> -> memref<1x64xi32, #tpu.memory_space<vmem>>
    %dma_wait3A_97 = tpu.memref_squeeze %dma_wait3A_96 : memref<1x64xi32, #tpu.memory_space<vmem>> -> memref<64xi32, #tpu.memory_space<vmem>>
    %dma_wait3A_98 = arith.constant 0 : i32
    %dma_wait3A_99 = arith.constant 0 : i32
    %dma_wait3A_100 = tpu.memref_slice %arg3[%dma_wait3A_98, %dma_wait3A_99] : memref<1024x64xf32, #tpu.memory_space<hbm>> -> memref<1024x64xf32, #tpu.memory_space<hbm>>
    tpu.wait_indirect_dma semaphore(%arg7 : memref<!tpu.dma_semaphore, #tpu.memory_space<semaphore_mem>>) src(%dma_wait3A_100 : memref<1024x64xf32, #tpu.memory_space<hbm>>) dst(%dma_wait3A_94 : memref<64x64xf32, #tpu.memory_space<vmem>>)
    %dma_wait3A_101 = arith.constant 1 : i32
    %dma_wait3A_102 = arith.constant 64 : i32
    %dma_wait3A_103 = arith.constant 0 : i32
    %dma_wait3A_104 = tpu.memref_slice %arg6[%dma_wait3A_102, %dma_wait3A_103] : memref<576x64xf32, #tpu.memory_space<vmem>> -> memref<64x64xf32, #tpu.memory_space<vmem>>
    %dma_wait3A_105 = arith.constant 0 : i32
    %dma_wait3A_106 = tpu.memref_slice %arg5[%dma_wait3A_101, %dma_wait3A_105] : memref<9x64xi32, #tpu.memory_space<vmem>> -> memref<1x64xi32, #tpu.memory_space<vmem>>
    %dma_wait3A_107 = tpu.memref_squeeze %dma_wait3A_106 : memref<1x64xi32, #tpu.memory_space<vmem>> -> memref<64xi32, #tpu.memory_space<vmem>>
    %dma_wait3A_108 = arith.constant 0 : i32
    %dma_wait3A_109 = arith.constant 0 : i32
    %dma_wait3A_110 = tpu.memref_slice %arg3[%dma_wait3A_108, %dma_wait3A_109] : memref<1024x64xf32, #tpu.memory_space<hbm>> -> memref<1024x64xf32, #tpu.memory_space<hbm>>
    tpu.wait_indirect_dma semaphore(%arg7 : memref<!tpu.dma_semaphore, #tpu.memory_space<semaphore_mem>>) src(%dma_wait3A_110 : memref<1024x64xf32, #tpu.memory_space<hbm>>) dst(%dma_wait3A_104 : memref<64x64xf32, #tpu.memory_space<vmem>>)
    %dma_wait3A_111 = arith.constant 2 : i32
    %dma_wait3A_112 = arith.constant 128 : i32
    %dma_wait3A_113 = arith.constant 0 : i32
    %dma_wait3A_114 = tpu.memref_slice %arg6[%dma_wait3A_112, %dma_wait3A_113] : memref<576x64xf32, #tpu.memory_space<vmem>> -> memref<64x64xf32, #tpu.memory_space<vmem>>
    %dma_wait3A_115 = arith.constant 0 : i32
    %dma_wait3A_116 = tpu.memref_slice %arg5[%dma_wait3A_111, %dma_wait3A_115] : memref<9x64xi32, #tpu.memory_space<vmem>> -> memref<1x64xi32, #tpu.memory_space<vmem>>
    %dma_wait3A_117 = tpu.memref_squeeze %dma_wait3A_116 : memref<1x64xi32, #tpu.memory_space<vmem>> -> memref<64xi32, #tpu.memory_space<vmem>>
    %dma_wait3A_118 = arith.constant 0 : i32
    %dma_wait3A_119 = arith.constant 0 : i32
    %dma_wait3A_120 = tpu.memref_slice %arg3[%dma_wait3A_118, %dma_wait3A_119] : memref<1024x64xf32, #tpu.memory_space<hbm>> -> memref<1024x64xf32, #tpu.memory_space<hbm>>
    tpu.wait_indirect_dma semaphore(%arg7 : memref<!tpu.dma_semaphore, #tpu.memory_space<semaphore_mem>>) src(%dma_wait3A_120 : memref<1024x64xf32, #tpu.memory_space<hbm>>) dst(%dma_wait3A_114 : memref<64x64xf32, #tpu.memory_space<vmem>>)
    %dma_wait3A_121 = arith.constant 3 : i32
    %dma_wait3A_122 = arith.constant 192 : i32
    %dma_wait3A_123 = arith.constant 0 : i32
    %dma_wait3A_124 = tpu.memref_slice %arg6[%dma_wait3A_122, %dma_wait3A_123] : memref<576x64xf32, #tpu.memory_space<vmem>> -> memref<64x64xf32, #tpu.memory_space<vmem>>
    %dma_wait3A_125 = arith.constant 0 : i32
    %dma_wait3A_126 = tpu.memref_slice %arg5[%dma_wait3A_121, %dma_wait3A_125] : memref<9x64xi32, #tpu.memory_space<vmem>> -> memref<1x64xi32, #tpu.memory_space<vmem>>
    %dma_wait3A_127 = tpu.memref_squeeze %dma_wait3A_126 : memref<1x64xi32, #tpu.memory_space<vmem>> -> memref<64xi32, #tpu.memory_space<vmem>>
    %dma_wait3A_128 = arith.constant 0 : i32
    %dma_wait3A_129 = arith.constant 0 : i32
    %dma_wait3A_130 = tpu.memref_slice %arg3[%dma_wait3A_128, %dma_wait3A_129] : memref<1024x64xf32, #tpu.memory_space<hbm>> -> memref<1024x64xf32, #tpu.memory_space<hbm>>
    tpu.wait_indirect_dma semaphore(%arg7 : memref<!tpu.dma_semaphore, #tpu.memory_space<semaphore_mem>>) src(%dma_wait3A_130 : memref<1024x64xf32, #tpu.memory_space<hbm>>) dst(%dma_wait3A_124 : memref<64x64xf32, #tpu.memory_space<vmem>>)
    %dma_wait3A_131 = arith.constant 4 : i32
    %dma_wait3A_132 = arith.constant 256 : i32
    %dma_wait3A_133 = arith.constant 0 : i32
    %dma_wait3A_134 = tpu.memref_slice %arg6[%dma_wait3A_132, %dma_wait3A_133] : memref<576x64xf32, #tpu.memory_space<vmem>> -> memref<64x64xf32, #tpu.memory_space<vmem>>
    %dma_wait3A_135 = arith.constant 0 : i32
    %dma_wait3A_136 = tpu.memref_slice %arg5[%dma_wait3A_131, %dma_wait3A_135] : memref<9x64xi32, #tpu.memory_space<vmem>> -> memref<1x64xi32, #tpu.memory_space<vmem>>
    %dma_wait3A_137 = tpu.memref_squeeze %dma_wait3A_136 : memref<1x64xi32, #tpu.memory_space<vmem>> -> memref<64xi32, #tpu.memory_space<vmem>>
    %dma_wait3A_138 = arith.constant 0 : i32
    %dma_wait3A_139 = arith.constant 0 : i32
    %dma_wait3A_140 = tpu.memref_slice %arg3[%dma_wait3A_138, %dma_wait3A_139] : memref<1024x64xf32, #tpu.memory_space<hbm>> -> memref<1024x64xf32, #tpu.memory_space<hbm>>
    tpu.wait_indirect_dma semaphore(%arg7 : memref<!tpu.dma_semaphore, #tpu.memory_space<semaphore_mem>>) src(%dma_wait3A_140 : memref<1024x64xf32, #tpu.memory_space<hbm>>) dst(%dma_wait3A_134 : memref<64x64xf32, #tpu.memory_space<vmem>>)
    %dma_wait3A_141 = arith.constant 5 : i32
    %dma_wait3A_142 = arith.constant 320 : i32
    %dma_wait3A_143 = arith.constant 0 : i32
    %dma_wait3A_144 = tpu.memref_slice %arg6[%dma_wait3A_142, %dma_wait3A_143] : memref<576x64xf32, #tpu.memory_space<vmem>> -> memref<64x64xf32, #tpu.memory_space<vmem>>
    %dma_wait3A_145 = arith.constant 0 : i32
    %dma_wait3A_146 = tpu.memref_slice %arg5[%dma_wait3A_141, %dma_wait3A_145] : memref<9x64xi32, #tpu.memory_space<vmem>> -> memref<1x64xi32, #tpu.memory_space<vmem>>
    %dma_wait3A_147 = tpu.memref_squeeze %dma_wait3A_146 : memref<1x64xi32, #tpu.memory_space<vmem>> -> memref<64xi32, #tpu.memory_space<vmem>>
    %dma_wait3A_148 = arith.constant 0 : i32
    %dma_wait3A_149 = arith.constant 0 : i32
    %dma_wait3A_150 = tpu.memref_slice %arg3[%dma_wait3A_148, %dma_wait3A_149] : memref<1024x64xf32, #tpu.memory_space<hbm>> -> memref<1024x64xf32, #tpu.memory_space<hbm>>
    tpu.wait_indirect_dma semaphore(%arg7 : memref<!tpu.dma_semaphore, #tpu.memory_space<semaphore_mem>>) src(%dma_wait3A_150 : memref<1024x64xf32, #tpu.memory_space<hbm>>) dst(%dma_wait3A_144 : memref<64x64xf32, #tpu.memory_space<vmem>>)
    %dma_wait3A_151 = arith.constant 6 : i32
    %dma_wait3A_152 = arith.constant 384 : i32
    %dma_wait3A_153 = arith.constant 0 : i32
    %dma_wait3A_154 = tpu.memref_slice %arg6[%dma_wait3A_152, %dma_wait3A_153] : memref<576x64xf32, #tpu.memory_space<vmem>> -> memref<64x64xf32, #tpu.memory_space<vmem>>
    %dma_wait3A_155 = arith.constant 0 : i32
    %dma_wait3A_156 = tpu.memref_slice %arg5[%dma_wait3A_151, %dma_wait3A_155] : memref<9x64xi32, #tpu.memory_space<vmem>> -> memref<1x64xi32, #tpu.memory_space<vmem>>
    %dma_wait3A_157 = tpu.memref_squeeze %dma_wait3A_156 : memref<1x64xi32, #tpu.memory_space<vmem>> -> memref<64xi32, #tpu.memory_space<vmem>>
    %dma_wait3A_158 = arith.constant 0 : i32
    %dma_wait3A_159 = arith.constant 0 : i32
    %dma_wait3A_160 = tpu.memref_slice %arg3[%dma_wait3A_158, %dma_wait3A_159] : memref<1024x64xf32, #tpu.memory_space<hbm>> -> memref<1024x64xf32, #tpu.memory_space<hbm>>
    tpu.wait_indirect_dma semaphore(%arg7 : memref<!tpu.dma_semaphore, #tpu.memory_space<semaphore_mem>>) src(%dma_wait3A_160 : memref<1024x64xf32, #tpu.memory_space<hbm>>) dst(%dma_wait3A_154 : memref<64x64xf32, #tpu.memory_space<vmem>>)
    %dma_wait3A_161 = arith.constant 7 : i32
    %dma_wait3A_162 = arith.constant 448 : i32
    %dma_wait3A_163 = arith.constant 0 : i32
    %dma_wait3A_164 = tpu.memref_slice %arg6[%dma_wait3A_162, %dma_wait3A_163] : memref<576x64xf32, #tpu.memory_space<vmem>> -> memref<64x64xf32, #tpu.memory_space<vmem>>
    %dma_wait3A_165 = arith.constant 0 : i32
    %dma_wait3A_166 = tpu.memref_slice %arg5[%dma_wait3A_161, %dma_wait3A_165] : memref<9x64xi32, #tpu.memory_space<vmem>> -> memref<1x64xi32, #tpu.memory_space<vmem>>
    %dma_wait3A_167 = tpu.memref_squeeze %dma_wait3A_166 : memref<1x64xi32, #tpu.memory_space<vmem>> -> memref<64xi32, #tpu.memory_space<vmem>>
    %dma_wait3A_168 = arith.constant 0 : i32
    %dma_wait3A_169 = arith.constant 0 : i32
    %dma_wait3A_170 = tpu.memref_slice %arg3[%dma_wait3A_168, %dma_wait3A_169] : memref<1024x64xf32, #tpu.memory_space<hbm>> -> memref<1024x64xf32, #tpu.memory_space<hbm>>
    tpu.wait_indirect_dma semaphore(%arg7 : memref<!tpu.dma_semaphore, #tpu.memory_space<semaphore_mem>>) src(%dma_wait3A_170 : memref<1024x64xf32, #tpu.memory_space<hbm>>) dst(%dma_wait3A_164 : memref<64x64xf32, #tpu.memory_space<vmem>>)
    %dma_wait3A_171 = arith.constant 8 : i32
    %dma_wait3A_172 = arith.constant 512 : i32
    %dma_wait3A_173 = arith.constant 0 : i32
    %dma_wait3A_174 = tpu.memref_slice %arg6[%dma_wait3A_172, %dma_wait3A_173] : memref<576x64xf32, #tpu.memory_space<vmem>> -> memref<64x64xf32, #tpu.memory_space<vmem>>
    %dma_wait3A_175 = arith.constant 0 : i32
    %dma_wait3A_176 = tpu.memref_slice %arg5[%dma_wait3A_171, %dma_wait3A_175] : memref<9x64xi32, #tpu.memory_space<vmem>> -> memref<1x64xi32, #tpu.memory_space<vmem>>
    %dma_wait3A_177 = tpu.memref_squeeze %dma_wait3A_176 : memref<1x64xi32, #tpu.memory_space<vmem>> -> memref<64xi32, #tpu.memory_space<vmem>>
    %dma_wait3A_178 = arith.constant 0 : i32
    %dma_wait3A_179 = arith.constant 0 : i32
    %dma_wait3A_180 = tpu.memref_slice %arg3[%dma_wait3A_178, %dma_wait3A_179] : memref<1024x64xf32, #tpu.memory_space<hbm>> -> memref<1024x64xf32, #tpu.memory_space<hbm>>
    tpu.wait_indirect_dma semaphore(%arg7 : memref<!tpu.dma_semaphore, #tpu.memory_space<semaphore_mem>>) src(%dma_wait3A_180 : memref<1024x64xf32, #tpu.memory_space<hbm>>) dst(%dma_wait3A_174 : memref<64x64xf32, #tpu.memory_space<vmem>>)
    "tpu.region"() ({
      %run_scoped3A = tpu.sem_alloc : memref<!tpu.dma_semaphore, #tpu.memory_space<semaphore_mem>>
      %dma_start3A_181 = arith.constant 0 : i32
      %dma_start3A_182 = tpu.memref_slice %arg4[%multiple_of3A, %dma_start3A_181] : memref<18432x64xf32, #tpu.memory_space<hbm>> -> memref<576x64xf32, #tpu.memory_space<hbm>>
      %dma_start3A_183 = arith.constant 0 : i32
      %dma_start3A_184 = tpu.memref_slice %arg4[%multiple_of3A, %dma_start3A_183] : memref<18432x64xf32, #tpu.memory_space<hbm>> -> memref<576x64xf32, #tpu.memory_space<hbm>>
      tpu.enqueue_dma source(%arg6 : memref<576x64xf32, #tpu.memory_space<vmem>>) target(%dma_start3A_184 : memref<576x64xf32, #tpu.memory_space<hbm>>) target_semaphore(%run_scoped3A : memref<!tpu.dma_semaphore, #tpu.memory_space<semaphore_mem>>)
      %dma_wait3A_185 = arith.constant 0 : i32
      %dma_wait3A_186 = tpu.memref_slice %arg4[%multiple_of3A, %dma_wait3A_185] : memref<18432x64xf32, #tpu.memory_space<hbm>> -> memref<576x64xf32, #tpu.memory_space<hbm>>
      %dma_wait3A_187 = arith.constant 0 : i32
      %dma_wait3A_188 = tpu.memref_slice %arg4[%multiple_of3A, %dma_wait3A_187] : memref<18432x64xf32, #tpu.memory_space<hbm>> -> memref<576x64xf32, #tpu.memory_space<hbm>>
      tpu.wait_dma2 semaphore(%run_scoped3A : memref<!tpu.dma_semaphore, #tpu.memory_space<semaphore_mem>>) src(%arg6 : memref<576x64xf32, #tpu.memory_space<vmem>>) dst(%dma_wait3A_188 : memref<576x64xf32, #tpu.memory_space<hbm>>)
      tpu.yield
    }) : () -> ()
    return
  }
}

#map = affine_map<(d0, d1) -> (0, 0, 0)>
#map1 = affine_map<(d0, d1) -> (0, 0)>
module attributes {stable_mosaic.version = 14 : i64} {
  func.func @_gather_body(%arg0: i32, %arg1: i32, %arg2: memref<32x9x64xi32, #tpu.memory_space<hbm>>, %arg3: memref<1024x64xf32, #tpu.memory_space<hbm>>, %arg4: memref<18432x64xf32, #tpu.memory_space<hbm>>, %arg5: memref<9x64xi32, #tpu.memory_space<vmem>>, %arg6: memref<576x64xf32, #tpu.memory_space<vmem>>, %arg7: memref<!tpu.dma_semaphore, #tpu.memory_space<semaphore_mem>>) attributes {dimension_semantics = [#tpu.dimension_semantics<core_parallel>, #tpu.dimension_semantics<subcore_parallel>], iteration_bounds = array<i64: 2, 16>, scalar_prefetch = 0 : i64, scratch_operands = 3 : i64, tpu.core_type = #tpu.core_type<sc_vector_subcore>, window_params = [{transform_indices = #map}, {transform_indices = #map1}, {transform_indices = #map1}]} {
    %mul3A = arith.constant 16 : i32
    %mul3A_0 = arith.muli %arg0, %mul3A : i32
    %add3A = arith.addi %mul3A_0, %arg1 : i32
    %mul3A_1 = arith.constant 576 : i32
    %mul3A_2 = arith.muli %add3A, %mul3A_1 : i32
    %multiple_of3A = tpu.assume_multiple %mul3A_2, 576 : i32
    "tpu.region"() ({
      %run_scoped3A = tpu.sem_alloc : memref<!tpu.dma_semaphore, #tpu.memory_space<semaphore_mem>>
      %dma_start3A_181 = arith.constant 0 : i32
      %dma_start3A_182 = arith.constant 0 : i32
      %dma_start3A_183 = tpu.memref_slice %arg2[%add3A, %dma_start3A_181, %dma_start3A_182] : memref<32x9x64xi32, #tpu.memory_space<hbm>> -> memref<1x9x64xi32, #tpu.memory_space<hbm>>
      %dma_start3A_184 = tpu.memref_squeeze %dma_start3A_183 : memref<1x9x64xi32, #tpu.memory_space<hbm>> -> memref<9x64xi32, #tpu.memory_space<hbm>>
      %dma_start3A_185 = arith.constant 0 : i32
      %dma_start3A_186 = arith.constant 0 : i32
      %dma_start3A_187 = tpu.memref_slice %arg2[%add3A, %dma_start3A_185, %dma_start3A_186] : memref<32x9x64xi32, #tpu.memory_space<hbm>> -> memref<1x9x64xi32, #tpu.memory_space<hbm>>
      %dma_start3A_188 = tpu.memref_squeeze %dma_start3A_187 : memref<1x9x64xi32, #tpu.memory_space<hbm>> -> memref<9x64xi32, #tpu.memory_space<hbm>>
      tpu.enqueue_dma source(%dma_start3A_188 : memref<9x64xi32, #tpu.memory_space<hbm>>) target(%arg5 : memref<9x64xi32, #tpu.memory_space<vmem>>) target_semaphore(%run_scoped3A : memref<!tpu.dma_semaphore, #tpu.memory_space<semaphore_mem>>)
      %dma_wait3A_189 = arith.constant 0 : i32
      %dma_wait3A_190 = arith.constant 0 : i32
      %dma_wait3A_191 = tpu.memref_slice %arg2[%add3A, %dma_wait3A_189, %dma_wait3A_190] : memref<32x9x64xi32, #tpu.memory_space<hbm>> -> memref<1x9x64xi32, #tpu.memory_space<hbm>>
      %dma_wait3A_192 = tpu.memref_squeeze %dma_wait3A_191 : memref<1x9x64xi32, #tpu.memory_space<hbm>> -> memref<9x64xi32, #tpu.memory_space<hbm>>
      %dma_wait3A_193 = arith.constant 0 : i32
      %dma_wait3A_194 = arith.constant 0 : i32
      %dma_wait3A_195 = tpu.memref_slice %arg2[%add3A, %dma_wait3A_193, %dma_wait3A_194] : memref<32x9x64xi32, #tpu.memory_space<hbm>> -> memref<1x9x64xi32, #tpu.memory_space<hbm>>
      %dma_wait3A_196 = tpu.memref_squeeze %dma_wait3A_195 : memref<1x9x64xi32, #tpu.memory_space<hbm>> -> memref<9x64xi32, #tpu.memory_space<hbm>>
      tpu.wait_dma2 semaphore(%run_scoped3A : memref<!tpu.dma_semaphore, #tpu.memory_space<semaphore_mem>>) src(%dma_wait3A_196 : memref<9x64xi32, #tpu.memory_space<hbm>>) dst(%arg5 : memref<9x64xi32, #tpu.memory_space<vmem>>)
      tpu.yield
    }) : () -> ()
    %dma_start3A = arith.constant 0 : i32
    %dma_start3A_3 = arith.constant 0 : i32
    %dma_start3A_4 = arith.constant 0 : i32
    %dma_start3A_5 = tpu.memref_slice %arg6[%dma_start3A_3, %dma_start3A_4] : memref<576x64xf32, #tpu.memory_space<vmem>> -> memref<64x64xf32, #tpu.memory_space<vmem>>
    %dma_start3A_6 = arith.constant 0 : i32
    %dma_start3A_7 = tpu.memref_slice %arg5[%dma_start3A, %dma_start3A_6] : memref<9x64xi32, #tpu.memory_space<vmem>> -> memref<1x64xi32, #tpu.memory_space<vmem>>
    %dma_start3A_8 = tpu.memref_squeeze %dma_start3A_7 : memref<1x64xi32, #tpu.memory_space<vmem>> -> memref<64xi32, #tpu.memory_space<vmem>>
    %dma_start3A_9 = arith.constant 0 : i32
    %dma_start3A_10 = arith.constant 0 : i32
    %dma_start3A_11 = tpu.memref_slice %arg3[%dma_start3A_9, %dma_start3A_10] : memref<1024x64xf32, #tpu.memory_space<hbm>> -> memref<1024x64xf32, #tpu.memory_space<hbm>>
    tpu.enqueue_indirect_dma source(%dma_start3A_11 : memref<1024x64xf32, #tpu.memory_space<hbm>>) target(%dma_start3A_5 : memref<64x64xf32, #tpu.memory_space<vmem>>) offsets(%dma_start3A_8 : memref<64xi32, #tpu.memory_space<vmem>>) semaphore(%arg7 : memref<!tpu.dma_semaphore, #tpu.memory_space<semaphore_mem>>)
    %dma_start3A_12 = arith.constant 1 : i32
    %dma_start3A_13 = arith.constant 64 : i32
    %dma_start3A_14 = arith.constant 0 : i32
    %dma_start3A_15 = tpu.memref_slice %arg6[%dma_start3A_13, %dma_start3A_14] : memref<576x64xf32, #tpu.memory_space<vmem>> -> memref<64x64xf32, #tpu.memory_space<vmem>>
    %dma_start3A_16 = arith.constant 0 : i32
    %dma_start3A_17 = tpu.memref_slice %arg5[%dma_start3A_12, %dma_start3A_16] : memref<9x64xi32, #tpu.memory_space<vmem>> -> memref<1x64xi32, #tpu.memory_space<vmem>>
    %dma_start3A_18 = tpu.memref_squeeze %dma_start3A_17 : memref<1x64xi32, #tpu.memory_space<vmem>> -> memref<64xi32, #tpu.memory_space<vmem>>
    %dma_start3A_19 = arith.constant 0 : i32
    %dma_start3A_20 = arith.constant 0 : i32
    %dma_start3A_21 = tpu.memref_slice %arg3[%dma_start3A_19, %dma_start3A_20] : memref<1024x64xf32, #tpu.memory_space<hbm>> -> memref<1024x64xf32, #tpu.memory_space<hbm>>
    tpu.enqueue_indirect_dma source(%dma_start3A_21 : memref<1024x64xf32, #tpu.memory_space<hbm>>) target(%dma_start3A_15 : memref<64x64xf32, #tpu.memory_space<vmem>>) offsets(%dma_start3A_18 : memref<64xi32, #tpu.memory_space<vmem>>) semaphore(%arg7 : memref<!tpu.dma_semaphore, #tpu.memory_space<semaphore_mem>>)
    %dma_start3A_22 = arith.constant 2 : i32
    %dma_start3A_23 = arith.constant 128 : i32
    %dma_start3A_24 = arith.constant 0 : i32
    %dma_start3A_25 = tpu.memref_slice %arg6[%dma_start3A_23, %dma_start3A_24] : memref<576x64xf32, #tpu.memory_space<vmem>> -> memref<64x64xf32, #tpu.memory_space<vmem>>
    %dma_start3A_26 = arith.constant 0 : i32
    %dma_start3A_27 = tpu.memref_slice %arg5[%dma_start3A_22, %dma_start3A_26] : memref<9x64xi32, #tpu.memory_space<vmem>> -> memref<1x64xi32, #tpu.memory_space<vmem>>
    %dma_start3A_28 = tpu.memref_squeeze %dma_start3A_27 : memref<1x64xi32, #tpu.memory_space<vmem>> -> memref<64xi32, #tpu.memory_space<vmem>>
    %dma_start3A_29 = arith.constant 0 : i32
    %dma_start3A_30 = arith.constant 0 : i32
    %dma_start3A_31 = tpu.memref_slice %arg3[%dma_start3A_29, %dma_start3A_30] : memref<1024x64xf32, #tpu.memory_space<hbm>> -> memref<1024x64xf32, #tpu.memory_space<hbm>>
    tpu.enqueue_indirect_dma source(%dma_start3A_31 : memref<1024x64xf32, #tpu.memory_space<hbm>>) target(%dma_start3A_25 : memref<64x64xf32, #tpu.memory_space<vmem>>) offsets(%dma_start3A_28 : memref<64xi32, #tpu.memory_space<vmem>>) semaphore(%arg7 : memref<!tpu.dma_semaphore, #tpu.memory_space<semaphore_mem>>)
    %dma_start3A_32 = arith.constant 3 : i32
    %dma_start3A_33 = arith.constant 192 : i32
    %dma_start3A_34 = arith.constant 0 : i32
    %dma_start3A_35 = tpu.memref_slice %arg6[%dma_start3A_33, %dma_start3A_34] : memref<576x64xf32, #tpu.memory_space<vmem>> -> memref<64x64xf32, #tpu.memory_space<vmem>>
    %dma_start3A_36 = arith.constant 0 : i32
    %dma_start3A_37 = tpu.memref_slice %arg5[%dma_start3A_32, %dma_start3A_36] : memref<9x64xi32, #tpu.memory_space<vmem>> -> memref<1x64xi32, #tpu.memory_space<vmem>>
    %dma_start3A_38 = tpu.memref_squeeze %dma_start3A_37 : memref<1x64xi32, #tpu.memory_space<vmem>> -> memref<64xi32, #tpu.memory_space<vmem>>
    %dma_start3A_39 = arith.constant 0 : i32
    %dma_start3A_40 = arith.constant 0 : i32
    %dma_start3A_41 = tpu.memref_slice %arg3[%dma_start3A_39, %dma_start3A_40] : memref<1024x64xf32, #tpu.memory_space<hbm>> -> memref<1024x64xf32, #tpu.memory_space<hbm>>
    tpu.enqueue_indirect_dma source(%dma_start3A_41 : memref<1024x64xf32, #tpu.memory_space<hbm>>) target(%dma_start3A_35 : memref<64x64xf32, #tpu.memory_space<vmem>>) offsets(%dma_start3A_38 : memref<64xi32, #tpu.memory_space<vmem>>) semaphore(%arg7 : memref<!tpu.dma_semaphore, #tpu.memory_space<semaphore_mem>>)
    %dma_start3A_42 = arith.constant 4 : i32
    %dma_start3A_43 = arith.constant 256 : i32
    %dma_start3A_44 = arith.constant 0 : i32
    %dma_start3A_45 = tpu.memref_slice %arg6[%dma_start3A_43, %dma_start3A_44] : memref<576x64xf32, #tpu.memory_space<vmem>> -> memref<64x64xf32, #tpu.memory_space<vmem>>
    %dma_start3A_46 = arith.constant 0 : i32
    %dma_start3A_47 = tpu.memref_slice %arg5[%dma_start3A_42, %dma_start3A_46] : memref<9x64xi32, #tpu.memory_space<vmem>> -> memref<1x64xi32, #tpu.memory_space<vmem>>
    %dma_start3A_48 = tpu.memref_squeeze %dma_start3A_47 : memref<1x64xi32, #tpu.memory_space<vmem>> -> memref<64xi32, #tpu.memory_space<vmem>>
    %dma_start3A_49 = arith.constant 0 : i32
    %dma_start3A_50 = arith.constant 0 : i32
    %dma_start3A_51 = tpu.memref_slice %arg3[%dma_start3A_49, %dma_start3A_50] : memref<1024x64xf32, #tpu.memory_space<hbm>> -> memref<1024x64xf32, #tpu.memory_space<hbm>>
    tpu.enqueue_indirect_dma source(%dma_start3A_51 : memref<1024x64xf32, #tpu.memory_space<hbm>>) target(%dma_start3A_45 : memref<64x64xf32, #tpu.memory_space<vmem>>) offsets(%dma_start3A_48 : memref<64xi32, #tpu.memory_space<vmem>>) semaphore(%arg7 : memref<!tpu.dma_semaphore, #tpu.memory_space<semaphore_mem>>)
    %dma_start3A_52 = arith.constant 5 : i32
    %dma_start3A_53 = arith.constant 320 : i32
    %dma_start3A_54 = arith.constant 0 : i32
    %dma_start3A_55 = tpu.memref_slice %arg6[%dma_start3A_53, %dma_start3A_54] : memref<576x64xf32, #tpu.memory_space<vmem>> -> memref<64x64xf32, #tpu.memory_space<vmem>>
    %dma_start3A_56 = arith.constant 0 : i32
    %dma_start3A_57 = tpu.memref_slice %arg5[%dma_start3A_52, %dma_start3A_56] : memref<9x64xi32, #tpu.memory_space<vmem>> -> memref<1x64xi32, #tpu.memory_space<vmem>>
    %dma_start3A_58 = tpu.memref_squeeze %dma_start3A_57 : memref<1x64xi32, #tpu.memory_space<vmem>> -> memref<64xi32, #tpu.memory_space<vmem>>
    %dma_start3A_59 = arith.constant 0 : i32
    %dma_start3A_60 = arith.constant 0 : i32
    %dma_start3A_61 = tpu.memref_slice %arg3[%dma_start3A_59, %dma_start3A_60] : memref<1024x64xf32, #tpu.memory_space<hbm>> -> memref<1024x64xf32, #tpu.memory_space<hbm>>
    tpu.enqueue_indirect_dma source(%dma_start3A_61 : memref<1024x64xf32, #tpu.memory_space<hbm>>) target(%dma_start3A_55 : memref<64x64xf32, #tpu.memory_space<vmem>>) offsets(%dma_start3A_58 : memref<64xi32, #tpu.memory_space<vmem>>) semaphore(%arg7 : memref<!tpu.dma_semaphore, #tpu.memory_space<semaphore_mem>>)
    %dma_start3A_62 = arith.constant 6 : i32
    %dma_start3A_63 = arith.constant 384 : i32
    %dma_start3A_64 = arith.constant 0 : i32
    %dma_start3A_65 = tpu.memref_slice %arg6[%dma_start3A_63, %dma_start3A_64] : memref<576x64xf32, #tpu.memory_space<vmem>> -> memref<64x64xf32, #tpu.memory_space<vmem>>
    %dma_start3A_66 = arith.constant 0 : i32
    %dma_start3A_67 = tpu.memref_slice %arg5[%dma_start3A_62, %dma_start3A_66] : memref<9x64xi32, #tpu.memory_space<vmem>> -> memref<1x64xi32, #tpu.memory_space<vmem>>
    %dma_start3A_68 = tpu.memref_squeeze %dma_start3A_67 : memref<1x64xi32, #tpu.memory_space<vmem>> -> memref<64xi32, #tpu.memory_space<vmem>>
    %dma_start3A_69 = arith.constant 0 : i32
    %dma_start3A_70 = arith.constant 0 : i32
    %dma_start3A_71 = tpu.memref_slice %arg3[%dma_start3A_69, %dma_start3A_70] : memref<1024x64xf32, #tpu.memory_space<hbm>> -> memref<1024x64xf32, #tpu.memory_space<hbm>>
    tpu.enqueue_indirect_dma source(%dma_start3A_71 : memref<1024x64xf32, #tpu.memory_space<hbm>>) target(%dma_start3A_65 : memref<64x64xf32, #tpu.memory_space<vmem>>) offsets(%dma_start3A_68 : memref<64xi32, #tpu.memory_space<vmem>>) semaphore(%arg7 : memref<!tpu.dma_semaphore, #tpu.memory_space<semaphore_mem>>)
    %dma_start3A_72 = arith.constant 7 : i32
    %dma_start3A_73 = arith.constant 448 : i32
    %dma_start3A_74 = arith.constant 0 : i32
    %dma_start3A_75 = tpu.memref_slice %arg6[%dma_start3A_73, %dma_start3A_74] : memref<576x64xf32, #tpu.memory_space<vmem>> -> memref<64x64xf32, #tpu.memory_space<vmem>>
    %dma_start3A_76 = arith.constant 0 : i32
    %dma_start3A_77 = tpu.memref_slice %arg5[%dma_start3A_72, %dma_start3A_76] : memref<9x64xi32, #tpu.memory_space<vmem>> -> memref<1x64xi32, #tpu.memory_space<vmem>>
    %dma_start3A_78 = tpu.memref_squeeze %dma_start3A_77 : memref<1x64xi32, #tpu.memory_space<vmem>> -> memref<64xi32, #tpu.memory_space<vmem>>
    %dma_start3A_79 = arith.constant 0 : i32
    %dma_start3A_80 = arith.constant 0 : i32
    %dma_start3A_81 = tpu.memref_slice %arg3[%dma_start3A_79, %dma_start3A_80] : memref<1024x64xf32, #tpu.memory_space<hbm>> -> memref<1024x64xf32, #tpu.memory_space<hbm>>
    tpu.enqueue_indirect_dma source(%dma_start3A_81 : memref<1024x64xf32, #tpu.memory_space<hbm>>) target(%dma_start3A_75 : memref<64x64xf32, #tpu.memory_space<vmem>>) offsets(%dma_start3A_78 : memref<64xi32, #tpu.memory_space<vmem>>) semaphore(%arg7 : memref<!tpu.dma_semaphore, #tpu.memory_space<semaphore_mem>>)
    %dma_start3A_82 = arith.constant 8 : i32
    %dma_start3A_83 = arith.constant 512 : i32
    %dma_start3A_84 = arith.constant 0 : i32
    %dma_start3A_85 = tpu.memref_slice %arg6[%dma_start3A_83, %dma_start3A_84] : memref<576x64xf32, #tpu.memory_space<vmem>> -> memref<64x64xf32, #tpu.memory_space<vmem>>
    %dma_start3A_86 = arith.constant 0 : i32
    %dma_start3A_87 = tpu.memref_slice %arg5[%dma_start3A_82, %dma_start3A_86] : memref<9x64xi32, #tpu.memory_space<vmem>> -> memref<1x64xi32, #tpu.memory_space<vmem>>
    %dma_start3A_88 = tpu.memref_squeeze %dma_start3A_87 : memref<1x64xi32, #tpu.memory_space<vmem>> -> memref<64xi32, #tpu.memory_space<vmem>>
    %dma_start3A_89 = arith.constant 0 : i32
    %dma_start3A_90 = arith.constant 0 : i32
    %dma_start3A_91 = tpu.memref_slice %arg3[%dma_start3A_89, %dma_start3A_90] : memref<1024x64xf32, #tpu.memory_space<hbm>> -> memref<1024x64xf32, #tpu.memory_space<hbm>>
    tpu.enqueue_indirect_dma source(%dma_start3A_91 : memref<1024x64xf32, #tpu.memory_space<hbm>>) target(%dma_start3A_85 : memref<64x64xf32, #tpu.memory_space<vmem>>) offsets(%dma_start3A_88 : memref<64xi32, #tpu.memory_space<vmem>>) semaphore(%arg7 : memref<!tpu.dma_semaphore, #tpu.memory_space<semaphore_mem>>)
    %dma_wait3A = arith.constant 0 : i32
    %dma_wait3A_92 = arith.constant 0 : i32
    %dma_wait3A_93 = arith.constant 0 : i32
    %dma_wait3A_94 = tpu.memref_slice %arg6[%dma_wait3A_92, %dma_wait3A_93] : memref<576x64xf32, #tpu.memory_space<vmem>> -> memref<64x64xf32, #tpu.memory_space<vmem>>
    %dma_wait3A_95 = arith.constant 0 : i32
    %dma_wait3A_96 = tpu.memref_slice %arg5[%dma_wait3A, %dma_wait3A_95] : memref<9x64xi32, #tpu.memory_space<vmem>> -> memref<1x64xi32, #tpu.memory_space<vmem>>
    %dma_wait3A_97 = tpu.memref_squeeze %dma_wait3A_96 : memref<1x64xi32, #tpu.memory_space<vmem>> -> memref<64xi32, #tpu.memory_space<vmem>>
    %dma_wait3A_98 = arith.constant 0 : i32
    %dma_wait3A_99 = arith.constant 0 : i32
    %dma_wait3A_100 = tpu.memref_slice %arg3[%dma_wait3A_98, %dma_wait3A_99] : memref<1024x64xf32, #tpu.memory_space<hbm>> -> memref<1024x64xf32, #tpu.memory_space<hbm>>
    tpu.wait_indirect_dma semaphore(%arg7 : memref<!tpu.dma_semaphore, #tpu.memory_space<semaphore_mem>>) src(%dma_wait3A_100 : memref<1024x64xf32, #tpu.memory_space<hbm>>) dst(%dma_wait3A_94 : memref<64x64xf32, #tpu.memory_space<vmem>>)
    %dma_wait3A_101 = arith.constant 1 : i32
    %dma_wait3A_102 = arith.constant 64 : i32
    %dma_wait3A_103 = arith.constant 0 : i32
    %dma_wait3A_104 = tpu.memref_slice %arg6[%dma_wait3A_102, %dma_wait3A_103] : memref<576x64xf32, #tpu.memory_space<vmem>> -> memref<64x64xf32, #tpu.memory_space<vmem>>
    %dma_wait3A_105 = arith.constant 0 : i32
    %dma_wait3A_106 = tpu.memref_slice %arg5[%dma_wait3A_101, %dma_wait3A_105] : memref<9x64xi32, #tpu.memory_space<vmem>> -> memref<1x64xi32, #tpu.memory_space<vmem>>
    %dma_wait3A_107 = tpu.memref_squeeze %dma_wait3A_106 : memref<1x64xi32, #tpu.memory_space<vmem>> -> memref<64xi32, #tpu.memory_space<vmem>>
    %dma_wait3A_108 = arith.constant 0 : i32
    %dma_wait3A_109 = arith.constant 0 : i32
    %dma_wait3A_110 = tpu.memref_slice %arg3[%dma_wait3A_108, %dma_wait3A_109] : memref<1024x64xf32, #tpu.memory_space<hbm>> -> memref<1024x64xf32, #tpu.memory_space<hbm>>
    tpu.wait_indirect_dma semaphore(%arg7 : memref<!tpu.dma_semaphore, #tpu.memory_space<semaphore_mem>>) src(%dma_wait3A_110 : memref<1024x64xf32, #tpu.memory_space<hbm>>) dst(%dma_wait3A_104 : memref<64x64xf32, #tpu.memory_space<vmem>>)
    %dma_wait3A_111 = arith.constant 2 : i32
    %dma_wait3A_112 = arith.constant 128 : i32
    %dma_wait3A_113 = arith.constant 0 : i32
    %dma_wait3A_114 = tpu.memref_slice %arg6[%dma_wait3A_112, %dma_wait3A_113] : memref<576x64xf32, #tpu.memory_space<vmem>> -> memref<64x64xf32, #tpu.memory_space<vmem>>
    %dma_wait3A_115 = arith.constant 0 : i32
    %dma_wait3A_116 = tpu.memref_slice %arg5[%dma_wait3A_111, %dma_wait3A_115] : memref<9x64xi32, #tpu.memory_space<vmem>> -> memref<1x64xi32, #tpu.memory_space<vmem>>
    %dma_wait3A_117 = tpu.memref_squeeze %dma_wait3A_116 : memref<1x64xi32, #tpu.memory_space<vmem>> -> memref<64xi32, #tpu.memory_space<vmem>>
    %dma_wait3A_118 = arith.constant 0 : i32
    %dma_wait3A_119 = arith.constant 0 : i32
    %dma_wait3A_120 = tpu.memref_slice %arg3[%dma_wait3A_118, %dma_wait3A_119] : memref<1024x64xf32, #tpu.memory_space<hbm>> -> memref<1024x64xf32, #tpu.memory_space<hbm>>
    tpu.wait_indirect_dma semaphore(%arg7 : memref<!tpu.dma_semaphore, #tpu.memory_space<semaphore_mem>>) src(%dma_wait3A_120 : memref<1024x64xf32, #tpu.memory_space<hbm>>) dst(%dma_wait3A_114 : memref<64x64xf32, #tpu.memory_space<vmem>>)
    %dma_wait3A_121 = arith.constant 3 : i32
    %dma_wait3A_122 = arith.constant 192 : i32
    %dma_wait3A_123 = arith.constant 0 : i32
    %dma_wait3A_124 = tpu.memref_slice %arg6[%dma_wait3A_122, %dma_wait3A_123] : memref<576x64xf32, #tpu.memory_space<vmem>> -> memref<64x64xf32, #tpu.memory_space<vmem>>
    %dma_wait3A_125 = arith.constant 0 : i32
    %dma_wait3A_126 = tpu.memref_slice %arg5[%dma_wait3A_121, %dma_wait3A_125] : memref<9x64xi32, #tpu.memory_space<vmem>> -> memref<1x64xi32, #tpu.memory_space<vmem>>
    %dma_wait3A_127 = tpu.memref_squeeze %dma_wait3A_126 : memref<1x64xi32, #tpu.memory_space<vmem>> -> memref<64xi32, #tpu.memory_space<vmem>>
    %dma_wait3A_128 = arith.constant 0 : i32
    %dma_wait3A_129 = arith.constant 0 : i32
    %dma_wait3A_130 = tpu.memref_slice %arg3[%dma_wait3A_128, %dma_wait3A_129] : memref<1024x64xf32, #tpu.memory_space<hbm>> -> memref<1024x64xf32, #tpu.memory_space<hbm>>
    tpu.wait_indirect_dma semaphore(%arg7 : memref<!tpu.dma_semaphore, #tpu.memory_space<semaphore_mem>>) src(%dma_wait3A_130 : memref<1024x64xf32, #tpu.memory_space<hbm>>) dst(%dma_wait3A_124 : memref<64x64xf32, #tpu.memory_space<vmem>>)
    %dma_wait3A_131 = arith.constant 4 : i32
    %dma_wait3A_132 = arith.constant 256 : i32
    %dma_wait3A_133 = arith.constant 0 : i32
    %dma_wait3A_134 = tpu.memref_slice %arg6[%dma_wait3A_132, %dma_wait3A_133] : memref<576x64xf32, #tpu.memory_space<vmem>> -> memref<64x64xf32, #tpu.memory_space<vmem>>
    %dma_wait3A_135 = arith.constant 0 : i32
    %dma_wait3A_136 = tpu.memref_slice %arg5[%dma_wait3A_131, %dma_wait3A_135] : memref<9x64xi32, #tpu.memory_space<vmem>> -> memref<1x64xi32, #tpu.memory_space<vmem>>
    %dma_wait3A_137 = tpu.memref_squeeze %dma_wait3A_136 : memref<1x64xi32, #tpu.memory_space<vmem>> -> memref<64xi32, #tpu.memory_space<vmem>>
    %dma_wait3A_138 = arith.constant 0 : i32
    %dma_wait3A_139 = arith.constant 0 : i32
    %dma_wait3A_140 = tpu.memref_slice %arg3[%dma_wait3A_138, %dma_wait3A_139] : memref<1024x64xf32, #tpu.memory_space<hbm>> -> memref<1024x64xf32, #tpu.memory_space<hbm>>
    tpu.wait_indirect_dma semaphore(%arg7 : memref<!tpu.dma_semaphore, #tpu.memory_space<semaphore_mem>>) src(%dma_wait3A_140 : memref<1024x64xf32, #tpu.memory_space<hbm>>) dst(%dma_wait3A_134 : memref<64x64xf32, #tpu.memory_space<vmem>>)
    %dma_wait3A_141 = arith.constant 5 : i32
    %dma_wait3A_142 = arith.constant 320 : i32
    %dma_wait3A_143 = arith.constant 0 : i32
    %dma_wait3A_144 = tpu.memref_slice %arg6[%dma_wait3A_142, %dma_wait3A_143] : memref<576x64xf32, #tpu.memory_space<vmem>> -> memref<64x64xf32, #tpu.memory_space<vmem>>
    %dma_wait3A_145 = arith.constant 0 : i32
    %dma_wait3A_146 = tpu.memref_slice %arg5[%dma_wait3A_141, %dma_wait3A_145] : memref<9x64xi32, #tpu.memory_space<vmem>> -> memref<1x64xi32, #tpu.memory_space<vmem>>
    %dma_wait3A_147 = tpu.memref_squeeze %dma_wait3A_146 : memref<1x64xi32, #tpu.memory_space<vmem>> -> memref<64xi32, #tpu.memory_space<vmem>>
    %dma_wait3A_148 = arith.constant 0 : i32
    %dma_wait3A_149 = arith.constant 0 : i32
    %dma_wait3A_150 = tpu.memref_slice %arg3[%dma_wait3A_148, %dma_wait3A_149] : memref<1024x64xf32, #tpu.memory_space<hbm>> -> memref<1024x64xf32, #tpu.memory_space<hbm>>
    tpu.wait_indirect_dma semaphore(%arg7 : memref<!tpu.dma_semaphore, #tpu.memory_space<semaphore_mem>>) src(%dma_wait3A_150 : memref<1024x64xf32, #tpu.memory_space<hbm>>) dst(%dma_wait3A_144 : memref<64x64xf32, #tpu.memory_space<vmem>>)
    %dma_wait3A_151 = arith.constant 6 : i32
    %dma_wait3A_152 = arith.constant 384 : i32
    %dma_wait3A_153 = arith.constant 0 : i32
    %dma_wait3A_154 = tpu.memref_slice %arg6[%dma_wait3A_152, %dma_wait3A_153] : memref<576x64xf32, #tpu.memory_space<vmem>> -> memref<64x64xf32, #tpu.memory_space<vmem>>
    %dma_wait3A_155 = arith.constant 0 : i32
    %dma_wait3A_156 = tpu.memref_slice %arg5[%dma_wait3A_151, %dma_wait3A_155] : memref<9x64xi32, #tpu.memory_space<vmem>> -> memref<1x64xi32, #tpu.memory_space<vmem>>
    %dma_wait3A_157 = tpu.memref_squeeze %dma_wait3A_156 : memref<1x64xi32, #tpu.memory_space<vmem>> -> memref<64xi32, #tpu.memory_space<vmem>>
    %dma_wait3A_158 = arith.constant 0 : i32
    %dma_wait3A_159 = arith.constant 0 : i32
    %dma_wait3A_160 = tpu.memref_slice %arg3[%dma_wait3A_158, %dma_wait3A_159] : memref<1024x64xf32, #tpu.memory_space<hbm>> -> memref<1024x64xf32, #tpu.memory_space<hbm>>
    tpu.wait_indirect_dma semaphore(%arg7 : memref<!tpu.dma_semaphore, #tpu.memory_space<semaphore_mem>>) src(%dma_wait3A_160 : memref<1024x64xf32, #tpu.memory_space<hbm>>) dst(%dma_wait3A_154 : memref<64x64xf32, #tpu.memory_space<vmem>>)
    %dma_wait3A_161 = arith.constant 7 : i32
    %dma_wait3A_162 = arith.constant 448 : i32
    %dma_wait3A_163 = arith.constant 0 : i32
    %dma_wait3A_164 = tpu.memref_slice %arg6[%dma_wait3A_162, %dma_wait3A_163] : memref<576x64xf32, #tpu.memory_space<vmem>> -> memref<64x64xf32, #tpu.memory_space<vmem>>
    %dma_wait3A_165 = arith.constant 0 : i32
    %dma_wait3A_166 = tpu.memref_slice %arg5[%dma_wait3A_161, %dma_wait3A_165] : memref<9x64xi32, #tpu.memory_space<vmem>> -> memref<1x64xi32, #tpu.memory_space<vmem>>
    %dma_wait3A_167 = tpu.memref_squeeze %dma_wait3A_166 : memref<1x64xi32, #tpu.memory_space<vmem>> -> memref<64xi32, #tpu.memory_space<vmem>>
    %dma_wait3A_168 = arith.constant 0 : i32
    %dma_wait3A_169 = arith.constant 0 : i32
    %dma_wait3A_170 = tpu.memref_slice %arg3[%dma_wait3A_168, %dma_wait3A_169] : memref<1024x64xf32, #tpu.memory_space<hbm>> -> memref<1024x64xf32, #tpu.memory_space<hbm>>
    tpu.wait_indirect_dma semaphore(%arg7 : memref<!tpu.dma_semaphore, #tpu.memory_space<semaphore_mem>>) src(%dma_wait3A_170 : memref<1024x64xf32, #tpu.memory_space<hbm>>) dst(%dma_wait3A_164 : memref<64x64xf32, #tpu.memory_space<vmem>>)
    %dma_wait3A_171 = arith.constant 8 : i32
    %dma_wait3A_172 = arith.constant 512 : i32
    %dma_wait3A_173 = arith.constant 0 : i32
    %dma_wait3A_174 = tpu.memref_slice %arg6[%dma_wait3A_172, %dma_wait3A_173] : memref<576x64xf32, #tpu.memory_space<vmem>> -> memref<64x64xf32, #tpu.memory_space<vmem>>
    %dma_wait3A_175 = arith.constant 0 : i32
    %dma_wait3A_176 = tpu.memref_slice %arg5[%dma_wait3A_171, %dma_wait3A_175] : memref<9x64xi32, #tpu.memory_space<vmem>> -> memref<1x64xi32, #tpu.memory_space<vmem>>
    %dma_wait3A_177 = tpu.memref_squeeze %dma_wait3A_176 : memref<1x64xi32, #tpu.memory_space<vmem>> -> memref<64xi32, #tpu.memory_space<vmem>>
    %dma_wait3A_178 = arith.constant 0 : i32
    %dma_wait3A_179 = arith.constant 0 : i32
    %dma_wait3A_180 = tpu.memref_slice %arg3[%dma_wait3A_178, %dma_wait3A_179] : memref<1024x64xf32, #tpu.memory_space<hbm>> -> memref<1024x64xf32, #tpu.memory_space<hbm>>
    tpu.wait_indirect_dma semaphore(%arg7 : memref<!tpu.dma_semaphore, #tpu.memory_space<semaphore_mem>>) src(%dma_wait3A_180 : memref<1024x64xf32, #tpu.memory_space<hbm>>) dst(%dma_wait3A_174 : memref<64x64xf32, #tpu.memory_space<vmem>>)
    "tpu.region"() ({
      %run_scoped3A = tpu.sem_alloc : memref<!tpu.dma_semaphore, #tpu.memory_space<semaphore_mem>>
      %dma_start3A_181 = arith.constant 0 : i32
      %dma_start3A_182 = tpu.memref_slice %arg4[%multiple_of3A, %dma_start3A_181] : memref<18432x64xf32, #tpu.memory_space<hbm>> -> memref<576x64xf32, #tpu.memory_space<hbm>>
      %dma_start3A_183 = arith.constant 0 : i32
      %dma_start3A_184 = tpu.memref_slice %arg4[%multiple_of3A, %dma_start3A_183] : memref<18432x64xf32, #tpu.memory_space<hbm>> -> memref<576x64xf32, #tpu.memory_space<hbm>>
      tpu.enqueue_dma source(%arg6 : memref<576x64xf32, #tpu.memory_space<vmem>>) target(%dma_start3A_184 : memref<576x64xf32, #tpu.memory_space<hbm>>) target_semaphore(%run_scoped3A : memref<!tpu.dma_semaphore, #tpu.memory_space<semaphore_mem>>)
      %dma_wait3A_185 = arith.constant 0 : i32
      %dma_wait3A_186 = tpu.memref_slice %arg4[%multiple_of3A, %dma_wait3A_185] : memref<18432x64xf32, #tpu.memory_space<hbm>> -> memref<576x64xf32, #tpu.memory_space<hbm>>
      %dma_wait3A_187 = arith.constant 0 : i32
      %dma_wait3A_188 = tpu.memref_slice %arg4[%multiple_of3A, %dma_wait3A_187] : memref<18432x64xf32, #tpu.memory_space<hbm>> -> memref<576x64xf32, #tpu.memory_space<hbm>>
      tpu.wait_dma2 semaphore(%run_scoped3A : memref<!tpu.dma_semaphore, #tpu.memory_space<semaphore_mem>>) src(%arg6 : memref<576x64xf32, #tpu.memory_space<vmem>>) dst(%dma_wait3A_188 : memref<576x64xf32, #tpu.memory_space<hbm>>)
      tpu.yield
    }) : () -> ()
    return
  }
}

#map = affine_map<(d0, d1) -> (0, 0, 0)>
#map1 = affine_map<(d0, d1) -> (0, 0)>
module attributes {stable_mosaic.version = 14 : i64} {
  func.func @_gather_body(%arg0: i32, %arg1: i32, %arg2: memref<32x9x64xi32, #tpu.memory_space<hbm>>, %arg3: memref<1024x64xf32, #tpu.memory_space<hbm>>, %arg4: memref<18432x64xf32, #tpu.memory_space<hbm>>, %arg5: memref<9x64xi32, #tpu.memory_space<vmem>>, %arg6: memref<576x64xf32, #tpu.memory_space<vmem>>, %arg7: memref<!tpu.dma_semaphore, #tpu.memory_space<semaphore_mem>>) attributes {dimension_semantics = [#tpu.dimension_semantics<core_parallel>, #tpu.dimension_semantics<subcore_parallel>], iteration_bounds = array<i64: 2, 16>, scalar_prefetch = 0 : i64, scratch_operands = 3 : i64, tpu.core_type = #tpu.core_type<sc_vector_subcore>, window_params = [{transform_indices = #map}, {transform_indices = #map1}, {transform_indices = #map1}]} {
    %mul3A = arith.constant 16 : i32
    %mul3A_0 = arith.muli %arg0, %mul3A : i32
    %add3A = arith.addi %mul3A_0, %arg1 : i32
    %mul3A_1 = arith.constant 576 : i32
    %mul3A_2 = arith.muli %add3A, %mul3A_1 : i32
    %multiple_of3A = tpu.assume_multiple %mul3A_2, 576 : i32
    "tpu.region"() ({
      %run_scoped3A = tpu.sem_alloc : memref<!tpu.dma_semaphore, #tpu.memory_space<semaphore_mem>>
      %dma_start3A_181 = arith.constant 0 : i32
      %dma_start3A_182 = arith.constant 0 : i32
      %dma_start3A_183 = tpu.memref_slice %arg2[%add3A, %dma_start3A_181, %dma_start3A_182] : memref<32x9x64xi32, #tpu.memory_space<hbm>> -> memref<1x9x64xi32, #tpu.memory_space<hbm>>
      %dma_start3A_184 = tpu.memref_squeeze %dma_start3A_183 : memref<1x9x64xi32, #tpu.memory_space<hbm>> -> memref<9x64xi32, #tpu.memory_space<hbm>>
      %dma_start3A_185 = arith.constant 0 : i32
      %dma_start3A_186 = arith.constant 0 : i32
      %dma_start3A_187 = tpu.memref_slice %arg2[%add3A, %dma_start3A_185, %dma_start3A_186] : memref<32x9x64xi32, #tpu.memory_space<hbm>> -> memref<1x9x64xi32, #tpu.memory_space<hbm>>
      %dma_start3A_188 = tpu.memref_squeeze %dma_start3A_187 : memref<1x9x64xi32, #tpu.memory_space<hbm>> -> memref<9x64xi32, #tpu.memory_space<hbm>>
      tpu.enqueue_dma source(%dma_start3A_188 : memref<9x64xi32, #tpu.memory_space<hbm>>) target(%arg5 : memref<9x64xi32, #tpu.memory_space<vmem>>) target_semaphore(%run_scoped3A : memref<!tpu.dma_semaphore, #tpu.memory_space<semaphore_mem>>)
      %dma_wait3A_189 = arith.constant 0 : i32
      %dma_wait3A_190 = arith.constant 0 : i32
      %dma_wait3A_191 = tpu.memref_slice %arg2[%add3A, %dma_wait3A_189, %dma_wait3A_190] : memref<32x9x64xi32, #tpu.memory_space<hbm>> -> memref<1x9x64xi32, #tpu.memory_space<hbm>>
      %dma_wait3A_192 = tpu.memref_squeeze %dma_wait3A_191 : memref<1x9x64xi32, #tpu.memory_space<hbm>> -> memref<9x64xi32, #tpu.memory_space<hbm>>
      %dma_wait3A_193 = arith.constant 0 : i32
      %dma_wait3A_194 = arith.constant 0 : i32
      %dma_wait3A_195 = tpu.memref_slice %arg2[%add3A, %dma_wait3A_193, %dma_wait3A_194] : memref<32x9x64xi32, #tpu.memory_space<hbm>> -> memref<1x9x64xi32, #tpu.memory_space<hbm>>
      %dma_wait3A_196 = tpu.memref_squeeze %dma_wait3A_195 : memref<1x9x64xi32, #tpu.memory_space<hbm>> -> memref<9x64xi32, #tpu.memory_space<hbm>>
      tpu.wait_dma2 semaphore(%run_scoped3A : memref<!tpu.dma_semaphore, #tpu.memory_space<semaphore_mem>>) src(%dma_wait3A_196 : memref<9x64xi32, #tpu.memory_space<hbm>>) dst(%arg5 : memref<9x64xi32, #tpu.memory_space<vmem>>)
      tpu.yield
    }) : () -> ()
    %dma_start3A = arith.constant 0 : i32
    %dma_start3A_3 = arith.constant 0 : i32
    %dma_start3A_4 = arith.constant 0 : i32
    %dma_start3A_5 = tpu.memref_slice %arg6[%dma_start3A_3, %dma_start3A_4] : memref<576x64xf32, #tpu.memory_space<vmem>> -> memref<64x64xf32, #tpu.memory_space<vmem>>
    %dma_start3A_6 = arith.constant 0 : i32
    %dma_start3A_7 = tpu.memref_slice %arg5[%dma_start3A, %dma_start3A_6] : memref<9x64xi32, #tpu.memory_space<vmem>> -> memref<1x64xi32, #tpu.memory_space<vmem>>
    %dma_start3A_8 = tpu.memref_squeeze %dma_start3A_7 : memref<1x64xi32, #tpu.memory_space<vmem>> -> memref<64xi32, #tpu.memory_space<vmem>>
    %dma_start3A_9 = arith.constant 0 : i32
    %dma_start3A_10 = arith.constant 0 : i32
    %dma_start3A_11 = tpu.memref_slice %arg3[%dma_start3A_9, %dma_start3A_10] : memref<1024x64xf32, #tpu.memory_space<hbm>> -> memref<1024x64xf32, #tpu.memory_space<hbm>>
    tpu.enqueue_indirect_dma source(%dma_start3A_11 : memref<1024x64xf32, #tpu.memory_space<hbm>>) target(%dma_start3A_5 : memref<64x64xf32, #tpu.memory_space<vmem>>) offsets(%dma_start3A_8 : memref<64xi32, #tpu.memory_space<vmem>>) semaphore(%arg7 : memref<!tpu.dma_semaphore, #tpu.memory_space<semaphore_mem>>)
    %dma_start3A_12 = arith.constant 1 : i32
    %dma_start3A_13 = arith.constant 64 : i32
    %dma_start3A_14 = arith.constant 0 : i32
    %dma_start3A_15 = tpu.memref_slice %arg6[%dma_start3A_13, %dma_start3A_14] : memref<576x64xf32, #tpu.memory_space<vmem>> -> memref<64x64xf32, #tpu.memory_space<vmem>>
    %dma_start3A_16 = arith.constant 0 : i32
    %dma_start3A_17 = tpu.memref_slice %arg5[%dma_start3A_12, %dma_start3A_16] : memref<9x64xi32, #tpu.memory_space<vmem>> -> memref<1x64xi32, #tpu.memory_space<vmem>>
    %dma_start3A_18 = tpu.memref_squeeze %dma_start3A_17 : memref<1x64xi32, #tpu.memory_space<vmem>> -> memref<64xi32, #tpu.memory_space<vmem>>
    %dma_start3A_19 = arith.constant 0 : i32
    %dma_start3A_20 = arith.constant 0 : i32
    %dma_start3A_21 = tpu.memref_slice %arg3[%dma_start3A_19, %dma_start3A_20] : memref<1024x64xf32, #tpu.memory_space<hbm>> -> memref<1024x64xf32, #tpu.memory_space<hbm>>
    tpu.enqueue_indirect_dma source(%dma_start3A_21 : memref<1024x64xf32, #tpu.memory_space<hbm>>) target(%dma_start3A_15 : memref<64x64xf32, #tpu.memory_space<vmem>>) offsets(%dma_start3A_18 : memref<64xi32, #tpu.memory_space<vmem>>) semaphore(%arg7 : memref<!tpu.dma_semaphore, #tpu.memory_space<semaphore_mem>>)
    %dma_start3A_22 = arith.constant 2 : i32
    %dma_start3A_23 = arith.constant 128 : i32
    %dma_start3A_24 = arith.constant 0 : i32
    %dma_start3A_25 = tpu.memref_slice %arg6[%dma_start3A_23, %dma_start3A_24] : memref<576x64xf32, #tpu.memory_space<vmem>> -> memref<64x64xf32, #tpu.memory_space<vmem>>
    %dma_start3A_26 = arith.constant 0 : i32
    %dma_start3A_27 = tpu.memref_slice %arg5[%dma_start3A_22, %dma_start3A_26] : memref<9x64xi32, #tpu.memory_space<vmem>> -> memref<1x64xi32, #tpu.memory_space<vmem>>
    %dma_start3A_28 = tpu.memref_squeeze %dma_start3A_27 : memref<1x64xi32, #tpu.memory_space<vmem>> -> memref<64xi32, #tpu.memory_space<vmem>>
    %dma_start3A_29 = arith.constant 0 : i32
    %dma_start3A_30 = arith.constant 0 : i32
    %dma_start3A_31 = tpu.memref_slice %arg3[%dma_start3A_29, %dma_start3A_30] : memref<1024x64xf32, #tpu.memory_space<hbm>> -> memref<1024x64xf32, #tpu.memory_space<hbm>>
    tpu.enqueue_indirect_dma source(%dma_start3A_31 : memref<1024x64xf32, #tpu.memory_space<hbm>>) target(%dma_start3A_25 : memref<64x64xf32, #tpu.memory_space<vmem>>) offsets(%dma_start3A_28 : memref<64xi32, #tpu.memory_space<vmem>>) semaphore(%arg7 : memref<!tpu.dma_semaphore, #tpu.memory_space<semaphore_mem>>)
    %dma_start3A_32 = arith.constant 3 : i32
    %dma_start3A_33 = arith.constant 192 : i32
    %dma_start3A_34 = arith.constant 0 : i32
    %dma_start3A_35 = tpu.memref_slice %arg6[%dma_start3A_33, %dma_start3A_34] : memref<576x64xf32, #tpu.memory_space<vmem>> -> memref<64x64xf32, #tpu.memory_space<vmem>>
    %dma_start3A_36 = arith.constant 0 : i32
    %dma_start3A_37 = tpu.memref_slice %arg5[%dma_start3A_32, %dma_start3A_36] : memref<9x64xi32, #tpu.memory_space<vmem>> -> memref<1x64xi32, #tpu.memory_space<vmem>>
    %dma_start3A_38 = tpu.memref_squeeze %dma_start3A_37 : memref<1x64xi32, #tpu.memory_space<vmem>> -> memref<64xi32, #tpu.memory_space<vmem>>
    %dma_start3A_39 = arith.constant 0 : i32
    %dma_start3A_40 = arith.constant 0 : i32
    %dma_start3A_41 = tpu.memref_slice %arg3[%dma_start3A_39, %dma_start3A_40] : memref<1024x64xf32, #tpu.memory_space<hbm>> -> memref<1024x64xf32, #tpu.memory_space<hbm>>
    tpu.enqueue_indirect_dma source(%dma_start3A_41 : memref<1024x64xf32, #tpu.memory_space<hbm>>) target(%dma_start3A_35 : memref<64x64xf32, #tpu.memory_space<vmem>>) offsets(%dma_start3A_38 : memref<64xi32, #tpu.memory_space<vmem>>) semaphore(%arg7 : memref<!tpu.dma_semaphore, #tpu.memory_space<semaphore_mem>>)
    %dma_start3A_42 = arith.constant 4 : i32
    %dma_start3A_43 = arith.constant 256 : i32
    %dma_start3A_44 = arith.constant 0 : i32
    %dma_start3A_45 = tpu.memref_slice %arg6[%dma_start3A_43, %dma_start3A_44] : memref<576x64xf32, #tpu.memory_space<vmem>> -> memref<64x64xf32, #tpu.memory_space<vmem>>
    %dma_start3A_46 = arith.constant 0 : i32
    %dma_start3A_47 = tpu.memref_slice %arg5[%dma_start3A_42, %dma_start3A_46] : memref<9x64xi32, #tpu.memory_space<vmem>> -> memref<1x64xi32, #tpu.memory_space<vmem>>
    %dma_start3A_48 = tpu.memref_squeeze %dma_start3A_47 : memref<1x64xi32, #tpu.memory_space<vmem>> -> memref<64xi32, #tpu.memory_space<vmem>>
    %dma_start3A_49 = arith.constant 0 : i32
    %dma_start3A_50 = arith.constant 0 : i32
    %dma_start3A_51 = tpu.memref_slice %arg3[%dma_start3A_49, %dma_start3A_50] : memref<1024x64xf32, #tpu.memory_space<hbm>> -> memref<1024x64xf32, #tpu.memory_space<hbm>>
    tpu.enqueue_indirect_dma source(%dma_start3A_51 : memref<1024x64xf32, #tpu.memory_space<hbm>>) target(%dma_start3A_45 : memref<64x64xf32, #tpu.memory_space<vmem>>) offsets(%dma_start3A_48 : memref<64xi32, #tpu.memory_space<vmem>>) semaphore(%arg7 : memref<!tpu.dma_semaphore, #tpu.memory_space<semaphore_mem>>)
    %dma_start3A_52 = arith.constant 5 : i32
    %dma_start3A_53 = arith.constant 320 : i32
    %dma_start3A_54 = arith.constant 0 : i32
    %dma_start3A_55 = tpu.memref_slice %arg6[%dma_start3A_53, %dma_start3A_54] : memref<576x64xf32, #tpu.memory_space<vmem>> -> memref<64x64xf32, #tpu.memory_space<vmem>>
    %dma_start3A_56 = arith.constant 0 : i32
    %dma_start3A_57 = tpu.memref_slice %arg5[%dma_start3A_52, %dma_start3A_56] : memref<9x64xi32, #tpu.memory_space<vmem>> -> memref<1x64xi32, #tpu.memory_space<vmem>>
    %dma_start3A_58 = tpu.memref_squeeze %dma_start3A_57 : memref<1x64xi32, #tpu.memory_space<vmem>> -> memref<64xi32, #tpu.memory_space<vmem>>
    %dma_start3A_59 = arith.constant 0 : i32
    %dma_start3A_60 = arith.constant 0 : i32
    %dma_start3A_61 = tpu.memref_slice %arg3[%dma_start3A_59, %dma_start3A_60] : memref<1024x64xf32, #tpu.memory_space<hbm>> -> memref<1024x64xf32, #tpu.memory_space<hbm>>
    tpu.enqueue_indirect_dma source(%dma_start3A_61 : memref<1024x64xf32, #tpu.memory_space<hbm>>) target(%dma_start3A_55 : memref<64x64xf32, #tpu.memory_space<vmem>>) offsets(%dma_start3A_58 : memref<64xi32, #tpu.memory_space<vmem>>) semaphore(%arg7 : memref<!tpu.dma_semaphore, #tpu.memory_space<semaphore_mem>>)
    %dma_start3A_62 = arith.constant 6 : i32
    %dma_start3A_63 = arith.constant 384 : i32
    %dma_start3A_64 = arith.constant 0 : i32
    %dma_start3A_65 = tpu.memref_slice %arg6[%dma_start3A_63, %dma_start3A_64] : memref<576x64xf32, #tpu.memory_space<vmem>> -> memref<64x64xf32, #tpu.memory_space<vmem>>
    %dma_start3A_66 = arith.constant 0 : i32
    %dma_start3A_67 = tpu.memref_slice %arg5[%dma_start3A_62, %dma_start3A_66] : memref<9x64xi32, #tpu.memory_space<vmem>> -> memref<1x64xi32, #tpu.memory_space<vmem>>
    %dma_start3A_68 = tpu.memref_squeeze %dma_start3A_67 : memref<1x64xi32, #tpu.memory_space<vmem>> -> memref<64xi32, #tpu.memory_space<vmem>>
    %dma_start3A_69 = arith.constant 0 : i32
    %dma_start3A_70 = arith.constant 0 : i32
    %dma_start3A_71 = tpu.memref_slice %arg3[%dma_start3A_69, %dma_start3A_70] : memref<1024x64xf32, #tpu.memory_space<hbm>> -> memref<1024x64xf32, #tpu.memory_space<hbm>>
    tpu.enqueue_indirect_dma source(%dma_start3A_71 : memref<1024x64xf32, #tpu.memory_space<hbm>>) target(%dma_start3A_65 : memref<64x64xf32, #tpu.memory_space<vmem>>) offsets(%dma_start3A_68 : memref<64xi32, #tpu.memory_space<vmem>>) semaphore(%arg7 : memref<!tpu.dma_semaphore, #tpu.memory_space<semaphore_mem>>)
    %dma_start3A_72 = arith.constant 7 : i32
    %dma_start3A_73 = arith.constant 448 : i32
    %dma_start3A_74 = arith.constant 0 : i32
    %dma_start3A_75 = tpu.memref_slice %arg6[%dma_start3A_73, %dma_start3A_74] : memref<576x64xf32, #tpu.memory_space<vmem>> -> memref<64x64xf32, #tpu.memory_space<vmem>>
    %dma_start3A_76 = arith.constant 0 : i32
    %dma_start3A_77 = tpu.memref_slice %arg5[%dma_start3A_72, %dma_start3A_76] : memref<9x64xi32, #tpu.memory_space<vmem>> -> memref<1x64xi32, #tpu.memory_space<vmem>>
    %dma_start3A_78 = tpu.memref_squeeze %dma_start3A_77 : memref<1x64xi32, #tpu.memory_space<vmem>> -> memref<64xi32, #tpu.memory_space<vmem>>
    %dma_start3A_79 = arith.constant 0 : i32
    %dma_start3A_80 = arith.constant 0 : i32
    %dma_start3A_81 = tpu.memref_slice %arg3[%dma_start3A_79, %dma_start3A_80] : memref<1024x64xf32, #tpu.memory_space<hbm>> -> memref<1024x64xf32, #tpu.memory_space<hbm>>
    tpu.enqueue_indirect_dma source(%dma_start3A_81 : memref<1024x64xf32, #tpu.memory_space<hbm>>) target(%dma_start3A_75 : memref<64x64xf32, #tpu.memory_space<vmem>>) offsets(%dma_start3A_78 : memref<64xi32, #tpu.memory_space<vmem>>) semaphore(%arg7 : memref<!tpu.dma_semaphore, #tpu.memory_space<semaphore_mem>>)
    %dma_start3A_82 = arith.constant 8 : i32
    %dma_start3A_83 = arith.constant 512 : i32
    %dma_start3A_84 = arith.constant 0 : i32
    %dma_start3A_85 = tpu.memref_slice %arg6[%dma_start3A_83, %dma_start3A_84] : memref<576x64xf32, #tpu.memory_space<vmem>> -> memref<64x64xf32, #tpu.memory_space<vmem>>
    %dma_start3A_86 = arith.constant 0 : i32
    %dma_start3A_87 = tpu.memref_slice %arg5[%dma_start3A_82, %dma_start3A_86] : memref<9x64xi32, #tpu.memory_space<vmem>> -> memref<1x64xi32, #tpu.memory_space<vmem>>
    %dma_start3A_88 = tpu.memref_squeeze %dma_start3A_87 : memref<1x64xi32, #tpu.memory_space<vmem>> -> memref<64xi32, #tpu.memory_space<vmem>>
    %dma_start3A_89 = arith.constant 0 : i32
    %dma_start3A_90 = arith.constant 0 : i32
    %dma_start3A_91 = tpu.memref_slice %arg3[%dma_start3A_89, %dma_start3A_90] : memref<1024x64xf32, #tpu.memory_space<hbm>> -> memref<1024x64xf32, #tpu.memory_space<hbm>>
    tpu.enqueue_indirect_dma source(%dma_start3A_91 : memref<1024x64xf32, #tpu.memory_space<hbm>>) target(%dma_start3A_85 : memref<64x64xf32, #tpu.memory_space<vmem>>) offsets(%dma_start3A_88 : memref<64xi32, #tpu.memory_space<vmem>>) semaphore(%arg7 : memref<!tpu.dma_semaphore, #tpu.memory_space<semaphore_mem>>)
    %dma_wait3A = arith.constant 0 : i32
    %dma_wait3A_92 = arith.constant 0 : i32
    %dma_wait3A_93 = arith.constant 0 : i32
    %dma_wait3A_94 = tpu.memref_slice %arg6[%dma_wait3A_92, %dma_wait3A_93] : memref<576x64xf32, #tpu.memory_space<vmem>> -> memref<64x64xf32, #tpu.memory_space<vmem>>
    %dma_wait3A_95 = arith.constant 0 : i32
    %dma_wait3A_96 = tpu.memref_slice %arg5[%dma_wait3A, %dma_wait3A_95] : memref<9x64xi32, #tpu.memory_space<vmem>> -> memref<1x64xi32, #tpu.memory_space<vmem>>
    %dma_wait3A_97 = tpu.memref_squeeze %dma_wait3A_96 : memref<1x64xi32, #tpu.memory_space<vmem>> -> memref<64xi32, #tpu.memory_space<vmem>>
    %dma_wait3A_98 = arith.constant 0 : i32
    %dma_wait3A_99 = arith.constant 0 : i32
    %dma_wait3A_100 = tpu.memref_slice %arg3[%dma_wait3A_98, %dma_wait3A_99] : memref<1024x64xf32, #tpu.memory_space<hbm>> -> memref<1024x64xf32, #tpu.memory_space<hbm>>
    tpu.wait_indirect_dma semaphore(%arg7 : memref<!tpu.dma_semaphore, #tpu.memory_space<semaphore_mem>>) src(%dma_wait3A_100 : memref<1024x64xf32, #tpu.memory_space<hbm>>) dst(%dma_wait3A_94 : memref<64x64xf32, #tpu.memory_space<vmem>>)
    %dma_wait3A_101 = arith.constant 1 : i32
    %dma_wait3A_102 = arith.constant 64 : i32
    %dma_wait3A_103 = arith.constant 0 : i32
    %dma_wait3A_104 = tpu.memref_slice %arg6[%dma_wait3A_102, %dma_wait3A_103] : memref<576x64xf32, #tpu.memory_space<vmem>> -> memref<64x64xf32, #tpu.memory_space<vmem>>
    %dma_wait3A_105 = arith.constant 0 : i32
    %dma_wait3A_106 = tpu.memref_slice %arg5[%dma_wait3A_101, %dma_wait3A_105] : memref<9x64xi32, #tpu.memory_space<vmem>> -> memref<1x64xi32, #tpu.memory_space<vmem>>
    %dma_wait3A_107 = tpu.memref_squeeze %dma_wait3A_106 : memref<1x64xi32, #tpu.memory_space<vmem>> -> memref<64xi32, #tpu.memory_space<vmem>>
    %dma_wait3A_108 = arith.constant 0 : i32
    %dma_wait3A_109 = arith.constant 0 : i32
    %dma_wait3A_110 = tpu.memref_slice %arg3[%dma_wait3A_108, %dma_wait3A_109] : memref<1024x64xf32, #tpu.memory_space<hbm>> -> memref<1024x64xf32, #tpu.memory_space<hbm>>
    tpu.wait_indirect_dma semaphore(%arg7 : memref<!tpu.dma_semaphore, #tpu.memory_space<semaphore_mem>>) src(%dma_wait3A_110 : memref<1024x64xf32, #tpu.memory_space<hbm>>) dst(%dma_wait3A_104 : memref<64x64xf32, #tpu.memory_space<vmem>>)
    %dma_wait3A_111 = arith.constant 2 : i32
    %dma_wait3A_112 = arith.constant 128 : i32
    %dma_wait3A_113 = arith.constant 0 : i32
    %dma_wait3A_114 = tpu.memref_slice %arg6[%dma_wait3A_112, %dma_wait3A_113] : memref<576x64xf32, #tpu.memory_space<vmem>> -> memref<64x64xf32, #tpu.memory_space<vmem>>
    %dma_wait3A_115 = arith.constant 0 : i32
    %dma_wait3A_116 = tpu.memref_slice %arg5[%dma_wait3A_111, %dma_wait3A_115] : memref<9x64xi32, #tpu.memory_space<vmem>> -> memref<1x64xi32, #tpu.memory_space<vmem>>
    %dma_wait3A_117 = tpu.memref_squeeze %dma_wait3A_116 : memref<1x64xi32, #tpu.memory_space<vmem>> -> memref<64xi32, #tpu.memory_space<vmem>>
    %dma_wait3A_118 = arith.constant 0 : i32
    %dma_wait3A_119 = arith.constant 0 : i32
    %dma_wait3A_120 = tpu.memref_slice %arg3[%dma_wait3A_118, %dma_wait3A_119] : memref<1024x64xf32, #tpu.memory_space<hbm>> -> memref<1024x64xf32, #tpu.memory_space<hbm>>
    tpu.wait_indirect_dma semaphore(%arg7 : memref<!tpu.dma_semaphore, #tpu.memory_space<semaphore_mem>>) src(%dma_wait3A_120 : memref<1024x64xf32, #tpu.memory_space<hbm>>) dst(%dma_wait3A_114 : memref<64x64xf32, #tpu.memory_space<vmem>>)
    %dma_wait3A_121 = arith.constant 3 : i32
    %dma_wait3A_122 = arith.constant 192 : i32
    %dma_wait3A_123 = arith.constant 0 : i32
    %dma_wait3A_124 = tpu.memref_slice %arg6[%dma_wait3A_122, %dma_wait3A_123] : memref<576x64xf32, #tpu.memory_space<vmem>> -> memref<64x64xf32, #tpu.memory_space<vmem>>
    %dma_wait3A_125 = arith.constant 0 : i32
    %dma_wait3A_126 = tpu.memref_slice %arg5[%dma_wait3A_121, %dma_wait3A_125] : memref<9x64xi32, #tpu.memory_space<vmem>> -> memref<1x64xi32, #tpu.memory_space<vmem>>
    %dma_wait3A_127 = tpu.memref_squeeze %dma_wait3A_126 : memref<1x64xi32, #tpu.memory_space<vmem>> -> memref<64xi32, #tpu.memory_space<vmem>>
    %dma_wait3A_128 = arith.constant 0 : i32
    %dma_wait3A_129 = arith.constant 0 : i32
    %dma_wait3A_130 = tpu.memref_slice %arg3[%dma_wait3A_128, %dma_wait3A_129] : memref<1024x64xf32, #tpu.memory_space<hbm>> -> memref<1024x64xf32, #tpu.memory_space<hbm>>
    tpu.wait_indirect_dma semaphore(%arg7 : memref<!tpu.dma_semaphore, #tpu.memory_space<semaphore_mem>>) src(%dma_wait3A_130 : memref<1024x64xf32, #tpu.memory_space<hbm>>) dst(%dma_wait3A_124 : memref<64x64xf32, #tpu.memory_space<vmem>>)
    %dma_wait3A_131 = arith.constant 4 : i32
    %dma_wait3A_132 = arith.constant 256 : i32
    %dma_wait3A_133 = arith.constant 0 : i32
    %dma_wait3A_134 = tpu.memref_slice %arg6[%dma_wait3A_132, %dma_wait3A_133] : memref<576x64xf32, #tpu.memory_space<vmem>> -> memref<64x64xf32, #tpu.memory_space<vmem>>
    %dma_wait3A_135 = arith.constant 0 : i32
    %dma_wait3A_136 = tpu.memref_slice %arg5[%dma_wait3A_131, %dma_wait3A_135] : memref<9x64xi32, #tpu.memory_space<vmem>> -> memref<1x64xi32, #tpu.memory_space<vmem>>
    %dma_wait3A_137 = tpu.memref_squeeze %dma_wait3A_136 : memref<1x64xi32, #tpu.memory_space<vmem>> -> memref<64xi32, #tpu.memory_space<vmem>>
    %dma_wait3A_138 = arith.constant 0 : i32
    %dma_wait3A_139 = arith.constant 0 : i32
    %dma_wait3A_140 = tpu.memref_slice %arg3[%dma_wait3A_138, %dma_wait3A_139] : memref<1024x64xf32, #tpu.memory_space<hbm>> -> memref<1024x64xf32, #tpu.memory_space<hbm>>
    tpu.wait_indirect_dma semaphore(%arg7 : memref<!tpu.dma_semaphore, #tpu.memory_space<semaphore_mem>>) src(%dma_wait3A_140 : memref<1024x64xf32, #tpu.memory_space<hbm>>) dst(%dma_wait3A_134 : memref<64x64xf32, #tpu.memory_space<vmem>>)
    %dma_wait3A_141 = arith.constant 5 : i32
    %dma_wait3A_142 = arith.constant 320 : i32
    %dma_wait3A_143 = arith.constant 0 : i32
    %dma_wait3A_144 = tpu.memref_slice %arg6[%dma_wait3A_142, %dma_wait3A_143] : memref<576x64xf32, #tpu.memory_space<vmem>> -> memref<64x64xf32, #tpu.memory_space<vmem>>
    %dma_wait3A_145 = arith.constant 0 : i32
    %dma_wait3A_146 = tpu.memref_slice %arg5[%dma_wait3A_141, %dma_wait3A_145] : memref<9x64xi32, #tpu.memory_space<vmem>> -> memref<1x64xi32, #tpu.memory_space<vmem>>
    %dma_wait3A_147 = tpu.memref_squeeze %dma_wait3A_146 : memref<1x64xi32, #tpu.memory_space<vmem>> -> memref<64xi32, #tpu.memory_space<vmem>>
    %dma_wait3A_148 = arith.constant 0 : i32
    %dma_wait3A_149 = arith.constant 0 : i32
    %dma_wait3A_150 = tpu.memref_slice %arg3[%dma_wait3A_148, %dma_wait3A_149] : memref<1024x64xf32, #tpu.memory_space<hbm>> -> memref<1024x64xf32, #tpu.memory_space<hbm>>
    tpu.wait_indirect_dma semaphore(%arg7 : memref<!tpu.dma_semaphore, #tpu.memory_space<semaphore_mem>>) src(%dma_wait3A_150 : memref<1024x64xf32, #tpu.memory_space<hbm>>) dst(%dma_wait3A_144 : memref<64x64xf32, #tpu.memory_space<vmem>>)
    %dma_wait3A_151 = arith.constant 6 : i32
    %dma_wait3A_152 = arith.constant 384 : i32
    %dma_wait3A_153 = arith.constant 0 : i32
    %dma_wait3A_154 = tpu.memref_slice %arg6[%dma_wait3A_152, %dma_wait3A_153] : memref<576x64xf32, #tpu.memory_space<vmem>> -> memref<64x64xf32, #tpu.memory_space<vmem>>
    %dma_wait3A_155 = arith.constant 0 : i32
    %dma_wait3A_156 = tpu.memref_slice %arg5[%dma_wait3A_151, %dma_wait3A_155] : memref<9x64xi32, #tpu.memory_space<vmem>> -> memref<1x64xi32, #tpu.memory_space<vmem>>
    %dma_wait3A_157 = tpu.memref_squeeze %dma_wait3A_156 : memref<1x64xi32, #tpu.memory_space<vmem>> -> memref<64xi32, #tpu.memory_space<vmem>>
    %dma_wait3A_158 = arith.constant 0 : i32
    %dma_wait3A_159 = arith.constant 0 : i32
    %dma_wait3A_160 = tpu.memref_slice %arg3[%dma_wait3A_158, %dma_wait3A_159] : memref<1024x64xf32, #tpu.memory_space<hbm>> -> memref<1024x64xf32, #tpu.memory_space<hbm>>
    tpu.wait_indirect_dma semaphore(%arg7 : memref<!tpu.dma_semaphore, #tpu.memory_space<semaphore_mem>>) src(%dma_wait3A_160 : memref<1024x64xf32, #tpu.memory_space<hbm>>) dst(%dma_wait3A_154 : memref<64x64xf32, #tpu.memory_space<vmem>>)
    %dma_wait3A_161 = arith.constant 7 : i32
    %dma_wait3A_162 = arith.constant 448 : i32
    %dma_wait3A_163 = arith.constant 0 : i32
    %dma_wait3A_164 = tpu.memref_slice %arg6[%dma_wait3A_162, %dma_wait3A_163] : memref<576x64xf32, #tpu.memory_space<vmem>> -> memref<64x64xf32, #tpu.memory_space<vmem>>
    %dma_wait3A_165 = arith.constant 0 : i32
    %dma_wait3A_166 = tpu.memref_slice %arg5[%dma_wait3A_161, %dma_wait3A_165] : memref<9x64xi32, #tpu.memory_space<vmem>> -> memref<1x64xi32, #tpu.memory_space<vmem>>
    %dma_wait3A_167 = tpu.memref_squeeze %dma_wait3A_166 : memref<1x64xi32, #tpu.memory_space<vmem>> -> memref<64xi32, #tpu.memory_space<vmem>>
    %dma_wait3A_168 = arith.constant 0 : i32
    %dma_wait3A_169 = arith.constant 0 : i32
    %dma_wait3A_170 = tpu.memref_slice %arg3[%dma_wait3A_168, %dma_wait3A_169] : memref<1024x64xf32, #tpu.memory_space<hbm>> -> memref<1024x64xf32, #tpu.memory_space<hbm>>
    tpu.wait_indirect_dma semaphore(%arg7 : memref<!tpu.dma_semaphore, #tpu.memory_space<semaphore_mem>>) src(%dma_wait3A_170 : memref<1024x64xf32, #tpu.memory_space<hbm>>) dst(%dma_wait3A_164 : memref<64x64xf32, #tpu.memory_space<vmem>>)
    %dma_wait3A_171 = arith.constant 8 : i32
    %dma_wait3A_172 = arith.constant 512 : i32
    %dma_wait3A_173 = arith.constant 0 : i32
    %dma_wait3A_174 = tpu.memref_slice %arg6[%dma_wait3A_172, %dma_wait3A_173] : memref<576x64xf32, #tpu.memory_space<vmem>> -> memref<64x64xf32, #tpu.memory_space<vmem>>
    %dma_wait3A_175 = arith.constant 0 : i32
    %dma_wait3A_176 = tpu.memref_slice %arg5[%dma_wait3A_171, %dma_wait3A_175] : memref<9x64xi32, #tpu.memory_space<vmem>> -> memref<1x64xi32, #tpu.memory_space<vmem>>
    %dma_wait3A_177 = tpu.memref_squeeze %dma_wait3A_176 : memref<1x64xi32, #tpu.memory_space<vmem>> -> memref<64xi32, #tpu.memory_space<vmem>>
    %dma_wait3A_178 = arith.constant 0 : i32
    %dma_wait3A_179 = arith.constant 0 : i32
    %dma_wait3A_180 = tpu.memref_slice %arg3[%dma_wait3A_178, %dma_wait3A_179] : memref<1024x64xf32, #tpu.memory_space<hbm>> -> memref<1024x64xf32, #tpu.memory_space<hbm>>
    tpu.wait_indirect_dma semaphore(%arg7 : memref<!tpu.dma_semaphore, #tpu.memory_space<semaphore_mem>>) src(%dma_wait3A_180 : memref<1024x64xf32, #tpu.memory_space<hbm>>) dst(%dma_wait3A_174 : memref<64x64xf32, #tpu.memory_space<vmem>>)
    "tpu.region"() ({
      %run_scoped3A = tpu.sem_alloc : memref<!tpu.dma_semaphore, #tpu.memory_space<semaphore_mem>>
      %dma_start3A_181 = arith.constant 0 : i32
      %dma_start3A_182 = tpu.memref_slice %arg4[%multiple_of3A, %dma_start3A_181] : memref<18432x64xf32, #tpu.memory_space<hbm>> -> memref<576x64xf32, #tpu.memory_space<hbm>>
      %dma_start3A_183 = arith.constant 0 : i32
      %dma_start3A_184 = tpu.memref_slice %arg4[%multiple_of3A, %dma_start3A_183] : memref<18432x64xf32, #tpu.memory_space<hbm>> -> memref<576x64xf32, #tpu.memory_space<hbm>>
      tpu.enqueue_dma source(%arg6 : memref<576x64xf32, #tpu.memory_space<vmem>>) target(%dma_start3A_184 : memref<576x64xf32, #tpu.memory_space<hbm>>) target_semaphore(%run_scoped3A : memref<!tpu.dma_semaphore, #tpu.memory_space<semaphore_mem>>)
      %dma_wait3A_185 = arith.constant 0 : i32
      %dma_wait3A_186 = tpu.memref_slice %arg4[%multiple_of3A, %dma_wait3A_185] : memref<18432x64xf32, #tpu.memory_space<hbm>> -> memref<576x64xf32, #tpu.memory_space<hbm>>
      %dma_wait3A_187 = arith.constant 0 : i32
      %dma_wait3A_188 = tpu.memref_slice %arg4[%multiple_of3A, %dma_wait3A_187] : memref<18432x64xf32, #tpu.memory_space<hbm>> -> memref<576x64xf32, #tpu.memory_space<hbm>>
      tpu.wait_dma2 semaphore(%run_scoped3A : memref<!tpu.dma_semaphore, #tpu.memory_space<semaphore_mem>>) src(%arg6 : memref<576x64xf32, #tpu.memory_space<vmem>>) dst(%dma_wait3A_188 : memref<576x64xf32, #tpu.memory_space<hbm>>)
      tpu.yield
    }) : () -> ()
    return
  }
}

module attributes {stable_mosaic.version = 14 : i64} {
  func.func @_argmin_body(%arg0: i32, %arg1: memref<2048x4x64xf32, #tpu.memory_space<vmem>>, %arg2: memref<1024x64xf32, #tpu.memory_space<vmem>>, %arg3: memref<1x1x2048xi32, #tpu.memory_space<vmem>>, %arg4: memref<1x128xf32, #tpu.memory_space<vmem>>, %arg5: memref<1024x128xf32, #tpu.memory_space<vmem>>) attributes {dimension_semantics = [#tpu.dimension_semantics<arbitrary>], iteration_bounds = array<i64: 9>, scalar_prefetch = 0 : i64, scratch_operands = 0 : i64, tpu.core_type = #tpu.core_type<tc>, window_params = [{transform_indices = @transform_0, window_bounds = array<i64: 2048, 4, 64>}, {pipeline_mode = #tpu.pipeline_mode<synchronous>, transform_indices = @transform_1, window_bounds = array<i64: 1024, 64>}, {transform_indices = @transform_2, window_bounds = array<i64: 1, 1, 2048>}, {pipeline_mode = #tpu.pipeline_mode<synchronous>, transform_indices = @transform_3, window_bounds = array<i64: 1, 128>}, {pipeline_mode = #tpu.pipeline_mode<synchronous>, transform_indices = @transform_4, window_bounds = array<i64: 1024, 128>}]} {
    %get3A = arith.constant 0 : index
    %get3A_0 = arith.constant 0 : index
    %get3A_1 = arith.constant 0 : index
    %get3A_2 = vector.load %arg1[%get3A, %get3A_0, %get3A_1] : memref<2048x4x64xf32, #tpu.memory_space<vmem>>, vector<2048x1x64xf32>
    %get3A_3 = vector.shape_cast %get3A_2 : vector<2048x1x64xf32> to vector<2048x64xf32>
    %get3A_4 = arith.constant 0 : index
    %get3A_5 = arith.constant 0 : index
    %get3A_6 = vector.load %arg2[%get3A_4, %get3A_5] : memref<1024x64xf32, #tpu.memory_space<vmem>>, vector<1024x64xf32>
    %convert_element_type3A = arith.truncf %get3A_3 : vector<2048x64xf32> to vector<2048x64xbf16>
    %convert_element_type3A_7 = arith.truncf %get3A_6 : vector<1024x64xf32> to vector<1024x64xbf16>
    %dot_general3A = arith.constant dense<0.000000e+00> : vector<2048x1024xf32>
    %dot_general3A_8 = tpu.matmul %convert_element_type3A, %convert_element_type3A_7, %dot_general3A {dimension_numbers = #tpu.dot_dimension_numbers<[1], [1], [0], [0], [0, 0, 1, 0], [], []>, transpose_lhs_hint = false} : vector<2048x64xbf16>, vector<1024x64xbf16>, vector<2048x1024xf32> -> vector<2048x1024xf32>
    %mul3A = arith.mulf %get3A_3, %get3A_3 : vector<2048x64xf32>
    %reduce_sum3A = arith.constant dense<0.000000e+00> : vector<2048xf32>
    %reduce_sum3A_9 = vector.multi_reduction <add>, %mul3A, %reduce_sum3A [1] : vector<2048x64xf32> to vector<2048xf32>
    %broadcast_in_dim3A = vector.shape_cast %reduce_sum3A_9 : vector<2048xf32> to vector<2048x1xf32>
    %mul3A_10 = arith.mulf %get3A_6, %get3A_6 : vector<1024x64xf32>
    %reduce_sum3A_11 = arith.constant dense<0.000000e+00> : vector<1024xf32>
    %reduce_sum3A_12 = vector.multi_reduction <add>, %mul3A_10, %reduce_sum3A_11 [1] : vector<1024x64xf32> to vector<1024xf32>
    %broadcast_in_dim3A_13 = vector.shape_cast %reduce_sum3A_12 : vector<1024xf32> to vector<1x1024xf32>
    %add3A = vector.broadcast %broadcast_in_dim3A : vector<2048x1xf32> to vector<2048x1024xf32>
    %add3A_14 = vector.broadcast %broadcast_in_dim3A_13 : vector<1x1024xf32> to vector<2048x1024xf32>
    %add3A_15 = arith.addf %add3A, %add3A_14 : vector<2048x1024xf32>
    %mul3A_16 = arith.constant 2.000000e+00 : f32
    %mul3A_17 = vector.broadcast %mul3A_16 : f32 to vector<2048x1024xf32>
    %mul3A_18 = arith.mulf %mul3A_17, %dot_general3A_8 : vector<2048x1024xf32>
    %sub3A = arith.subf %add3A_15, %mul3A_18 : vector<2048x1024xf32>
    %reduce_min3A = arith.constant dense<0x7F800000> : vector<2048xf32>
    %reduce_min3A_19 = vector.multi_reduction <minimumf>, %sub3A, %reduce_min3A [1] : vector<2048x1024xf32> to vector<2048xf32>
    %broadcast_in_dim3A_20 = vector.shape_cast %reduce_min3A_19 : vector<2048xf32> to vector<2048x1xf32>
    %iota3A = tpu.iota {dimensions = array<i32: 1>} : vector<2048x1024xi32>
    %eq3A = vector.broadcast %broadcast_in_dim3A_20 : vector<2048x1xf32> to vector<2048x1024xf32>
    %eq3A_21 = arith.cmpf oeq, %sub3A, %eq3A : vector<2048x1024xf32>
    %jit3A = arith.constant 1024 : i32
    %broadcast_in_dim3A_22 = vector.broadcast %jit3A : i32 to vector<2048x1024xi32>
    %select_n3A = arith.select %eq3A_21, %iota3A, %broadcast_in_dim3A_22 : vector<2048x1024xi1>, vector<2048x1024xi32>
    %reduce_min3A_23 = arith.constant dense<2147483647> : vector<2048xi32>
    %reduce_min3A_24 = vector.multi_reduction <minsi>, %select_n3A, %reduce_min3A_23 [1] : vector<2048x1024xi32> to vector<2048xi32>
    %broadcast_in_dim3A_25 = vector.shape_cast %reduce_min3A_24 : vector<2048xi32> to vector<1x1x2048xi32>
    %swap3A = arith.constant 0 : index
    %swap3A_26 = arith.constant 0 : index
    %swap3A_27 = arith.constant 0 : index
    %swap3A_28 = vector.load %arg3[%swap3A, %swap3A_26, %swap3A_27] : memref<1x1x2048xi32, #tpu.memory_space<vmem>>, vector<1x1x2048xi32>
    tpu.vector_store %arg3[%swap3A, %swap3A_26, %swap3A_27], %broadcast_in_dim3A_25 {strides = array<i32>} : memref<1x1x2048xi32, #tpu.memory_space<vmem>>, vector<1x1x2048xi32>,
    %iota3A_29 = tpu.iota {dimensions = array<i32: 0>} : vector<1024x2048xi32>
    %broadcast_in_dim3A_30 = vector.shape_cast %reduce_min3A_24 : vector<2048xi32> to vector<1x2048xi32>
    %eq3A_31 = vector.broadcast %broadcast_in_dim3A_30 : vector<1x2048xi32> to vector<1024x2048xi32>
    %eq3A_32 = arith.cmpi eq, %iota3A_29, %eq3A_31 : vector<1024x2048xi32>
    %convert_element_type3A_33 = arith.extui %eq3A_32 : vector<1024x2048xi1> to vector<1024x2048xi32>
    %convert_element_type3A_34 = arith.sitofp %convert_element_type3A_33 : vector<1024x2048xi32> to vector<1024x2048xf32>
    %convert_element_type3A_35 = arith.truncf %convert_element_type3A_34 : vector<1024x2048xf32> to vector<1024x2048xbf16>
    %broadcast_in_dim3A_36 = arith.constant 1.000000e+00 : bf16
    %broadcast_in_dim3A_37 = vector.broadcast %broadcast_in_dim3A_36 : bf16 to vector<2048x64xbf16>
    %concatenate3A = tpu.concatenate %convert_element_type3A, %broadcast_in_dim3A_37 in 1 : vector<2048x64xbf16>, vector<2048x64xbf16> -> vector<2048x128xbf16>
    %dot_general3A_38 = arith.constant dense<0.000000e+00> : vector<1024x128xf32>
    %dot_general3A_39 = tpu.matmul %convert_element_type3A_35, %concatenate3A, %dot_general3A_38 {dimension_numbers = #tpu.dot_dimension_numbers<[1], [0], [0], [1], [0, 0, 1, 1], [], []>, transpose_lhs_hint = false} : vector<1024x2048xbf16>, vector<2048x128xbf16>, vector<1024x128xf32> -> vector<1024x128xf32>
    %reshape3A = vector.shape_cast %broadcast_in_dim3A_20 : vector<2048x1xf32> to vector<16x128xf32>
    %reduce_sum3A_40 = arith.constant dense<0.000000e+00> : vector<128xf32>
    %reduce_sum3A_41 = vector.multi_reduction <add>, %reshape3A, %reduce_sum3A_40 [0] : vector<16x128xf32> to vector<128xf32>
    %eq3A_42 = arith.constant 0 : i32
    %eq3A_43 = arith.cmpi eq, %arg0, %eq3A_42 : i32
    %convert_element_type3A_44 = arith.extui %eq3A_43 : i1 to i32
    %cond3A = arith.constant 0 : i32
    %cond3A_45 = arith.cmpi ne, %convert_element_type3A_44, %cond3A : i32
    scf.if %cond3A_45 {
      %broadcast_in_dim3A_61 = arith.constant 0.000000e+00 : f32
      %broadcast_in_dim3A_62 = vector.broadcast %broadcast_in_dim3A_61 : f32 to vector<1x128xf32>
      %swap3A_63 = arith.constant 0 : index
      %swap3A_64 = arith.constant 0 : index
      %swap3A_65 = vector.load %arg4[%swap3A_63, %swap3A_64] : memref<1x128xf32, #tpu.memory_space<vmem>>, vector<1x128xf32>
      tpu.vector_store %arg4[%swap3A_63, %swap3A_64], %broadcast_in_dim3A_62 {strides = array<i32>} : memref<1x128xf32, #tpu.memory_space<vmem>>, vector<1x128xf32>,
      %broadcast_in_dim3A_66 = arith.constant 0.000000e+00 : f32
      %broadcast_in_dim3A_67 = vector.broadcast %broadcast_in_dim3A_66 : f32 to vector<1024x128xf32>
      %swap3A_68 = arith.constant 0 : index
      %swap3A_69 = arith.constant 0 : index
      %swap3A_70 = vector.load %arg5[%swap3A_68, %swap3A_69] : memref<1024x128xf32, #tpu.memory_space<vmem>>, vector<1024x128xf32>
      tpu.vector_store %arg5[%swap3A_68, %swap3A_69], %broadcast_in_dim3A_67 {strides = array<i32>} : memref<1024x128xf32, #tpu.memory_space<vmem>>, vector<1024x128xf32>,
    } else {
    }
    %get3A_46 = arith.constant 0 : index
    %get3A_47 = arith.constant 0 : index
    %get3A_48 = vector.load %arg4[%get3A_46, %get3A_47] : memref<1x128xf32, #tpu.memory_space<vmem>>, vector<1x128xf32>
    %broadcast_in_dim3A_49 = vector.shape_cast %reduce_sum3A_41 : vector<128xf32> to vector<1x128xf32>
    %add3A_50 = arith.addf %get3A_48, %broadcast_in_dim3A_49 : vector<1x128xf32>
    %swap3A_51 = arith.constant 0 : index
    %swap3A_52 = arith.constant 0 : index
    %swap3A_53 = vector.load %arg4[%swap3A_51, %swap3A_52] : memref<1x128xf32, #tpu.memory_space<vmem>>, vector<1x128xf32>
    tpu.vector_store %arg4[%swap3A_51, %swap3A_52], %add3A_50 {strides = array<i32>} : memref<1x128xf32, #tpu.memory_space<vmem>>, vector<1x128xf32>,
    %get3A_54 = arith.constant 0 : index
    %get3A_55 = arith.constant 0 : index
    %get3A_56 = vector.load %arg5[%get3A_54, %get3A_55] : memref<1024x128xf32, #tpu.memory_space<vmem>>, vector<1024x128xf32>
    %add3A_57 = arith.addf %get3A_56, %dot_general3A_39 : vector<1024x128xf32>
    %swap3A_58 = arith.constant 0 : index
    %swap3A_59 = arith.constant 0 : index
    %swap3A_60 = vector.load %arg5[%swap3A_58, %swap3A_59] : memref<1024x128xf32, #tpu.memory_space<vmem>>, vector<1024x128xf32>
    tpu.vector_store %arg5[%swap3A_58, %swap3A_59], %add3A_57 {strides = array<i32>} : memref<1024x128xf32, #tpu.memory_space<vmem>>, vector<1024x128xf32>,
    return
  }
  func.func @transform_0(%arg0: i32) -> (i32, i32, i32) {
    %c0_i32 = arith.constant 0 : i32
    %c0_i32_0 = arith.constant 0 : i32
    %c0_i32_1 = arith.constant 0 : i32
    return %arg0, %c0_i32, %c0_i32_0 : i32, i32, i32
  }
  func.func @transform_1(%arg0: i32) -> (i32, i32) {
    %c0_i32 = arith.constant 0 : i32
    %c0_i32_0 = arith.constant 0 : i32
    %c0_i32_1 = arith.constant 0 : i32
    return %c0_i32, %c0_i32_0 : i32, i32
  }
  func.func @transform_2(%arg0: i32) -> (i32, i32, i32) {
    %c0_i32 = arith.constant 0 : i32
    %c0_i32_0 = arith.constant 0 : i32
    %c0_i32_1 = arith.constant 0 : i32
    return %arg0, %c0_i32, %c0_i32_0 : i32, i32, i32
  }
  func.func @transform_3(%arg0: i32) -> (i32, i32) {
    %c0_i32 = arith.constant 0 : i32
    %c0_i32_0 = arith.constant 0 : i32
    %c0_i32_1 = arith.constant 0 : i32
    return %c0_i32, %c0_i32_0 : i32, i32
  }
  func.func @transform_4(%arg0: i32) -> (i32, i32) {
    %c0_i32 = arith.constant 0 : i32
    %c0_i32_0 = arith.constant 0 : i32
    %c0_i32_1 = arith.constant 0 : i32
    return %c0_i32, %c0_i32_0 : i32, i32
  }
}

module attributes {stable_mosaic.version = 14 : i64} {
  func.func @_argmin_body(%arg0: i32, %arg1: memref<2048x4x64xf32, #tpu.memory_space<vmem>>, %arg2: memref<1024x64xf32, #tpu.memory_space<vmem>>, %arg3: memref<1x1x2048xi32, #tpu.memory_space<vmem>>, %arg4: memref<1x128xf32, #tpu.memory_space<vmem>>, %arg5: memref<1024x128xf32, #tpu.memory_space<vmem>>) attributes {dimension_semantics = [#tpu.dimension_semantics<arbitrary>], iteration_bounds = array<i64: 9>, scalar_prefetch = 0 : i64, scratch_operands = 0 : i64, tpu.core_type = #tpu.core_type<tc>, window_params = [{transform_indices = @transform_0, window_bounds = array<i64: 2048, 4, 64>}, {pipeline_mode = #tpu.pipeline_mode<synchronous>, transform_indices = @transform_1, window_bounds = array<i64: 1024, 64>}, {transform_indices = @transform_2, window_bounds = array<i64: 1, 1, 2048>}, {pipeline_mode = #tpu.pipeline_mode<synchronous>, transform_indices = @transform_3, window_bounds = array<i64: 1, 128>}, {pipeline_mode = #tpu.pipeline_mode<synchronous>, transform_indices = @transform_4, window_bounds = array<i64: 1024, 128>}]} {
    %get3A = arith.constant 0 : index
    %get3A_0 = arith.constant 1 : index
    %get3A_1 = arith.constant 0 : index
    %get3A_2 = vector.load %arg1[%get3A, %get3A_0, %get3A_1] : memref<2048x4x64xf32, #tpu.memory_space<vmem>>, vector<2048x1x64xf32>
    %get3A_3 = vector.shape_cast %get3A_2 : vector<2048x1x64xf32> to vector<2048x64xf32>
    %get3A_4 = arith.constant 0 : index
    %get3A_5 = arith.constant 0 : index
    %get3A_6 = vector.load %arg2[%get3A_4, %get3A_5] : memref<1024x64xf32, #tpu.memory_space<vmem>>, vector<1024x64xf32>
    %convert_element_type3A = arith.truncf %get3A_3 : vector<2048x64xf32> to vector<2048x64xbf16>
    %convert_element_type3A_7 = arith.truncf %get3A_6 : vector<1024x64xf32> to vector<1024x64xbf16>
    %dot_general3A = arith.constant dense<0.000000e+00> : vector<2048x1024xf32>
    %dot_general3A_8 = tpu.matmul %convert_element_type3A, %convert_element_type3A_7, %dot_general3A {dimension_numbers = #tpu.dot_dimension_numbers<[1], [1], [0], [0], [0, 0, 1, 0], [], []>, transpose_lhs_hint = false} : vector<2048x64xbf16>, vector<1024x64xbf16>, vector<2048x1024xf32> -> vector<2048x1024xf32>
    %mul3A = arith.mulf %get3A_3, %get3A_3 : vector<2048x64xf32>
    %reduce_sum3A = arith.constant dense<0.000000e+00> : vector<2048xf32>
    %reduce_sum3A_9 = vector.multi_reduction <add>, %mul3A, %reduce_sum3A [1] : vector<2048x64xf32> to vector<2048xf32>
    %broadcast_in_dim3A = vector.shape_cast %reduce_sum3A_9 : vector<2048xf32> to vector<2048x1xf32>
    %mul3A_10 = arith.mulf %get3A_6, %get3A_6 : vector<1024x64xf32>
    %reduce_sum3A_11 = arith.constant dense<0.000000e+00> : vector<1024xf32>
    %reduce_sum3A_12 = vector.multi_reduction <add>, %mul3A_10, %reduce_sum3A_11 [1] : vector<1024x64xf32> to vector<1024xf32>
    %broadcast_in_dim3A_13 = vector.shape_cast %reduce_sum3A_12 : vector<1024xf32> to vector<1x1024xf32>
    %add3A = vector.broadcast %broadcast_in_dim3A : vector<2048x1xf32> to vector<2048x1024xf32>
    %add3A_14 = vector.broadcast %broadcast_in_dim3A_13 : vector<1x1024xf32> to vector<2048x1024xf32>
    %add3A_15 = arith.addf %add3A, %add3A_14 : vector<2048x1024xf32>
    %mul3A_16 = arith.constant 2.000000e+00 : f32
    %mul3A_17 = vector.broadcast %mul3A_16 : f32 to vector<2048x1024xf32>
    %mul3A_18 = arith.mulf %mul3A_17, %dot_general3A_8 : vector<2048x1024xf32>
    %sub3A = arith.subf %add3A_15, %mul3A_18 : vector<2048x1024xf32>
    %reduce_min3A = arith.constant dense<0x7F800000> : vector<2048xf32>
    %reduce_min3A_19 = vector.multi_reduction <minimumf>, %sub3A, %reduce_min3A [1] : vector<2048x1024xf32> to vector<2048xf32>
    %broadcast_in_dim3A_20 = vector.shape_cast %reduce_min3A_19 : vector<2048xf32> to vector<2048x1xf32>
    %iota3A = tpu.iota {dimensions = array<i32: 1>} : vector<2048x1024xi32>
    %eq3A = vector.broadcast %broadcast_in_dim3A_20 : vector<2048x1xf32> to vector<2048x1024xf32>
    %eq3A_21 = arith.cmpf oeq, %sub3A, %eq3A : vector<2048x1024xf32>
    %jit3A = arith.constant 1024 : i32
    %broadcast_in_dim3A_22 = vector.broadcast %jit3A : i32 to vector<2048x1024xi32>
    %select_n3A = arith.select %eq3A_21, %iota3A, %broadcast_in_dim3A_22 : vector<2048x1024xi1>, vector<2048x1024xi32>
    %reduce_min3A_23 = arith.constant dense<2147483647> : vector<2048xi32>
    %reduce_min3A_24 = vector.multi_reduction <minsi>, %select_n3A, %reduce_min3A_23 [1] : vector<2048x1024xi32> to vector<2048xi32>
    %broadcast_in_dim3A_25 = vector.shape_cast %reduce_min3A_24 : vector<2048xi32> to vector<1x1x2048xi32>
    %swap3A = arith.constant 0 : index
    %swap3A_26 = arith.constant 0 : index
    %swap3A_27 = arith.constant 0 : index
    %swap3A_28 = vector.load %arg3[%swap3A, %swap3A_26, %swap3A_27] : memref<1x1x2048xi32, #tpu.memory_space<vmem>>, vector<1x1x2048xi32>
    tpu.vector_store %arg3[%swap3A, %swap3A_26, %swap3A_27], %broadcast_in_dim3A_25 {strides = array<i32>} : memref<1x1x2048xi32, #tpu.memory_space<vmem>>, vector<1x1x2048xi32>,
    %iota3A_29 = tpu.iota {dimensions = array<i32: 0>} : vector<1024x2048xi32>
    %broadcast_in_dim3A_30 = vector.shape_cast %reduce_min3A_24 : vector<2048xi32> to vector<1x2048xi32>
    %eq3A_31 = vector.broadcast %broadcast_in_dim3A_30 : vector<1x2048xi32> to vector<1024x2048xi32>
    %eq3A_32 = arith.cmpi eq, %iota3A_29, %eq3A_31 : vector<1024x2048xi32>
    %convert_element_type3A_33 = arith.extui %eq3A_32 : vector<1024x2048xi1> to vector<1024x2048xi32>
    %convert_element_type3A_34 = arith.sitofp %convert_element_type3A_33 : vector<1024x2048xi32> to vector<1024x2048xf32>
    %convert_element_type3A_35 = arith.truncf %convert_element_type3A_34 : vector<1024x2048xf32> to vector<1024x2048xbf16>
    %broadcast_in_dim3A_36 = arith.constant 1.000000e+00 : bf16
    %broadcast_in_dim3A_37 = vector.broadcast %broadcast_in_dim3A_36 : bf16 to vector<2048x64xbf16>
    %concatenate3A = tpu.concatenate %convert_element_type3A, %broadcast_in_dim3A_37 in 1 : vector<2048x64xbf16>, vector<2048x64xbf16> -> vector<2048x128xbf16>
    %dot_general3A_38 = arith.constant dense<0.000000e+00> : vector<1024x128xf32>
    %dot_general3A_39 = tpu.matmul %convert_element_type3A_35, %concatenate3A, %dot_general3A_38 {dimension_numbers = #tpu.dot_dimension_numbers<[1], [0], [0], [1], [0, 0, 1, 1], [], []>, transpose_lhs_hint = false} : vector<1024x2048xbf16>, vector<2048x128xbf16>, vector<1024x128xf32> -> vector<1024x128xf32>
    %reshape3A = vector.shape_cast %broadcast_in_dim3A_20 : vector<2048x1xf32> to vector<16x128xf32>
    %reduce_sum3A_40 = arith.constant dense<0.000000e+00> : vector<128xf32>
    %reduce_sum3A_41 = vector.multi_reduction <add>, %reshape3A, %reduce_sum3A_40 [0] : vector<16x128xf32> to vector<128xf32>
    %eq3A_42 = arith.constant 0 : i32
    %eq3A_43 = arith.cmpi eq, %arg0, %eq3A_42 : i32
    %convert_element_type3A_44 = arith.extui %eq3A_43 : i1 to i32
    %cond3A = arith.constant 0 : i32
    %cond3A_45 = arith.cmpi ne, %convert_element_type3A_44, %cond3A : i32
    scf.if %cond3A_45 {
      %broadcast_in_dim3A_61 = arith.constant 0.000000e+00 : f32
      %broadcast_in_dim3A_62 = vector.broadcast %broadcast_in_dim3A_61 : f32 to vector<1x128xf32>
      %swap3A_63 = arith.constant 0 : index
      %swap3A_64 = arith.constant 0 : index
      %swap3A_65 = vector.load %arg4[%swap3A_63, %swap3A_64] : memref<1x128xf32, #tpu.memory_space<vmem>>, vector<1x128xf32>
      tpu.vector_store %arg4[%swap3A_63, %swap3A_64], %broadcast_in_dim3A_62 {strides = array<i32>} : memref<1x128xf32, #tpu.memory_space<vmem>>, vector<1x128xf32>,
      %broadcast_in_dim3A_66 = arith.constant 0.000000e+00 : f32
      %broadcast_in_dim3A_67 = vector.broadcast %broadcast_in_dim3A_66 : f32 to vector<1024x128xf32>
      %swap3A_68 = arith.constant 0 : index
      %swap3A_69 = arith.constant 0 : index
      %swap3A_70 = vector.load %arg5[%swap3A_68, %swap3A_69] : memref<1024x128xf32, #tpu.memory_space<vmem>>, vector<1024x128xf32>
      tpu.vector_store %arg5[%swap3A_68, %swap3A_69], %broadcast_in_dim3A_67 {strides = array<i32>} : memref<1024x128xf32, #tpu.memory_space<vmem>>, vector<1024x128xf32>,
    } else {
    }
    %get3A_46 = arith.constant 0 : index
    %get3A_47 = arith.constant 0 : index
    %get3A_48 = vector.load %arg4[%get3A_46, %get3A_47] : memref<1x128xf32, #tpu.memory_space<vmem>>, vector<1x128xf32>
    %broadcast_in_dim3A_49 = vector.shape_cast %reduce_sum3A_41 : vector<128xf32> to vector<1x128xf32>
    %add3A_50 = arith.addf %get3A_48, %broadcast_in_dim3A_49 : vector<1x128xf32>
    %swap3A_51 = arith.constant 0 : index
    %swap3A_52 = arith.constant 0 : index
    %swap3A_53 = vector.load %arg4[%swap3A_51, %swap3A_52] : memref<1x128xf32, #tpu.memory_space<vmem>>, vector<1x128xf32>
    tpu.vector_store %arg4[%swap3A_51, %swap3A_52], %add3A_50 {strides = array<i32>} : memref<1x128xf32, #tpu.memory_space<vmem>>, vector<1x128xf32>,
    %get3A_54 = arith.constant 0 : index
    %get3A_55 = arith.constant 0 : index
    %get3A_56 = vector.load %arg5[%get3A_54, %get3A_55] : memref<1024x128xf32, #tpu.memory_space<vmem>>, vector<1024x128xf32>
    %add3A_57 = arith.addf %get3A_56, %dot_general3A_39 : vector<1024x128xf32>
    %swap3A_58 = arith.constant 0 : index
    %swap3A_59 = arith.constant 0 : index
    %swap3A_60 = vector.load %arg5[%swap3A_58, %swap3A_59] : memref<1024x128xf32, #tpu.memory_space<vmem>>, vector<1024x128xf32>
    tpu.vector_store %arg5[%swap3A_58, %swap3A_59], %add3A_57 {strides = array<i32>} : memref<1024x128xf32, #tpu.memory_space<vmem>>, vector<1024x128xf32>,
    return
  }
  func.func @transform_0(%arg0: i32) -> (i32, i32, i32) {
    %c0_i32 = arith.constant 0 : i32
    %c0_i32_0 = arith.constant 0 : i32
    %c0_i32_1 = arith.constant 0 : i32
    return %arg0, %c0_i32, %c0_i32_0 : i32, i32, i32
  }
  func.func @transform_1(%arg0: i32) -> (i32, i32) {
    %c0_i32 = arith.constant 0 : i32
    %c0_i32_0 = arith.constant 0 : i32
    %c0_i32_1 = arith.constant 0 : i32
    return %c0_i32, %c0_i32_0 : i32, i32
  }
  func.func @transform_2(%arg0: i32) -> (i32, i32, i32) {
    %c0_i32 = arith.constant 0 : i32
    %c0_i32_0 = arith.constant 0 : i32
    %c0_i32_1 = arith.constant 0 : i32
    return %arg0, %c0_i32, %c0_i32_0 : i32, i32, i32
  }
  func.func @transform_3(%arg0: i32) -> (i32, i32) {
    %c0_i32 = arith.constant 0 : i32
    %c0_i32_0 = arith.constant 0 : i32
    %c0_i32_1 = arith.constant 0 : i32
    return %c0_i32, %c0_i32_0 : i32, i32
  }
  func.func @transform_4(%arg0: i32) -> (i32, i32) {
    %c0_i32 = arith.constant 0 : i32
    %c0_i32_0 = arith.constant 0 : i32
    %c0_i32_1 = arith.constant 0 : i32
    return %c0_i32, %c0_i32_0 : i32, i32
  }
}

module attributes {stable_mosaic.version = 14 : i64} {
  func.func @_ema_body(%arg0: memref<1024x128xf32, #tpu.memory_space<vmem>>, %arg1: memref<1024x1xf32, #tpu.memory_space<vmem>>, %arg2: memref<1024x64xf32, #tpu.memory_space<vmem>>, %arg3: memref<1x128xf32, #tpu.memory_space<vmem>>, %arg4: memref<1024x64xf32, #tpu.memory_space<vmem>>, %arg5: memref<1024x1xf32, #tpu.memory_space<vmem>>, %arg6: memref<1024x64xf32, #tpu.memory_space<vmem>>, %arg7: memref<1x128xf32, #tpu.memory_space<vmem>>) attributes {dimension_semantics = [], scalar_prefetch = 0 : i64, scratch_operands = 0 : i64, tpu.core_type = #tpu.core_type<tc>} {
    %get3A = arith.constant 0 : index
    %get3A_0 = arith.constant 0 : index
    %get3A_1 = vector.load %arg0[%get3A, %get3A_0] : memref<1024x128xf32, #tpu.memory_space<vmem>>, vector<1024x128xf32>
    %slice3A = vector.extract_strided_slice %get3A_1 {offsets = [0, 64], sizes = [1024, 1], strides = [1, 1]} : vector<1024x128xf32> to vector<1024x1xf32>
    %slice3A_2 = vector.extract_strided_slice %get3A_1 {offsets = [0, 0], sizes = [1024, 64], strides = [1, 1]} : vector<1024x128xf32> to vector<1024x64xf32>
    %get3A_3 = arith.constant 0 : index
    %get3A_4 = arith.constant 0 : index
    %get3A_5 = vector.load %arg1[%get3A_3, %get3A_4] : memref<1024x1xf32, #tpu.memory_space<vmem>>, vector<1024x1xf32>
    %sub3A = arith.subf %get3A_5, %slice3A : vector<1024x1xf32>
    %mul3A = arith.constant 0.00999999977 : f32
    %mul3A_6 = vector.broadcast %mul3A : f32 to vector<1024x1xf32>
    %mul3A_7 = arith.mulf %sub3A, %mul3A_6 : vector<1024x1xf32>
    %sub3A_8 = arith.subf %get3A_5, %mul3A_7 : vector<1024x1xf32>
    %div3A = arith.constant 0.00999999977 : f32
    %div3A_9 = vector.broadcast %div3A : f32 to vector<1024x1xf32>
    %div3A_10 = arith.divf %sub3A_8, %div3A_9 : vector<1024x1xf32>
    %reduce_sum3A = vector.shape_cast %div3A_10 : vector<1024x1xf32> to vector<1x1024x1xf32>
    %reduce_sum3A_11 = arith.constant dense<0.000000e+00> : vector<1xf32>
    %reduce_sum3A_12 = vector.multi_reduction <add>, %reduce_sum3A, %reduce_sum3A_11 [1, 2] : vector<1x1024x1xf32> to vector<1xf32>
    %reduce_sum3A_13 = vector.shape_cast %reduce_sum3A_12 : vector<1xf32> to vector<1x1x1xf32>
    %reduce_sum3A_14 = vector.extract %reduce_sum3A_13[0, 0, 0] : f32 from vector<1x1x1xf32>
    %add3A = arith.constant 9.99999974E-6 : f32
    %add3A_15 = vector.broadcast %add3A : f32 to vector<1024x1xf32>
    %add3A_16 = arith.addf %div3A_10, %add3A_15 : vector<1024x1xf32>
    %add3A_17 = arith.constant 1.024000e-02 : f32
    %add3A_18 = arith.addf %reduce_sum3A_14, %add3A_17 : f32
    %div3A_19 = vector.broadcast %add3A_18 : f32 to vector<1024x1xf32>
    %div3A_20 = arith.divf %add3A_16, %div3A_19 : vector<1024x1xf32>
    %mul3A_21 = vector.broadcast %reduce_sum3A_14 : f32 to vector<1024x1xf32>
    %mul3A_22 = arith.mulf %div3A_20, %mul3A_21 : vector<1024x1xf32>
    %get3A_23 = arith.constant 0 : index
    %get3A_24 = arith.constant 0 : index
    %get3A_25 = vector.load %arg2[%get3A_23, %get3A_24] : memref<1024x64xf32, #tpu.memory_space<vmem>>, vector<1024x64xf32>
    %sub3A_26 = arith.subf %get3A_25, %slice3A_2 : vector<1024x64xf32>
    %mul3A_27 = arith.constant 0.00999999977 : f32
    %mul3A_28 = vector.broadcast %mul3A_27 : f32 to vector<1024x64xf32>
    %mul3A_29 = arith.mulf %sub3A_26, %mul3A_28 : vector<1024x64xf32>
    %sub3A_30 = arith.subf %get3A_25, %mul3A_29 : vector<1024x64xf32>
    %div3A_31 = arith.constant 0.00999999977 : f32
    %div3A_32 = vector.broadcast %div3A_31 : f32 to vector<1024x64xf32>
    %div3A_33 = arith.divf %sub3A_30, %div3A_32 : vector<1024x64xf32>
    %div3A_34 = vector.broadcast %mul3A_22 : vector<1024x1xf32> to vector<1024x64xf32>
    %div3A_35 = arith.divf %div3A_33, %div3A_34 : vector<1024x64xf32>
    %swap3A = arith.constant 0 : index
    %swap3A_36 = arith.constant 0 : index
    %swap3A_37 = vector.load %arg4[%swap3A, %swap3A_36] : memref<1024x64xf32, #tpu.memory_space<vmem>>, vector<1024x64xf32>
    tpu.vector_store %arg4[%swap3A, %swap3A_36], %div3A_35 {strides = array<i32>} : memref<1024x64xf32, #tpu.memory_space<vmem>>, vector<1024x64xf32>,
    %swap3A_38 = arith.constant 0 : index
    %swap3A_39 = arith.constant 0 : index
    %swap3A_40 = vector.load %arg5[%swap3A_38, %swap3A_39] : memref<1024x1xf32, #tpu.memory_space<vmem>>, vector<1024x1xf32>
    tpu.vector_store %arg5[%swap3A_38, %swap3A_39], %sub3A_8 {strides = array<i32>} : memref<1024x1xf32, #tpu.memory_space<vmem>>, vector<1024x1xf32>,
    %swap3A_41 = arith.constant 0 : index
    %swap3A_42 = arith.constant 0 : index
    %swap3A_43 = vector.load %arg6[%swap3A_41, %swap3A_42] : memref<1024x64xf32, #tpu.memory_space<vmem>>, vector<1024x64xf32>
    tpu.vector_store %arg6[%swap3A_41, %swap3A_42], %sub3A_30 {strides = array<i32>} : memref<1024x64xf32, #tpu.memory_space<vmem>>, vector<1024x64xf32>,
    %div3A_44 = arith.constant 1.843200e+04 : f32
    %div3A_45 = vector.broadcast %div3A_44 : f32 to vector<1024x1xf32>
    %div3A_46 = arith.divf %slice3A, %div3A_45 : vector<1024x1xf32>
    %add3A_47 = arith.constant 9.99999997E-7 : f32
    %add3A_48 = vector.broadcast %add3A_47 : f32 to vector<1024x1xf32>
    %add3A_49 = arith.addf %div3A_46, %add3A_48 : vector<1024x1xf32>
    %log3A = math.log %add3A_49 : vector<1024x1xf32>
    %mul3A_50 = arith.mulf %div3A_46, %log3A : vector<1024x1xf32>
    %reduce_sum3A_51 = vector.shape_cast %mul3A_50 : vector<1024x1xf32> to vector<1x1024x1xf32>
    %reduce_sum3A_52 = arith.constant dense<0.000000e+00> : vector<1xf32>
    %reduce_sum3A_53 = vector.multi_reduction <add>, %reduce_sum3A_51, %reduce_sum3A_52 [1, 2] : vector<1x1024x1xf32> to vector<1xf32>
    %reduce_sum3A_54 = vector.shape_cast %reduce_sum3A_53 : vector<1xf32> to vector<1x1x1xf32>
    %reduce_sum3A_55 = vector.extract %reduce_sum3A_54[0, 0, 0] : f32 from vector<1x1x1xf32>
    %neg3A = arith.constant 0.000000e+00 : f32
    %neg3A_56 = arith.subf %neg3A, %reduce_sum3A_55 : f32
    %exp3A = math.exp %neg3A_56 : f32
    %get3A_57 = arith.constant 0 : index
    %get3A_58 = arith.constant 0 : index
    %get3A_59 = vector.load %arg3[%get3A_57, %get3A_58] : memref<1x128xf32, #tpu.memory_space<vmem>>, vector<1x128xf32>
    %reduce_sum3A_60 = vector.shape_cast %get3A_59 : vector<1x128xf32> to vector<1x1x128xf32>
    %reduce_sum3A_61 = arith.constant dense<0.000000e+00> : vector<1xf32>
    %reduce_sum3A_62 = vector.multi_reduction <add>, %reduce_sum3A_60, %reduce_sum3A_61 [1, 2] : vector<1x1x128xf32> to vector<1xf32>
    %reduce_sum3A_63 = vector.shape_cast %reduce_sum3A_62 : vector<1xf32> to vector<1x1x1xf32>
    %reduce_sum3A_64 = vector.extract %reduce_sum3A_63[0, 0, 0] : f32 from vector<1x1x1xf32>
    %div3A_65 = arith.constant 0x49900000 : f32
    %div3A_66 = arith.divf %reduce_sum3A_64, %div3A_65 : f32
    %mul3A_67 = arith.constant 2.500000e-01 : f32
    %mul3A_68 = arith.mulf %mul3A_67, %div3A_66 : f32
    %iota3A = tpu.iota {dimensions = array<i32: 1>} : vector<1x128xi32>
    %eq3A = arith.constant 0 : i32
    %eq3A_69 = vector.broadcast %eq3A : i32 to vector<1x128xi32>
    %eq3A_70 = arith.cmpi eq, %iota3A, %eq3A_69 : vector<1x128xi32>
    %eq3A_71 = arith.constant 1 : i32
    %eq3A_72 = vector.broadcast %eq3A_71 : i32 to vector<1x128xi32>
    %eq3A_73 = arith.cmpi eq, %iota3A, %eq3A_72 : vector<1x128xi32>
    %jit3A = arith.constant 0.000000e+00 : f32
    %broadcast_in_dim3A = vector.broadcast %exp3A : f32 to vector<1x128xf32>
    %broadcast_in_dim3A_74 = vector.broadcast %jit3A : f32 to vector<1x128xf32>
    %select_n3A = arith.select %eq3A_73, %broadcast_in_dim3A, %broadcast_in_dim3A_74 : vector<1x128xi1>, vector<1x128xf32>
    %broadcast_in_dim3A_75 = vector.broadcast %mul3A_68 : f32 to vector<1x128xf32>
    %select_n3A_76 = arith.select %eq3A_70, %broadcast_in_dim3A_75, %select_n3A : vector<1x128xi1>, vector<1x128xf32>
    %swap3A_77 = arith.constant 0 : index
    %swap3A_78 = arith.constant 0 : index
    %swap3A_79 = vector.load %arg7[%swap3A_77, %swap3A_78] : memref<1x128xf32, #tpu.memory_space<vmem>>, vector<1x128xf32>
    tpu.vector_store %arg7[%swap3A_77, %swap3A_78], %select_n3A_76 {strides = array<i32>} : memref<1x128xf32, #tpu.memory_space<vmem>>, vector<1x128xf32>,
    return
  }
}

module attributes {stable_mosaic.version = 14 : i64} {
  func.func @_ema_body(%arg0: memref<1024x128xf32, #tpu.memory_space<vmem>>, %arg1: memref<1024x1xf32, #tpu.memory_space<vmem>>, %arg2: memref<1024x64xf32, #tpu.memory_space<vmem>>, %arg3: memref<1x128xf32, #tpu.memory_space<vmem>>, %arg4: memref<1024x64xf32, #tpu.memory_space<vmem>>, %arg5: memref<1024x1xf32, #tpu.memory_space<vmem>>, %arg6: memref<1024x64xf32, #tpu.memory_space<vmem>>, %arg7: memref<1x128xf32, #tpu.memory_space<vmem>>) attributes {dimension_semantics = [], scalar_prefetch = 0 : i64, scratch_operands = 0 : i64, tpu.core_type = #tpu.core_type<tc>} {
    %get3A = arith.constant 0 : index
    %get3A_0 = arith.constant 0 : index
    %get3A_1 = vector.load %arg0[%get3A, %get3A_0] : memref<1024x128xf32, #tpu.memory_space<vmem>>, vector<1024x128xf32>
    %slice3A = vector.extract_strided_slice %get3A_1 {offsets = [0, 64], sizes = [1024, 1], strides = [1, 1]} : vector<1024x128xf32> to vector<1024x1xf32>
    %slice3A_2 = vector.extract_strided_slice %get3A_1 {offsets = [0, 0], sizes = [1024, 64], strides = [1, 1]} : vector<1024x128xf32> to vector<1024x64xf32>
    %get3A_3 = arith.constant 0 : index
    %get3A_4 = arith.constant 0 : index
    %get3A_5 = vector.load %arg1[%get3A_3, %get3A_4] : memref<1024x1xf32, #tpu.memory_space<vmem>>, vector<1024x1xf32>
    %sub3A = arith.subf %get3A_5, %slice3A : vector<1024x1xf32>
    %mul3A = arith.constant 0.00999999977 : f32
    %mul3A_6 = vector.broadcast %mul3A : f32 to vector<1024x1xf32>
    %mul3A_7 = arith.mulf %sub3A, %mul3A_6 : vector<1024x1xf32>
    %sub3A_8 = arith.subf %get3A_5, %mul3A_7 : vector<1024x1xf32>
    %div3A = arith.constant 1.990000e-02 : f32
    %div3A_9 = vector.broadcast %div3A : f32 to vector<1024x1xf32>
    %div3A_10 = arith.divf %sub3A_8, %div3A_9 : vector<1024x1xf32>
    %reduce_sum3A = vector.shape_cast %div3A_10 : vector<1024x1xf32> to vector<1x1024x1xf32>
    %reduce_sum3A_11 = arith.constant dense<0.000000e+00> : vector<1xf32>
    %reduce_sum3A_12 = vector.multi_reduction <add>, %reduce_sum3A, %reduce_sum3A_11 [1, 2] : vector<1x1024x1xf32> to vector<1xf32>
    %reduce_sum3A_13 = vector.shape_cast %reduce_sum3A_12 : vector<1xf32> to vector<1x1x1xf32>
    %reduce_sum3A_14 = vector.extract %reduce_sum3A_13[0, 0, 0] : f32 from vector<1x1x1xf32>
    %add3A = arith.constant 9.99999974E-6 : f32
    %add3A_15 = vector.broadcast %add3A : f32 to vector<1024x1xf32>
    %add3A_16 = arith.addf %div3A_10, %add3A_15 : vector<1024x1xf32>
    %add3A_17 = arith.constant 1.024000e-02 : f32
    %add3A_18 = arith.addf %reduce_sum3A_14, %add3A_17 : f32
    %div3A_19 = vector.broadcast %add3A_18 : f32 to vector<1024x1xf32>
    %div3A_20 = arith.divf %add3A_16, %div3A_19 : vector<1024x1xf32>
    %mul3A_21 = vector.broadcast %reduce_sum3A_14 : f32 to vector<1024x1xf32>
    %mul3A_22 = arith.mulf %div3A_20, %mul3A_21 : vector<1024x1xf32>
    %get3A_23 = arith.constant 0 : index
    %get3A_24 = arith.constant 0 : index
    %get3A_25 = vector.load %arg2[%get3A_23, %get3A_24] : memref<1024x64xf32, #tpu.memory_space<vmem>>, vector<1024x64xf32>
    %sub3A_26 = arith.subf %get3A_25, %slice3A_2 : vector<1024x64xf32>
    %mul3A_27 = arith.constant 0.00999999977 : f32
    %mul3A_28 = vector.broadcast %mul3A_27 : f32 to vector<1024x64xf32>
    %mul3A_29 = arith.mulf %sub3A_26, %mul3A_28 : vector<1024x64xf32>
    %sub3A_30 = arith.subf %get3A_25, %mul3A_29 : vector<1024x64xf32>
    %div3A_31 = arith.constant 1.990000e-02 : f32
    %div3A_32 = vector.broadcast %div3A_31 : f32 to vector<1024x64xf32>
    %div3A_33 = arith.divf %sub3A_30, %div3A_32 : vector<1024x64xf32>
    %div3A_34 = vector.broadcast %mul3A_22 : vector<1024x1xf32> to vector<1024x64xf32>
    %div3A_35 = arith.divf %div3A_33, %div3A_34 : vector<1024x64xf32>
    %swap3A = arith.constant 0 : index
    %swap3A_36 = arith.constant 0 : index
    %swap3A_37 = vector.load %arg4[%swap3A, %swap3A_36] : memref<1024x64xf32, #tpu.memory_space<vmem>>, vector<1024x64xf32>
    tpu.vector_store %arg4[%swap3A, %swap3A_36], %div3A_35 {strides = array<i32>} : memref<1024x64xf32, #tpu.memory_space<vmem>>, vector<1024x64xf32>,
    %swap3A_38 = arith.constant 0 : index
    %swap3A_39 = arith.constant 0 : index
    %swap3A_40 = vector.load %arg5[%swap3A_38, %swap3A_39] : memref<1024x1xf32, #tpu.memory_space<vmem>>, vector<1024x1xf32>
    tpu.vector_store %arg5[%swap3A_38, %swap3A_39], %sub3A_8 {strides = array<i32>} : memref<1024x1xf32, #tpu.memory_space<vmem>>, vector<1024x1xf32>,
    %swap3A_41 = arith.constant 0 : index
    %swap3A_42 = arith.constant 0 : index
    %swap3A_43 = vector.load %arg6[%swap3A_41, %swap3A_42] : memref<1024x64xf32, #tpu.memory_space<vmem>>, vector<1024x64xf32>
    tpu.vector_store %arg6[%swap3A_41, %swap3A_42], %sub3A_30 {strides = array<i32>} : memref<1024x64xf32, #tpu.memory_space<vmem>>, vector<1024x64xf32>,
    %div3A_44 = arith.constant 1.843200e+04 : f32
    %div3A_45 = vector.broadcast %div3A_44 : f32 to vector<1024x1xf32>
    %div3A_46 = arith.divf %slice3A, %div3A_45 : vector<1024x1xf32>
    %add3A_47 = arith.constant 9.99999997E-7 : f32
    %add3A_48 = vector.broadcast %add3A_47 : f32 to vector<1024x1xf32>
    %add3A_49 = arith.addf %div3A_46, %add3A_48 : vector<1024x1xf32>
    %log3A = math.log %add3A_49 : vector<1024x1xf32>
    %mul3A_50 = arith.mulf %div3A_46, %log3A : vector<1024x1xf32>
    %reduce_sum3A_51 = vector.shape_cast %mul3A_50 : vector<1024x1xf32> to vector<1x1024x1xf32>
    %reduce_sum3A_52 = arith.constant dense<0.000000e+00> : vector<1xf32>
    %reduce_sum3A_53 = vector.multi_reduction <add>, %reduce_sum3A_51, %reduce_sum3A_52 [1, 2] : vector<1x1024x1xf32> to vector<1xf32>
    %reduce_sum3A_54 = vector.shape_cast %reduce_sum3A_53 : vector<1xf32> to vector<1x1x1xf32>
    %reduce_sum3A_55 = vector.extract %reduce_sum3A_54[0, 0, 0] : f32 from vector<1x1x1xf32>
    %neg3A = arith.constant 0.000000e+00 : f32
    %neg3A_56 = arith.subf %neg3A, %reduce_sum3A_55 : f32
    %exp3A = math.exp %neg3A_56 : f32
    %get3A_57 = arith.constant 0 : index
    %get3A_58 = arith.constant 0 : index
    %get3A_59 = vector.load %arg3[%get3A_57, %get3A_58] : memref<1x128xf32, #tpu.memory_space<vmem>>, vector<1x128xf32>
    %reduce_sum3A_60 = vector.shape_cast %get3A_59 : vector<1x128xf32> to vector<1x1x128xf32>
    %reduce_sum3A_61 = arith.constant dense<0.000000e+00> : vector<1xf32>
    %reduce_sum3A_62 = vector.multi_reduction <add>, %reduce_sum3A_60, %reduce_sum3A_61 [1, 2] : vector<1x1x128xf32> to vector<1xf32>
    %reduce_sum3A_63 = vector.shape_cast %reduce_sum3A_62 : vector<1xf32> to vector<1x1x1xf32>
    %reduce_sum3A_64 = vector.extract %reduce_sum3A_63[0, 0, 0] : f32 from vector<1x1x1xf32>
    %div3A_65 = arith.constant 0x49900000 : f32
    %div3A_66 = arith.divf %reduce_sum3A_64, %div3A_65 : f32
    %mul3A_67 = arith.constant 2.500000e-01 : f32
    %mul3A_68 = arith.mulf %mul3A_67, %div3A_66 : f32
    %iota3A = tpu.iota {dimensions = array<i32: 1>} : vector<1x128xi32>
    %eq3A = arith.constant 0 : i32
    %eq3A_69 = vector.broadcast %eq3A : i32 to vector<1x128xi32>
    %eq3A_70 = arith.cmpi eq, %iota3A, %eq3A_69 : vector<1x128xi32>
    %eq3A_71 = arith.constant 1 : i32
    %eq3A_72 = vector.broadcast %eq3A_71 : i32 to vector<1x128xi32>
    %eq3A_73 = arith.cmpi eq, %iota3A, %eq3A_72 : vector<1x128xi32>
    %jit3A = arith.constant 0.000000e+00 : f32
    %broadcast_in_dim3A = vector.broadcast %exp3A : f32 to vector<1x128xf32>
    %broadcast_in_dim3A_74 = vector.broadcast %jit3A : f32 to vector<1x128xf32>
    %select_n3A = arith.select %eq3A_73, %broadcast_in_dim3A, %broadcast_in_dim3A_74 : vector<1x128xi1>, vector<1x128xf32>
    %broadcast_in_dim3A_75 = vector.broadcast %mul3A_68 : f32 to vector<1x128xf32>
    %select_n3A_76 = arith.select %eq3A_70, %broadcast_in_dim3A_75, %select_n3A : vector<1x128xi1>, vector<1x128xf32>
    %swap3A_77 = arith.constant 0 : index
    %swap3A_78 = arith.constant 0 : index
    %swap3A_79 = vector.load %arg7[%swap3A_77, %swap3A_78] : memref<1x128xf32, #tpu.memory_space<vmem>>, vector<1x128xf32>
    tpu.vector_store %arg7[%swap3A_77, %swap3A_78], %select_n3A_76 {strides = array<i32>} : memref<1x128xf32, #tpu.memory_space<vmem>>, vector<1x128xf32>,
    return
  }
}

module attributes {stable_mosaic.version = 14 : i64} {
  func.func @_argmin_body(%arg0: i32, %arg1: memref<2048x4x64xf32, #tpu.memory_space<vmem>>, %arg2: memref<1024x64xf32, #tpu.memory_space<vmem>>, %arg3: memref<1x1x2048xi32, #tpu.memory_space<vmem>>, %arg4: memref<1x128xf32, #tpu.memory_space<vmem>>, %arg5: memref<1024x128xf32, #tpu.memory_space<vmem>>) attributes {dimension_semantics = [#tpu.dimension_semantics<arbitrary>], iteration_bounds = array<i64: 9>, scalar_prefetch = 0 : i64, scratch_operands = 0 : i64, tpu.core_type = #tpu.core_type<tc>, window_params = [{transform_indices = @transform_0, window_bounds = array<i64: 2048, 4, 64>}, {pipeline_mode = #tpu.pipeline_mode<synchronous>, transform_indices = @transform_1, window_bounds = array<i64: 1024, 64>}, {transform_indices = @transform_2, window_bounds = array<i64: 1, 1, 2048>}, {pipeline_mode = #tpu.pipeline_mode<synchronous>, transform_indices = @transform_3, window_bounds = array<i64: 1, 128>}, {pipeline_mode = #tpu.pipeline_mode<synchronous>, transform_indices = @transform_4, window_bounds = array<i64: 1024, 128>}]} {
    %get3A = arith.constant 0 : index
    %get3A_0 = arith.constant 2 : index
    %get3A_1 = arith.constant 0 : index
    %get3A_2 = vector.load %arg1[%get3A, %get3A_0, %get3A_1] : memref<2048x4x64xf32, #tpu.memory_space<vmem>>, vector<2048x1x64xf32>
    %get3A_3 = vector.shape_cast %get3A_2 : vector<2048x1x64xf32> to vector<2048x64xf32>
    %get3A_4 = arith.constant 0 : index
    %get3A_5 = arith.constant 0 : index
    %get3A_6 = vector.load %arg2[%get3A_4, %get3A_5] : memref<1024x64xf32, #tpu.memory_space<vmem>>, vector<1024x64xf32>
    %convert_element_type3A = arith.truncf %get3A_3 : vector<2048x64xf32> to vector<2048x64xbf16>
    %convert_element_type3A_7 = arith.truncf %get3A_6 : vector<1024x64xf32> to vector<1024x64xbf16>
    %dot_general3A = arith.constant dense<0.000000e+00> : vector<2048x1024xf32>
    %dot_general3A_8 = tpu.matmul %convert_element_type3A, %convert_element_type3A_7, %dot_general3A {dimension_numbers = #tpu.dot_dimension_numbers<[1], [1], [0], [0], [0, 0, 1, 0], [], []>, transpose_lhs_hint = false} : vector<2048x64xbf16>, vector<1024x64xbf16>, vector<2048x1024xf32> -> vector<2048x1024xf32>
    %mul3A = arith.mulf %get3A_3, %get3A_3 : vector<2048x64xf32>
    %reduce_sum3A = arith.constant dense<0.000000e+00> : vector<2048xf32>
    %reduce_sum3A_9 = vector.multi_reduction <add>, %mul3A, %reduce_sum3A [1] : vector<2048x64xf32> to vector<2048xf32>
    %broadcast_in_dim3A = vector.shape_cast %reduce_sum3A_9 : vector<2048xf32> to vector<2048x1xf32>
    %mul3A_10 = arith.mulf %get3A_6, %get3A_6 : vector<1024x64xf32>
    %reduce_sum3A_11 = arith.constant dense<0.000000e+00> : vector<1024xf32>
    %reduce_sum3A_12 = vector.multi_reduction <add>, %mul3A_10, %reduce_sum3A_11 [1] : vector<1024x64xf32> to vector<1024xf32>
    %broadcast_in_dim3A_13 = vector.shape_cast %reduce_sum3A_12 : vector<1024xf32> to vector<1x1024xf32>
    %add3A = vector.broadcast %broadcast_in_dim3A : vector<2048x1xf32> to vector<2048x1024xf32>
    %add3A_14 = vector.broadcast %broadcast_in_dim3A_13 : vector<1x1024xf32> to vector<2048x1024xf32>
    %add3A_15 = arith.addf %add3A, %add3A_14 : vector<2048x1024xf32>
    %mul3A_16 = arith.constant 2.000000e+00 : f32
    %mul3A_17 = vector.broadcast %mul3A_16 : f32 to vector<2048x1024xf32>
    %mul3A_18 = arith.mulf %mul3A_17, %dot_general3A_8 : vector<2048x1024xf32>
    %sub3A = arith.subf %add3A_15, %mul3A_18 : vector<2048x1024xf32>
    %reduce_min3A = arith.constant dense<0x7F800000> : vector<2048xf32>
    %reduce_min3A_19 = vector.multi_reduction <minimumf>, %sub3A, %reduce_min3A [1] : vector<2048x1024xf32> to vector<2048xf32>
    %broadcast_in_dim3A_20 = vector.shape_cast %reduce_min3A_19 : vector<2048xf32> to vector<2048x1xf32>
    %iota3A = tpu.iota {dimensions = array<i32: 1>} : vector<2048x1024xi32>
    %eq3A = vector.broadcast %broadcast_in_dim3A_20 : vector<2048x1xf32> to vector<2048x1024xf32>
    %eq3A_21 = arith.cmpf oeq, %sub3A, %eq3A : vector<2048x1024xf32>
    %jit3A = arith.constant 1024 : i32
    %broadcast_in_dim3A_22 = vector.broadcast %jit3A : i32 to vector<2048x1024xi32>
    %select_n3A = arith.select %eq3A_21, %iota3A, %broadcast_in_dim3A_22 : vector<2048x1024xi1>, vector<2048x1024xi32>
    %reduce_min3A_23 = arith.constant dense<2147483647> : vector<2048xi32>
    %reduce_min3A_24 = vector.multi_reduction <minsi>, %select_n3A, %reduce_min3A_23 [1] : vector<2048x1024xi32> to vector<2048xi32>
    %broadcast_in_dim3A_25 = vector.shape_cast %reduce_min3A_24 : vector<2048xi32> to vector<1x1x2048xi32>
    %swap3A = arith.constant 0 : index
    %swap3A_26 = arith.constant 0 : index
    %swap3A_27 = arith.constant 0 : index
    %swap3A_28 = vector.load %arg3[%swap3A, %swap3A_26, %swap3A_27] : memref<1x1x2048xi32, #tpu.memory_space<vmem>>, vector<1x1x2048xi32>
    tpu.vector_store %arg3[%swap3A, %swap3A_26, %swap3A_27], %broadcast_in_dim3A_25 {strides = array<i32>} : memref<1x1x2048xi32, #tpu.memory_space<vmem>>, vector<1x1x2048xi32>,
    %iota3A_29 = tpu.iota {dimensions = array<i32: 0>} : vector<1024x2048xi32>
    %broadcast_in_dim3A_30 = vector.shape_cast %reduce_min3A_24 : vector<2048xi32> to vector<1x2048xi32>
    %eq3A_31 = vector.broadcast %broadcast_in_dim3A_30 : vector<1x2048xi32> to vector<1024x2048xi32>
    %eq3A_32 = arith.cmpi eq, %iota3A_29, %eq3A_31 : vector<1024x2048xi32>
    %convert_element_type3A_33 = arith.extui %eq3A_32 : vector<1024x2048xi1> to vector<1024x2048xi32>
    %convert_element_type3A_34 = arith.sitofp %convert_element_type3A_33 : vector<1024x2048xi32> to vector<1024x2048xf32>
    %convert_element_type3A_35 = arith.truncf %convert_element_type3A_34 : vector<1024x2048xf32> to vector<1024x2048xbf16>
    %broadcast_in_dim3A_36 = arith.constant 1.000000e+00 : bf16
    %broadcast_in_dim3A_37 = vector.broadcast %broadcast_in_dim3A_36 : bf16 to vector<2048x64xbf16>
    %concatenate3A = tpu.concatenate %convert_element_type3A, %broadcast_in_dim3A_37 in 1 : vector<2048x64xbf16>, vector<2048x64xbf16> -> vector<2048x128xbf16>
    %dot_general3A_38 = arith.constant dense<0.000000e+00> : vector<1024x128xf32>
    %dot_general3A_39 = tpu.matmul %convert_element_type3A_35, %concatenate3A, %dot_general3A_38 {dimension_numbers = #tpu.dot_dimension_numbers<[1], [0], [0], [1], [0, 0, 1, 1], [], []>, transpose_lhs_hint = false} : vector<1024x2048xbf16>, vector<2048x128xbf16>, vector<1024x128xf32> -> vector<1024x128xf32>
    %reshape3A = vector.shape_cast %broadcast_in_dim3A_20 : vector<2048x1xf32> to vector<16x128xf32>
    %reduce_sum3A_40 = arith.constant dense<0.000000e+00> : vector<128xf32>
    %reduce_sum3A_41 = vector.multi_reduction <add>, %reshape3A, %reduce_sum3A_40 [0] : vector<16x128xf32> to vector<128xf32>
    %eq3A_42 = arith.constant 0 : i32
    %eq3A_43 = arith.cmpi eq, %arg0, %eq3A_42 : i32
    %convert_element_type3A_44 = arith.extui %eq3A_43 : i1 to i32
    %cond3A = arith.constant 0 : i32
    %cond3A_45 = arith.cmpi ne, %convert_element_type3A_44, %cond3A : i32
    scf.if %cond3A_45 {
      %broadcast_in_dim3A_61 = arith.constant 0.000000e+00 : f32
      %broadcast_in_dim3A_62 = vector.broadcast %broadcast_in_dim3A_61 : f32 to vector<1x128xf32>
      %swap3A_63 = arith.constant 0 : index
      %swap3A_64 = arith.constant 0 : index
      %swap3A_65 = vector.load %arg4[%swap3A_63, %swap3A_64] : memref<1x128xf32, #tpu.memory_space<vmem>>, vector<1x128xf32>
      tpu.vector_store %arg4[%swap3A_63, %swap3A_64], %broadcast_in_dim3A_62 {strides = array<i32>} : memref<1x128xf32, #tpu.memory_space<vmem>>, vector<1x128xf32>,
      %broadcast_in_dim3A_66 = arith.constant 0.000000e+00 : f32
      %broadcast_in_dim3A_67 = vector.broadcast %broadcast_in_dim3A_66 : f32 to vector<1024x128xf32>
      %swap3A_68 = arith.constant 0 : index
      %swap3A_69 = arith.constant 0 : index
      %swap3A_70 = vector.load %arg5[%swap3A_68, %swap3A_69] : memref<1024x128xf32, #tpu.memory_space<vmem>>, vector<1024x128xf32>
      tpu.vector_store %arg5[%swap3A_68, %swap3A_69], %broadcast_in_dim3A_67 {strides = array<i32>} : memref<1024x128xf32, #tpu.memory_space<vmem>>, vector<1024x128xf32>,
    } else {
    }
    %get3A_46 = arith.constant 0 : index
    %get3A_47 = arith.constant 0 : index
    %get3A_48 = vector.load %arg4[%get3A_46, %get3A_47] : memref<1x128xf32, #tpu.memory_space<vmem>>, vector<1x128xf32>
    %broadcast_in_dim3A_49 = vector.shape_cast %reduce_sum3A_41 : vector<128xf32> to vector<1x128xf32>
    %add3A_50 = arith.addf %get3A_48, %broadcast_in_dim3A_49 : vector<1x128xf32>
    %swap3A_51 = arith.constant 0 : index
    %swap3A_52 = arith.constant 0 : index
    %swap3A_53 = vector.load %arg4[%swap3A_51, %swap3A_52] : memref<1x128xf32, #tpu.memory_space<vmem>>, vector<1x128xf32>
    tpu.vector_store %arg4[%swap3A_51, %swap3A_52], %add3A_50 {strides = array<i32>} : memref<1x128xf32, #tpu.memory_space<vmem>>, vector<1x128xf32>,
    %get3A_54 = arith.constant 0 : index
    %get3A_55 = arith.constant 0 : index
    %get3A_56 = vector.load %arg5[%get3A_54, %get3A_55] : memref<1024x128xf32, #tpu.memory_space<vmem>>, vector<1024x128xf32>
    %add3A_57 = arith.addf %get3A_56, %dot_general3A_39 : vector<1024x128xf32>
    %swap3A_58 = arith.constant 0 : index
    %swap3A_59 = arith.constant 0 : index
    %swap3A_60 = vector.load %arg5[%swap3A_58, %swap3A_59] : memref<1024x128xf32, #tpu.memory_space<vmem>>, vector<1024x128xf32>
    tpu.vector_store %arg5[%swap3A_58, %swap3A_59], %add3A_57 {strides = array<i32>} : memref<1024x128xf32, #tpu.memory_space<vmem>>, vector<1024x128xf32>,
    return
  }
  func.func @transform_0(%arg0: i32) -> (i32, i32, i32) {
    %c0_i32 = arith.constant 0 : i32
    %c0_i32_0 = arith.constant 0 : i32
    %c0_i32_1 = arith.constant 0 : i32
    return %arg0, %c0_i32, %c0_i32_0 : i32, i32, i32
  }
  func.func @transform_1(%arg0: i32) -> (i32, i32) {
    %c0_i32 = arith.constant 0 : i32
    %c0_i32_0 = arith.constant 0 : i32
    %c0_i32_1 = arith.constant 0 : i32
    return %c0_i32, %c0_i32_0 : i32, i32
  }
  func.func @transform_2(%arg0: i32) -> (i32, i32, i32) {
    %c0_i32 = arith.constant 0 : i32
    %c0_i32_0 = arith.constant 0 : i32
    %c0_i32_1 = arith.constant 0 : i32
    return %arg0, %c0_i32, %c0_i32_0 : i32, i32, i32
  }
  func.func @transform_3(%arg0: i32) -> (i32, i32) {
    %c0_i32 = arith.constant 0 : i32
    %c0_i32_0 = arith.constant 0 : i32
    %c0_i32_1 = arith.constant 0 : i32
    return %c0_i32, %c0_i32_0 : i32, i32
  }
  func.func @transform_4(%arg0: i32) -> (i32, i32) {
    %c0_i32 = arith.constant 0 : i32
    %c0_i32_0 = arith.constant 0 : i32
    %c0_i32_1 = arith.constant 0 : i32
    return %c0_i32, %c0_i32_0 : i32, i32
  }
}

module attributes {stable_mosaic.version = 14 : i64} {
  func.func @_ema_body(%arg0: memref<1024x128xf32, #tpu.memory_space<vmem>>, %arg1: memref<1024x1xf32, #tpu.memory_space<vmem>>, %arg2: memref<1024x64xf32, #tpu.memory_space<vmem>>, %arg3: memref<1x128xf32, #tpu.memory_space<vmem>>, %arg4: memref<1024x64xf32, #tpu.memory_space<vmem>>, %arg5: memref<1024x1xf32, #tpu.memory_space<vmem>>, %arg6: memref<1024x64xf32, #tpu.memory_space<vmem>>, %arg7: memref<1x128xf32, #tpu.memory_space<vmem>>) attributes {dimension_semantics = [], scalar_prefetch = 0 : i64, scratch_operands = 0 : i64, tpu.core_type = #tpu.core_type<tc>} {
    %get3A = arith.constant 0 : index
    %get3A_0 = arith.constant 0 : index
    %get3A_1 = vector.load %arg0[%get3A, %get3A_0] : memref<1024x128xf32, #tpu.memory_space<vmem>>, vector<1024x128xf32>
    %slice3A = vector.extract_strided_slice %get3A_1 {offsets = [0, 64], sizes = [1024, 1], strides = [1, 1]} : vector<1024x128xf32> to vector<1024x1xf32>
    %slice3A_2 = vector.extract_strided_slice %get3A_1 {offsets = [0, 0], sizes = [1024, 64], strides = [1, 1]} : vector<1024x128xf32> to vector<1024x64xf32>
    %get3A_3 = arith.constant 0 : index
    %get3A_4 = arith.constant 0 : index
    %get3A_5 = vector.load %arg1[%get3A_3, %get3A_4] : memref<1024x1xf32, #tpu.memory_space<vmem>>, vector<1024x1xf32>
    %sub3A = arith.subf %get3A_5, %slice3A : vector<1024x1xf32>
    %mul3A = arith.constant 0.00999999977 : f32
    %mul3A_6 = vector.broadcast %mul3A : f32 to vector<1024x1xf32>
    %mul3A_7 = arith.mulf %sub3A, %mul3A_6 : vector<1024x1xf32>
    %sub3A_8 = arith.subf %get3A_5, %mul3A_7 : vector<1024x1xf32>
    %div3A = arith.constant 2.970100e-02 : f32
    %div3A_9 = vector.broadcast %div3A : f32 to vector<1024x1xf32>
    %div3A_10 = arith.divf %sub3A_8, %div3A_9 : vector<1024x1xf32>
    %reduce_sum3A = vector.shape_cast %div3A_10 : vector<1024x1xf32> to vector<1x1024x1xf32>
    %reduce_sum3A_11 = arith.constant dense<0.000000e+00> : vector<1xf32>
    %reduce_sum3A_12 = vector.multi_reduction <add>, %reduce_sum3A, %reduce_sum3A_11 [1, 2] : vector<1x1024x1xf32> to vector<1xf32>
    %reduce_sum3A_13 = vector.shape_cast %reduce_sum3A_12 : vector<1xf32> to vector<1x1x1xf32>
    %reduce_sum3A_14 = vector.extract %reduce_sum3A_13[0, 0, 0] : f32 from vector<1x1x1xf32>
    %add3A = arith.constant 9.99999974E-6 : f32
    %add3A_15 = vector.broadcast %add3A : f32 to vector<1024x1xf32>
    %add3A_16 = arith.addf %div3A_10, %add3A_15 : vector<1024x1xf32>
    %add3A_17 = arith.constant 1.024000e-02 : f32
    %add3A_18 = arith.addf %reduce_sum3A_14, %add3A_17 : f32
    %div3A_19 = vector.broadcast %add3A_18 : f32 to vector<1024x1xf32>
    %div3A_20 = arith.divf %add3A_16, %div3A_19 : vector<1024x1xf32>
    %mul3A_21 = vector.broadcast %reduce_sum3A_14 : f32 to vector<1024x1xf32>
    %mul3A_22 = arith.mulf %div3A_20, %mul3A_21 : vector<1024x1xf32>
    %get3A_23 = arith.constant 0 : index
    %get3A_24 = arith.constant 0 : index
    %get3A_25 = vector.load %arg2[%get3A_23, %get3A_24] : memref<1024x64xf32, #tpu.memory_space<vmem>>, vector<1024x64xf32>
    %sub3A_26 = arith.subf %get3A_25, %slice3A_2 : vector<1024x64xf32>
    %mul3A_27 = arith.constant 0.00999999977 : f32
    %mul3A_28 = vector.broadcast %mul3A_27 : f32 to vector<1024x64xf32>
    %mul3A_29 = arith.mulf %sub3A_26, %mul3A_28 : vector<1024x64xf32>
    %sub3A_30 = arith.subf %get3A_25, %mul3A_29 : vector<1024x64xf32>
    %div3A_31 = arith.constant 2.970100e-02 : f32
    %div3A_32 = vector.broadcast %div3A_31 : f32 to vector<1024x64xf32>
    %div3A_33 = arith.divf %sub3A_30, %div3A_32 : vector<1024x64xf32>
    %div3A_34 = vector.broadcast %mul3A_22 : vector<1024x1xf32> to vector<1024x64xf32>
    %div3A_35 = arith.divf %div3A_33, %div3A_34 : vector<1024x64xf32>
    %swap3A = arith.constant 0 : index
    %swap3A_36 = arith.constant 0 : index
    %swap3A_37 = vector.load %arg4[%swap3A, %swap3A_36] : memref<1024x64xf32, #tpu.memory_space<vmem>>, vector<1024x64xf32>
    tpu.vector_store %arg4[%swap3A, %swap3A_36], %div3A_35 {strides = array<i32>} : memref<1024x64xf32, #tpu.memory_space<vmem>>, vector<1024x64xf32>,
    %swap3A_38 = arith.constant 0 : index
    %swap3A_39 = arith.constant 0 : index
    %swap3A_40 = vector.load %arg5[%swap3A_38, %swap3A_39] : memref<1024x1xf32, #tpu.memory_space<vmem>>, vector<1024x1xf32>
    tpu.vector_store %arg5[%swap3A_38, %swap3A_39], %sub3A_8 {strides = array<i32>} : memref<1024x1xf32, #tpu.memory_space<vmem>>, vector<1024x1xf32>,
    %swap3A_41 = arith.constant 0 : index
    %swap3A_42 = arith.constant 0 : index
    %swap3A_43 = vector.load %arg6[%swap3A_41, %swap3A_42] : memref<1024x64xf32, #tpu.memory_space<vmem>>, vector<1024x64xf32>
    tpu.vector_store %arg6[%swap3A_41, %swap3A_42], %sub3A_30 {strides = array<i32>} : memref<1024x64xf32, #tpu.memory_space<vmem>>, vector<1024x64xf32>,
    %div3A_44 = arith.constant 1.843200e+04 : f32
    %div3A_45 = vector.broadcast %div3A_44 : f32 to vector<1024x1xf32>
    %div3A_46 = arith.divf %slice3A, %div3A_45 : vector<1024x1xf32>
    %add3A_47 = arith.constant 9.99999997E-7 : f32
    %add3A_48 = vector.broadcast %add3A_47 : f32 to vector<1024x1xf32>
    %add3A_49 = arith.addf %div3A_46, %add3A_48 : vector<1024x1xf32>
    %log3A = math.log %add3A_49 : vector<1024x1xf32>
    %mul3A_50 = arith.mulf %div3A_46, %log3A : vector<1024x1xf32>
    %reduce_sum3A_51 = vector.shape_cast %mul3A_50 : vector<1024x1xf32> to vector<1x1024x1xf32>
    %reduce_sum3A_52 = arith.constant dense<0.000000e+00> : vector<1xf32>
    %reduce_sum3A_53 = vector.multi_reduction <add>, %reduce_sum3A_51, %reduce_sum3A_52 [1, 2] : vector<1x1024x1xf32> to vector<1xf32>
    %reduce_sum3A_54 = vector.shape_cast %reduce_sum3A_53 : vector<1xf32> to vector<1x1x1xf32>
    %reduce_sum3A_55 = vector.extract %reduce_sum3A_54[0, 0, 0] : f32 from vector<1x1x1xf32>
    %neg3A = arith.constant 0.000000e+00 : f32
    %neg3A_56 = arith.subf %neg3A, %reduce_sum3A_55 : f32
    %exp3A = math.exp %neg3A_56 : f32
    %get3A_57 = arith.constant 0 : index
    %get3A_58 = arith.constant 0 : index
    %get3A_59 = vector.load %arg3[%get3A_57, %get3A_58] : memref<1x128xf32, #tpu.memory_space<vmem>>, vector<1x128xf32>
    %reduce_sum3A_60 = vector.shape_cast %get3A_59 : vector<1x128xf32> to vector<1x1x128xf32>
    %reduce_sum3A_61 = arith.constant dense<0.000000e+00> : vector<1xf32>
    %reduce_sum3A_62 = vector.multi_reduction <add>, %reduce_sum3A_60, %reduce_sum3A_61 [1, 2] : vector<1x1x128xf32> to vector<1xf32>
    %reduce_sum3A_63 = vector.shape_cast %reduce_sum3A_62 : vector<1xf32> to vector<1x1x1xf32>
    %reduce_sum3A_64 = vector.extract %reduce_sum3A_63[0, 0, 0] : f32 from vector<1x1x1xf32>
    %div3A_65 = arith.constant 0x49900000 : f32
    %div3A_66 = arith.divf %reduce_sum3A_64, %div3A_65 : f32
    %mul3A_67 = arith.constant 2.500000e-01 : f32
    %mul3A_68 = arith.mulf %mul3A_67, %div3A_66 : f32
    %iota3A = tpu.iota {dimensions = array<i32: 1>} : vector<1x128xi32>
    %eq3A = arith.constant 0 : i32
    %eq3A_69 = vector.broadcast %eq3A : i32 to vector<1x128xi32>
    %eq3A_70 = arith.cmpi eq, %iota3A, %eq3A_69 : vector<1x128xi32>
    %eq3A_71 = arith.constant 1 : i32
    %eq3A_72 = vector.broadcast %eq3A_71 : i32 to vector<1x128xi32>
    %eq3A_73 = arith.cmpi eq, %iota3A, %eq3A_72 : vector<1x128xi32>
    %jit3A = arith.constant 0.000000e+00 : f32
    %broadcast_in_dim3A = vector.broadcast %exp3A : f32 to vector<1x128xf32>
    %broadcast_in_dim3A_74 = vector.broadcast %jit3A : f32 to vector<1x128xf32>
    %select_n3A = arith.select %eq3A_73, %broadcast_in_dim3A, %broadcast_in_dim3A_74 : vector<1x128xi1>, vector<1x128xf32>
    %broadcast_in_dim3A_75 = vector.broadcast %mul3A_68 : f32 to vector<1x128xf32>
    %select_n3A_76 = arith.select %eq3A_70, %broadcast_in_dim3A_75, %select_n3A : vector<1x128xi1>, vector<1x128xf32>
    %swap3A_77 = arith.constant 0 : index
    %swap3A_78 = arith.constant 0 : index
    %swap3A_79 = vector.load %arg7[%swap3A_77, %swap3A_78] : memref<1x128xf32, #tpu.memory_space<vmem>>, vector<1x128xf32>
    tpu.vector_store %arg7[%swap3A_77, %swap3A_78], %select_n3A_76 {strides = array<i32>} : memref<1x128xf32, #tpu.memory_space<vmem>>, vector<1x128xf32>,
    return
  }
}

module attributes {stable_mosaic.version = 14 : i64} {
  func.func @_argmin_body(%arg0: i32, %arg1: memref<2048x4x64xf32, #tpu.memory_space<vmem>>, %arg2: memref<1024x64xf32, #tpu.memory_space<vmem>>, %arg3: memref<1x1x2048xi32, #tpu.memory_space<vmem>>, %arg4: memref<1x128xf32, #tpu.memory_space<vmem>>, %arg5: memref<1024x128xf32, #tpu.memory_space<vmem>>) attributes {dimension_semantics = [#tpu.dimension_semantics<arbitrary>], iteration_bounds = array<i64: 9>, scalar_prefetch = 0 : i64, scratch_operands = 0 : i64, tpu.core_type = #tpu.core_type<tc>, window_params = [{transform_indices = @transform_0, window_bounds = array<i64: 2048, 4, 64>}, {pipeline_mode = #tpu.pipeline_mode<synchronous>, transform_indices = @transform_1, window_bounds = array<i64: 1024, 64>}, {transform_indices = @transform_2, window_bounds = array<i64: 1, 1, 2048>}, {pipeline_mode = #tpu.pipeline_mode<synchronous>, transform_indices = @transform_3, window_bounds = array<i64: 1, 128>}, {pipeline_mode = #tpu.pipeline_mode<synchronous>, transform_indices = @transform_4, window_bounds = array<i64: 1024, 128>}]} {
    %get3A = arith.constant 0 : index
    %get3A_0 = arith.constant 3 : index
    %get3A_1 = arith.constant 0 : index
    %get3A_2 = vector.load %arg1[%get3A, %get3A_0, %get3A_1] : memref<2048x4x64xf32, #tpu.memory_space<vmem>>, vector<2048x1x64xf32>
    %get3A_3 = vector.shape_cast %get3A_2 : vector<2048x1x64xf32> to vector<2048x64xf32>
    %get3A_4 = arith.constant 0 : index
    %get3A_5 = arith.constant 0 : index
    %get3A_6 = vector.load %arg2[%get3A_4, %get3A_5] : memref<1024x64xf32, #tpu.memory_space<vmem>>, vector<1024x64xf32>
    %convert_element_type3A = arith.truncf %get3A_3 : vector<2048x64xf32> to vector<2048x64xbf16>
    %convert_element_type3A_7 = arith.truncf %get3A_6 : vector<1024x64xf32> to vector<1024x64xbf16>
    %dot_general3A = arith.constant dense<0.000000e+00> : vector<2048x1024xf32>
    %dot_general3A_8 = tpu.matmul %convert_element_type3A, %convert_element_type3A_7, %dot_general3A {dimension_numbers = #tpu.dot_dimension_numbers<[1], [1], [0], [0], [0, 0, 1, 0], [], []>, transpose_lhs_hint = false} : vector<2048x64xbf16>, vector<1024x64xbf16>, vector<2048x1024xf32> -> vector<2048x1024xf32>
    %mul3A = arith.mulf %get3A_3, %get3A_3 : vector<2048x64xf32>
    %reduce_sum3A = arith.constant dense<0.000000e+00> : vector<2048xf32>
    %reduce_sum3A_9 = vector.multi_reduction <add>, %mul3A, %reduce_sum3A [1] : vector<2048x64xf32> to vector<2048xf32>
    %broadcast_in_dim3A = vector.shape_cast %reduce_sum3A_9 : vector<2048xf32> to vector<2048x1xf32>
    %mul3A_10 = arith.mulf %get3A_6, %get3A_6 : vector<1024x64xf32>
    %reduce_sum3A_11 = arith.constant dense<0.000000e+00> : vector<1024xf32>
    %reduce_sum3A_12 = vector.multi_reduction <add>, %mul3A_10, %reduce_sum3A_11 [1] : vector<1024x64xf32> to vector<1024xf32>
    %broadcast_in_dim3A_13 = vector.shape_cast %reduce_sum3A_12 : vector<1024xf32> to vector<1x1024xf32>
    %add3A = vector.broadcast %broadcast_in_dim3A : vector<2048x1xf32> to vector<2048x1024xf32>
    %add3A_14 = vector.broadcast %broadcast_in_dim3A_13 : vector<1x1024xf32> to vector<2048x1024xf32>
    %add3A_15 = arith.addf %add3A, %add3A_14 : vector<2048x1024xf32>
    %mul3A_16 = arith.constant 2.000000e+00 : f32
    %mul3A_17 = vector.broadcast %mul3A_16 : f32 to vector<2048x1024xf32>
    %mul3A_18 = arith.mulf %mul3A_17, %dot_general3A_8 : vector<2048x1024xf32>
    %sub3A = arith.subf %add3A_15, %mul3A_18 : vector<2048x1024xf32>
    %reduce_min3A = arith.constant dense<0x7F800000> : vector<2048xf32>
    %reduce_min3A_19 = vector.multi_reduction <minimumf>, %sub3A, %reduce_min3A [1] : vector<2048x1024xf32> to vector<2048xf32>
    %broadcast_in_dim3A_20 = vector.shape_cast %reduce_min3A_19 : vector<2048xf32> to vector<2048x1xf32>
    %iota3A = tpu.iota {dimensions = array<i32: 1>} : vector<2048x1024xi32>
    %eq3A = vector.broadcast %broadcast_in_dim3A_20 : vector<2048x1xf32> to vector<2048x1024xf32>
    %eq3A_21 = arith.cmpf oeq, %sub3A, %eq3A : vector<2048x1024xf32>
    %jit3A = arith.constant 1024 : i32
    %broadcast_in_dim3A_22 = vector.broadcast %jit3A : i32 to vector<2048x1024xi32>
    %select_n3A = arith.select %eq3A_21, %iota3A, %broadcast_in_dim3A_22 : vector<2048x1024xi1>, vector<2048x1024xi32>
    %reduce_min3A_23 = arith.constant dense<2147483647> : vector<2048xi32>
    %reduce_min3A_24 = vector.multi_reduction <minsi>, %select_n3A, %reduce_min3A_23 [1] : vector<2048x1024xi32> to vector<2048xi32>
    %broadcast_in_dim3A_25 = vector.shape_cast %reduce_min3A_24 : vector<2048xi32> to vector<1x1x2048xi32>
    %swap3A = arith.constant 0 : index
    %swap3A_26 = arith.constant 0 : index
    %swap3A_27 = arith.constant 0 : index
    %swap3A_28 = vector.load %arg3[%swap3A, %swap3A_26, %swap3A_27] : memref<1x1x2048xi32, #tpu.memory_space<vmem>>, vector<1x1x2048xi32>
    tpu.vector_store %arg3[%swap3A, %swap3A_26, %swap3A_27], %broadcast_in_dim3A_25 {strides = array<i32>} : memref<1x1x2048xi32, #tpu.memory_space<vmem>>, vector<1x1x2048xi32>,
    %iota3A_29 = tpu.iota {dimensions = array<i32: 0>} : vector<1024x2048xi32>
    %broadcast_in_dim3A_30 = vector.shape_cast %reduce_min3A_24 : vector<2048xi32> to vector<1x2048xi32>
    %eq3A_31 = vector.broadcast %broadcast_in_dim3A_30 : vector<1x2048xi32> to vector<1024x2048xi32>
    %eq3A_32 = arith.cmpi eq, %iota3A_29, %eq3A_31 : vector<1024x2048xi32>
    %convert_element_type3A_33 = arith.extui %eq3A_32 : vector<1024x2048xi1> to vector<1024x2048xi32>
    %convert_element_type3A_34 = arith.sitofp %convert_element_type3A_33 : vector<1024x2048xi32> to vector<1024x2048xf32>
    %convert_element_type3A_35 = arith.truncf %convert_element_type3A_34 : vector<1024x2048xf32> to vector<1024x2048xbf16>
    %broadcast_in_dim3A_36 = arith.constant 1.000000e+00 : bf16
    %broadcast_in_dim3A_37 = vector.broadcast %broadcast_in_dim3A_36 : bf16 to vector<2048x64xbf16>
    %concatenate3A = tpu.concatenate %convert_element_type3A, %broadcast_in_dim3A_37 in 1 : vector<2048x64xbf16>, vector<2048x64xbf16> -> vector<2048x128xbf16>
    %dot_general3A_38 = arith.constant dense<0.000000e+00> : vector<1024x128xf32>
    %dot_general3A_39 = tpu.matmul %convert_element_type3A_35, %concatenate3A, %dot_general3A_38 {dimension_numbers = #tpu.dot_dimension_numbers<[1], [0], [0], [1], [0, 0, 1, 1], [], []>, transpose_lhs_hint = false} : vector<1024x2048xbf16>, vector<2048x128xbf16>, vector<1024x128xf32> -> vector<1024x128xf32>
    %reshape3A = vector.shape_cast %broadcast_in_dim3A_20 : vector<2048x1xf32> to vector<16x128xf32>
    %reduce_sum3A_40 = arith.constant dense<0.000000e+00> : vector<128xf32>
    %reduce_sum3A_41 = vector.multi_reduction <add>, %reshape3A, %reduce_sum3A_40 [0] : vector<16x128xf32> to vector<128xf32>
    %eq3A_42 = arith.constant 0 : i32
    %eq3A_43 = arith.cmpi eq, %arg0, %eq3A_42 : i32
    %convert_element_type3A_44 = arith.extui %eq3A_43 : i1 to i32
    %cond3A = arith.constant 0 : i32
    %cond3A_45 = arith.cmpi ne, %convert_element_type3A_44, %cond3A : i32
    scf.if %cond3A_45 {
      %broadcast_in_dim3A_61 = arith.constant 0.000000e+00 : f32
      %broadcast_in_dim3A_62 = vector.broadcast %broadcast_in_dim3A_61 : f32 to vector<1x128xf32>
      %swap3A_63 = arith.constant 0 : index
      %swap3A_64 = arith.constant 0 : index
      %swap3A_65 = vector.load %arg4[%swap3A_63, %swap3A_64] : memref<1x128xf32, #tpu.memory_space<vmem>>, vector<1x128xf32>
      tpu.vector_store %arg4[%swap3A_63, %swap3A_64], %broadcast_in_dim3A_62 {strides = array<i32>} : memref<1x128xf32, #tpu.memory_space<vmem>>, vector<1x128xf32>,
      %broadcast_in_dim3A_66 = arith.constant 0.000000e+00 : f32
      %broadcast_in_dim3A_67 = vector.broadcast %broadcast_in_dim3A_66 : f32 to vector<1024x128xf32>
      %swap3A_68 = arith.constant 0 : index
      %swap3A_69 = arith.constant 0 : index
      %swap3A_70 = vector.load %arg5[%swap3A_68, %swap3A_69] : memref<1024x128xf32, #tpu.memory_space<vmem>>, vector<1024x128xf32>
      tpu.vector_store %arg5[%swap3A_68, %swap3A_69], %broadcast_in_dim3A_67 {strides = array<i32>} : memref<1024x128xf32, #tpu.memory_space<vmem>>, vector<1024x128xf32>,
    } else {
    }
    %get3A_46 = arith.constant 0 : index
    %get3A_47 = arith.constant 0 : index
    %get3A_48 = vector.load %arg4[%get3A_46, %get3A_47] : memref<1x128xf32, #tpu.memory_space<vmem>>, vector<1x128xf32>
    %broadcast_in_dim3A_49 = vector.shape_cast %reduce_sum3A_41 : vector<128xf32> to vector<1x128xf32>
    %add3A_50 = arith.addf %get3A_48, %broadcast_in_dim3A_49 : vector<1x128xf32>
    %swap3A_51 = arith.constant 0 : index
    %swap3A_52 = arith.constant 0 : index
    %swap3A_53 = vector.load %arg4[%swap3A_51, %swap3A_52] : memref<1x128xf32, #tpu.memory_space<vmem>>, vector<1x128xf32>
    tpu.vector_store %arg4[%swap3A_51, %swap3A_52], %add3A_50 {strides = array<i32>} : memref<1x128xf32, #tpu.memory_space<vmem>>, vector<1x128xf32>,
    %get3A_54 = arith.constant 0 : index
    %get3A_55 = arith.constant 0 : index
    %get3A_56 = vector.load %arg5[%get3A_54, %get3A_55] : memref<1024x128xf32, #tpu.memory_space<vmem>>, vector<1024x128xf32>
    %add3A_57 = arith.addf %get3A_56, %dot_general3A_39 : vector<1024x128xf32>
    %swap3A_58 = arith.constant 0 : index
    %swap3A_59 = arith.constant 0 : index
    %swap3A_60 = vector.load %arg5[%swap3A_58, %swap3A_59] : memref<1024x128xf32, #tpu.memory_space<vmem>>, vector<1024x128xf32>
    tpu.vector_store %arg5[%swap3A_58, %swap3A_59], %add3A_57 {strides = array<i32>} : memref<1024x128xf32, #tpu.memory_space<vmem>>, vector<1024x128xf32>,
    return
  }
  func.func @transform_0(%arg0: i32) -> (i32, i32, i32) {
    %c0_i32 = arith.constant 0 : i32
    %c0_i32_0 = arith.constant 0 : i32
    %c0_i32_1 = arith.constant 0 : i32
    return %arg0, %c0_i32, %c0_i32_0 : i32, i32, i32
  }
  func.func @transform_1(%arg0: i32) -> (i32, i32) {
    %c0_i32 = arith.constant 0 : i32
    %c0_i32_0 = arith.constant 0 : i32
    %c0_i32_1 = arith.constant 0 : i32
    return %c0_i32, %c0_i32_0 : i32, i32
  }
  func.func @transform_2(%arg0: i32) -> (i32, i32, i32) {
    %c0_i32 = arith.constant 0 : i32
    %c0_i32_0 = arith.constant 0 : i32
    %c0_i32_1 = arith.constant 0 : i32
    return %arg0, %c0_i32, %c0_i32_0 : i32, i32, i32
  }
  func.func @transform_3(%arg0: i32) -> (i32, i32) {
    %c0_i32 = arith.constant 0 : i32
    %c0_i32_0 = arith.constant 0 : i32
    %c0_i32_1 = arith.constant 0 : i32
    return %c0_i32, %c0_i32_0 : i32, i32
  }
  func.func @transform_4(%arg0: i32) -> (i32, i32) {
    %c0_i32 = arith.constant 0 : i32
    %c0_i32_0 = arith.constant 0 : i32
    %c0_i32_1 = arith.constant 0 : i32
    return %c0_i32, %c0_i32_0 : i32, i32
  }
}

module attributes {stable_mosaic.version = 14 : i64} {
  func.func @_stat_body(%arg0: memref<1024x128xf32, #tpu.memory_space<vmem>>, %arg1: memref<1x128xf32, #tpu.memory_space<vmem>>, %arg2: memref<1x128xf32, #tpu.memory_space<vmem>>) attributes {dimension_semantics = [], scalar_prefetch = 0 : i64, scratch_operands = 0 : i64, tpu.core_type = #tpu.core_type<tc>} {
    %get3A = arith.constant 0 : index
    %get3A_0 = arith.constant 0 : index
    %get3A_1 = vector.load %arg0[%get3A, %get3A_0] : memref<1024x128xf32, #tpu.memory_space<vmem>>, vector<1024x128xf32>
    %slice3A = vector.extract_strided_slice %get3A_1 {offsets = [0, 64], sizes = [1024, 1], strides = [1, 1]} : vector<1024x128xf32> to vector<1024x1xf32>
    %div3A = arith.constant 1.843200e+04 : f32
    %div3A_2 = vector.broadcast %div3A : f32 to vector<1024x1xf32>
    %div3A_3 = arith.divf %slice3A, %div3A_2 : vector<1024x1xf32>
    %add3A = arith.constant 9.99999997E-7 : f32
    %add3A_4 = vector.broadcast %add3A : f32 to vector<1024x1xf32>
    %add3A_5 = arith.addf %div3A_3, %add3A_4 : vector<1024x1xf32>
    %log3A = math.log %add3A_5 : vector<1024x1xf32>
    %mul3A = arith.mulf %div3A_3, %log3A : vector<1024x1xf32>
    %reduce_sum3A = vector.shape_cast %mul3A : vector<1024x1xf32> to vector<1x1024x1xf32>
    %reduce_sum3A_6 = arith.constant dense<0.000000e+00> : vector<1xf32>
    %reduce_sum3A_7 = vector.multi_reduction <add>, %reduce_sum3A, %reduce_sum3A_6 [1, 2] : vector<1x1024x1xf32> to vector<1xf32>
    %reduce_sum3A_8 = vector.shape_cast %reduce_sum3A_7 : vector<1xf32> to vector<1x1x1xf32>
    %reduce_sum3A_9 = vector.extract %reduce_sum3A_8[0, 0, 0] : f32 from vector<1x1x1xf32>
    %neg3A = arith.constant 0.000000e+00 : f32
    %neg3A_10 = arith.subf %neg3A, %reduce_sum3A_9 : f32
    %exp3A = math.exp %neg3A_10 : f32
    %get3A_11 = arith.constant 0 : index
    %get3A_12 = arith.constant 0 : index
    %get3A_13 = vector.load %arg1[%get3A_11, %get3A_12] : memref<1x128xf32, #tpu.memory_space<vmem>>, vector<1x128xf32>
    %reduce_sum3A_14 = vector.shape_cast %get3A_13 : vector<1x128xf32> to vector<1x1x128xf32>
    %reduce_sum3A_15 = arith.constant dense<0.000000e+00> : vector<1xf32>
    %reduce_sum3A_16 = vector.multi_reduction <add>, %reduce_sum3A_14, %reduce_sum3A_15 [1, 2] : vector<1x1x128xf32> to vector<1xf32>
    %reduce_sum3A_17 = vector.shape_cast %reduce_sum3A_16 : vector<1xf32> to vector<1x1x1xf32>
    %reduce_sum3A_18 = vector.extract %reduce_sum3A_17[0, 0, 0] : f32 from vector<1x1x1xf32>
    %div3A_19 = arith.constant 0x49900000 : f32
    %div3A_20 = arith.divf %reduce_sum3A_18, %div3A_19 : f32
    %mul3A_21 = arith.constant 2.500000e-01 : f32
    %mul3A_22 = arith.mulf %mul3A_21, %div3A_20 : f32
    %iota3A = tpu.iota {dimensions = array<i32: 1>} : vector<1x128xi32>
    %eq3A = arith.constant 0 : i32
    %eq3A_23 = vector.broadcast %eq3A : i32 to vector<1x128xi32>
    %eq3A_24 = arith.cmpi eq, %iota3A, %eq3A_23 : vector<1x128xi32>
    %eq3A_25 = arith.constant 1 : i32
    %eq3A_26 = vector.broadcast %eq3A_25 : i32 to vector<1x128xi32>
    %eq3A_27 = arith.cmpi eq, %iota3A, %eq3A_26 : vector<1x128xi32>
    %jit3A = arith.constant 0.000000e+00 : f32
    %broadcast_in_dim3A = vector.broadcast %exp3A : f32 to vector<1x128xf32>
    %broadcast_in_dim3A_28 = vector.broadcast %jit3A : f32 to vector<1x128xf32>
    %select_n3A = arith.select %eq3A_27, %broadcast_in_dim3A, %broadcast_in_dim3A_28 : vector<1x128xi1>, vector<1x128xf32>
    %broadcast_in_dim3A_29 = vector.broadcast %mul3A_22 : f32 to vector<1x128xf32>
    %select_n3A_30 = arith.select %eq3A_24, %broadcast_in_dim3A_29, %select_n3A : vector<1x128xi1>, vector<1x128xf32>
    %swap3A = arith.constant 0 : index
    %swap3A_31 = arith.constant 0 : index
    %swap3A_32 = vector.load %arg2[%swap3A, %swap3A_31] : memref<1x128xf32, #tpu.memory_space<vmem>>, vector<1x128xf32>
    tpu.vector_store %arg2[%swap3A, %swap3A_31], %select_n3A_30 {strides = array<i32>} : memref<1x128xf32, #tpu.memory_space<vmem>>, vector<1x128xf32>,
    return
  }
}

</mosaic_0001>

<sc_bundles>
// kernel: kernel.14.cloned.1.call-start
scs
__scs_entry_jumppad:
0x0: {  	(pc) =	sbr.rel $0x88, $3  }
0x1: {  	(tag) =	ssettag $0x0;
	lr =	simm.s32 $0x1  }
0x2: {  	[smem:$0x3F9F] =	sst lr;
	_ =	strace $0xD0000000  }
0x3: {  	_ = 	snop  }
0x4: {  	_ = 	snop  }
0x5: {  	_ = 	snop  }
0x6: {  	_ = 	snop  }
0x7: {  	_ = 	snop  }
__scs_overlays_trampoline_lowered:
0x8: {  	[smem:$0x3FAE] =	sst s0  }
0x9: {  	[smem:$0x3FAF] =	sst s1  }
0xa: {  	[smem:$0x3FB0] =	sst s2  }
0xb: {  	[smem:$0x3FB1] =	sst s3  }
0xc: {  	[smem:$0x3FB2] =	sst s4  }
0xd: {  	[smem:$0x3FB3] =	sst s5  }
0xe: {  	[smem:$0x3FB4] =	sst s6  }
0xf: {  	[smem:$0x3FB5] =	sst s7  }
0x10: {  	[smem:$0x3FB6] =	sst s8  }
0x11: {  	[smem:$0x3FB7] =	sst s9;
	s0 =	simm.s32 @!p0 $0x0  }
0x12: {  	s1 =	sld [smem:$0x3F9D];
	s0 =	simm.s32 @p0 $0x1  }
0x13: {  	[smem:$0x3FB8] =	sst s0;
	s0 =	simm.s32 @!p1 $0x0  }
0x14: {  	s2 =	sld [smem:$0x3F9C];
	s0 =	simm.s32 @p1 $0x1  }
0x15: {  	[smem:$0x3FB9] =	sst s0;
	s0 =	simm.s32 @!p2 $0x0  }
0x16: {  	s3 =	sld [smem:$0x3FDB];
	s0 =	simm.s32 @p2 $0x1  }
0x17: {  	s4 =	simm.s32 $0x1BF5;
	[smem:$0x3FBB] =	sst s0  }
0x18: {  	s0 =	sld [smem:$0x3F9E];
	_ =	swait.ge [sflag:s4], $0x0  }
0x19: {  	s7 =	sld [smem:$0x3F9F]  }
0x1a: {  	s8 =	sadd.s32 $0xFFFFE003, lr  }
0x1b: {  	s9 =	sadd.s32 $0xFFFFFEF7, lr;
	s5 =	simm.s32 $0xFFFFFFFF;
	p2 =	slt.u32 s8, $0xFFFFF086  }
0x1c: {  	p1 =	slt.u32 s9, $0xF7A;
	s5 =	simm.s32 @!p2 $0x0  }
0x1d: {  	s5 =	simm.s32 @p1 $0x1;
	p0 =	seq.s32 s7, s2  }
0x1e: {  	s7 =	smul.u32 @!p0 $0xF7A, s2;
	p2 =	seq.s32 @!p0 s5, $0x0  }
0x1f: {  	s9 =	smul.u32 $0xF7A, s1;
	s8 =	simm.s32 @!p0 $0x1BF5;
	p2 =	por !p2, p0  }
0x20: {  	[sflag:s8] =	ssyncset.s32 @!p0 $0xFFFFF086;
	s6 =	sadd.s32 @!p0 s3, s7;
	s7 =	simm.s32 @!p0 $0x108  }
0x21: {  	s3 =	sadd.s32 s3, s9;
	s6 =	sadd.s32 @!p0 $0x88, s6;
	s7 =	simm.s32 @p2 $0x1082  }
0x22: {  	[simem:s7], [sflag:s8] =	dma.local @!p0 [hbm:s6], $0xF7A  }
0x23: {  	s9 =	sor.u32 $0xD0000000, s2;
	s6 =	simm.s32 $0x108;
	_ =	swait.ge @!p0 [sflag:s8], $0x0  }
0x24: {  	s3 =	sadd.s32 $0x88, s3;
	s6 =	simm.s32 @!p1 $0x1082;
	[sflag:s4] =	ssyncset.s32 $0xFFFFF086  }
0x25: {  	[simem:s6], [sflag:s4] =	dma.local [hbm:s3], $0xF7A  }
0x26: {  	[smem:$0x3F9F] =	sst s1;
	(tag) =	ssettag s2;
	_ =	strace s9  }
0x27: {  	s1 =	sld [smem:$0x3FAF]  }
0x28: {  	s2 =	sld [smem:$0x3FB0]  }
0x29: {  	s4 =	sld [smem:$0x3FB2]  }
0x2a: {  	p0 =	seq.s32 s5, $0x0;
	s5 =	sld [smem:$0x3FB3]  }
0x2b: {  	s6 =	sld [smem:$0x3FB4]  }
0x2c: {  	s7 =	sld [smem:$0x3FB5]  }
0x2d: {  	s3 =	simm.s32 $0x108;
	s8 =	sld [smem:$0x3FB6]  }
0x2e: {  	s3 =	simm.s32 @!p0 $0x1082;
	s9 =	sld [smem:$0x3FB7]  }
0x2f: {  	lr =	sadd.s32 s0, s3;
	s0 =	sld [smem:$0x3FAE]  }
0x30: {  	s3 =	sld [smem:$0x3FB1]  }
0x31: {  	[smem:$0x3FBA] =	sst s10  }
0x32: {  	s10 =	sld [smem:$0x3FB8];
	_ =	sdelay $0x3  }
0x33: {  	p0 =	seq.s32 s10, $0x1;
	s10 =	sld [smem:$0x3FBA];
	_ =	sdelay $0x3  }
0x34: {  	[smem:$0x3FBA] =	sst s10  }
0x35: {  	s10 =	sld [smem:$0x3FB9];
	_ =	sdelay $0x3  }
0x36: {  	p1 =	seq.s32 s10, $0x1;
	s10 =	sld [smem:$0x3FBA];
	_ =	sdelay $0x3  }
0x37: {  	[smem:$0x3FBA] =	sst s10  }
0x38: {  	s10 =	sld [smem:$0x3FBB]  }
0x39: {  	_ = 	snop;
	(pc) =	sbr.ind lr, $3  }
0x3a: {  	_ = 	snop  }
0x3b: {  	_ = 	snop  }
0x3c: {  	p2 =	seq.s32 s10, $0x1;
	s10 =	sld [smem:$0x3FBA]  }
0x3d: {  	_ =	shalt  }
0x3e: {  	_ =	shalt  }
0x3f: {  	_ =	shalt  }
0x40: {  	_ =	shalt  }
0x41: {  	_ =	shalt  }
0x42: {  	_ =	shalt  }
0x43: {  	_ =	shalt  }
0x44: {  	_ =	shalt  }
0x45: {  	_ =	shalt  }
0x46: {  	_ =	shalt  }
0x47: {  	_ =	shalt  }
0x48: {  	_ =	shalt  }
0x49: {  	_ =	shalt  }
0x4a: {  	_ =	shalt  }
0x4b: {  	_ =	shalt  }
0x4c: {  	_ =	shalt  }
0x4d: {  	_ =	shalt  }
0x4e: {  	_ =	shalt  }
0x4f: {  	_ =	shalt  }
0x50: {  	_ =	shalt  }
0x51: {  	_ =	shalt  }
0x52: {  	_ =	shalt  }
0x53: {  	_ =	shalt  }
0x54: {  	_ =	shalt  }
0x55: {  	_ =	shalt  }
0x56: {  	_ =	shalt  }
0x57: {  	_ =	shalt  }
0x58: {  	_ =	shalt  }
0x59: {  	_ =	shalt  }
0x5a: {  	_ =	shalt  }
0x5b: {  	_ =	shalt  }
0x5c: {  	_ =	shalt  }
0x5d: {  	_ =	shalt  }
0x5e: {  	_ =	shalt  }
0x5f: {  	_ =	shalt  }
0x60: {  	_ =	shalt  }
0x61: {  	_ =	shalt  }
0x62: {  	_ =	shalt  }
0x63: {  	_ =	shalt  }
0x64: {  	_ =	shalt  }
0x65: {  	_ =	shalt  }
0x66: {  	_ =	shalt  }
0x67: {  	_ =	shalt  }
0x68: {  	_ =	shalt  }
0x69: {  	_ =	shalt  }
0x6a: {  	_ =	shalt  }
0x6b: {  	_ =	shalt  }
0x6c: {  	_ =	shalt  }
0x6d: {  	_ =	shalt  }
0x6e: {  	_ =	shalt  }
0x6f: {  	_ =	shalt  }
0x70: {  	_ =	shalt  }
0x71: {  	_ =	shalt  }
0x72: {  	_ =	shalt  }
0x73: {  	_ =	shalt  }
0x74: {  	_ =	shalt  }
0x75: {  	_ =	shalt  }
0x76: {  	_ =	shalt  }
0x77: {  	_ =	shalt  }
0x78: {  	_ =	shalt  }
0x79: {  	_ =	shalt  }
0x7a: {  	_ =	shalt  }
0x7b: {  	_ =	shalt  }
0x7c: {  	_ =	shalt  }
0x7d: {  	_ =	shalt  }
0x7e: {  	_ =	shalt  }
0x7f: {  	_ =	shalt  }
0x80: {  	_ =	shalt  }
0x81: {  	_ =	shalt  }
0x82: {  	_ =	shalt  }
0x83: {  	_ =	shalt  }
0x84: {  	_ =	shalt  }
0x85: {  	_ =	shalt  }
0x86: {  	_ =	shalt  }
0x87: {  	_ =	shalt  }
.Lfunc_end0:
.L_simem_size_0:
called_computation_lowered:
.L_overlay_start_0:
0x88: {  	s2 =	sld [smem:$0x3FD9]  }
0x89: {  	s3 =	sld [smem:$0x3FFE];
	_ =	sdelay $0x1  }
0x8a: {  	s1 =	srdreg.scid  }
0x8b: {  	s0 =	sand.u32 $0x1, s1  }
0x8c: {  	s15 =	sshll.u32 s0, $0xA;
	s2 =	sadd.s32 s3, s2  }
0x8d: {  	s2 =	sadd.s32 s2, s15  }
0x8e: {  	[smem:$0x3FC6] =	sst s2  }
0x8f: {  	_ = 	snop  }
0x90: {  	s2 =	sld [smem:$0x3FD0];
	_ =	sdelay $0x2  }
0x91: {  	s16 =	simm.s32 $0xD;
	s4 =	simm.s32 $0x10  }
0x92: {  	[smem:s4], [sflag:s16] =	dma.local [hbm:s2], $0x1  }
0x93: {  	_ =	swait.eq [sflag:s16], $0x1  }
0x94: {  	[sflag:s16] =	ssyncset.done $0x0  }
0x95: {  	[sflag:s16] =	ssyncadd.s32 $0xFFFFFFFF  }
0x96: {  	s17 =	sld [smem:$0x10];
	(tm) =	ssettm $0x1  }
0x97: {  	s18 =	sld [smem:$0x3FFB];
	_ =	sdelay $0x3  }
0x98: {  	_ =	strace s18  }
0x99: {  	s2 =	sld [smem:$0x3FFC];
	_ =	sdelay $0x3  }
0x9a: {  	_ =	strace s2  }
0x9b: {  	s2 =	sld [smem:$0x3FFD];
	_ =	sdelay $0x3  }
0x9c: {  	_ =	strace s2  }
0x9d: {  	_ =	strace $0x8FFFFFFF  }
0x9e: {  	s19 =	sld [smem:$0x3FDB];
	_ =	sdelay $0x1  }
0x9f: {  	s20 =	simm.s32 $_scs_section_size  }
0xa0: {  	s5 =	simm.s32 $_size__tile_overlayer_lowered;
	s6 =	simm.s32 $_tile_overlayer_lowered  }
0xa1: {  	s7 =	simm.s32 $0x1BFF;
	s21 =	sshll.u32 s6, $0x1;
	s4 =	sadd.s32 s20, s19  }
0xa2: {  	s22 =	simm.s32 $0x0;
	s5 =	sshll.u32 s5, $0x1;
	s6 =	sadd.s32 s21, s4  }
0xa3: {  	[timem:s22], [sflag:s7] =	dma.local [hbm:s6], s5  }
0xa4: {  	_ =	swait.ge [sflag:s7], s5  }
0xa5: {  	s5 =	ssub.s32 $0x0, s5;
	[sflag:s7] =	ssyncset.done $0x0  }
0xa6: {  	[sflag:s7] =	ssyncadd.s32 s5;
	_ =	sdelay $0x1  }
0xa7: {  	s23 =	simm.s32 $0x1B8B  }
0xa8: {  	_ =	swait.ge [sflag:s23], $0x1  }
0xa9: {  	[sflag:s23] =	ssyncset.done $0x0  }
0xaa: {  	[sflag:s23] =	ssyncadd.s32 $0xFFFFFFFF  }
0xab: {  	s5 =	sld [smem:$0x0]  }
0xac: {  	s6 =	sand.u32 $0xFFFFFFFE, s1  }
0xad: {  	p0 =	sne.s32 s1, s6  }
0xae: {  	s6 =	sshll.u32 @p0 s6, $0xE  }
0xaf: {  	s6 =	sadd.s32 @p0 $0x11B8D, s6;
	s7 =	sshll.u32 @p0 s5, $0x11  }
0xb0: {  	s6 =	sor.u32 @p0 s7, s6  }
0xb1: {  	[sflag:s6] =	ssyncadd.remote.s32 @p0 $0x1;
	_ =	sdelay $0x1  }
0xb2: {  	s6 =	simm.s32 @p0 $0x1B8D  }
0xb3: {  	_ =	swait.eq @p0 [sflag:s6], $0x1  }
0xb4: {  	[sflag:s6] =	ssyncadd.s32 @p0 $0xFFFFFFFF  }
0xb5: {  	s7 =	sshll.u32 @!p0 s1, $0xE  }
0xb6: {  	s7 =	sor.u32 @!p0 $0x4000, s7;
	s6 =	simm.s32 @!p0 $0x1B8D  }
0xb7: {  	s5 =	sshll.u32 @!p0 s5, $0x11;
	s7 =	sadd.s32 @!p0 $0x11B8D, s7;
	_ =	swait.eq @!p0 [sflag:s6], $0x1  }
0xb8: {  	s5 =	sor.u32 @!p0 s5, s7;
	[sflag:s6] =	ssyncadd.s32 @!p0 $0xFFFFFFFF  }
0xb9: {  	s25 =	simm.s32 $0x1B8E;
	s24 =	sld [smem:$0x3FFE];
	[sflag:s5] =	ssyncadd.remote.s32 @!p0 $0x1  }
0xba: {  	s26 =	simm.s32 $execute0_lowered;
	[smem:$0x3FD2] =	sst s25  }
0xbb: {  	s6 =	sshll.u32 s26, $0x1;
	_ =	strace $0x8000004F;
	[dreg:$0x1] =	wrdreg $0xFFFFFFFF  }
0xbc: {  	s28 =	simm.s32 $_size_execute0_lowered;
	s4 =	sadd.s32 s4, s6;
	[dreg:$0x0] =	wrdreg $0x0  }
0xbd: {  	s6 =	sshll.u32 s28, $0x1;
	[dreg:$0x2] =	wrdreg s4  }
0xbe: {  	[dreg:$0x3] =	wrdreg s6  }
0xbf: {  	[dreg:$0x4] =	wrdreg $0xC0  }
0xc0: {  	_ =	task [dreg:s22], $0x5FFFF  }
0xc1: {  	[dreg:$0x1] =	wrdreg $0xFFFFFFFF  }
0xc2: {  	[dreg:$0x0] =	wrdreg $0x60  }
0xc3: {  	[dreg:$0x2] =	wrdreg s24  }
0xc4: {  	[dreg:$0x3] =	wrdreg s17  }
0xc5: {  	[dreg:$0x4] =	wrdreg $0x9  }
0xc6: {  	_ =	task.clear_ibuf [dreg:s22], $0x5FFFF;
	_ =	strace $0x9000004F  }
0xc7: {  	s29 =	simm.s32 $0x9;
	_ =	strace $0x80000051  }
0xc8: {  	_ =	swait.ge [sflag:s29], $0x1  }
0xc9: {  	[sflag:s29] =	ssyncadd.s32 $0xFFFFFFFF  }
0xca: {  	_ =	strace $0x90000051  }
0xcb: {  	_ =	sfence  }
0xcc: {  	s30 =	sld [smem:$0x0];
	_ =	sdelay $0x2  }
0xcd: {  	s31 =	sshll.u32 s1, $0xD;
	s1 =	sshrl.u32 s1, $0x2  }
0xce: {  	s4 =	sand.u32 $0x4000, s31;
	s1 =	sadd.s32 s1, s30  }
0xcf: {  	s0 =	sor.u32 s4, s0;
	s1 =	sshll.u32 s1, $0x11  }
0xd0: {  	s0 =	sor.u32 s1, s0  }
0xd1: {  	s0 =	sadd.s32 $0x8F2B, s0  }
0xd2: {  	[sflag:s0] =	ssyncadd.remote.s32 $0x1  }
0xd3: {  	_ =	sfence.sel $0xFFFF  }
0xd4: {  	[dreg:$0x0] =	wrdreg $0xFFFFFFFF;
	(pc) =	sbr.abs _section_cstart, $3  }
0xd5: {  	[dreg:$0x1] =	wrdreg $0xFFFFFFFF  }
0xd6: {  	_ =	task.clear_ibuf [dreg:s22], $0x2FFFF;
	_ =	strace $0x9FFFFFFF  }
0xd7: {  	(tm) =	ssettm $0x7FFFFFFF  }
tec
execute0_lowered:
.L_overlay_start_1:
0x0: {  	(tag) =	ssettag $0x1  }
0x1: {  	s0 =	srdreg.scid  }
0x2: {  	s25 =	sand.u32 $0x1, s0  }
0x3: {  	s0 =	stileid.u32;
	s1 =	sshll.u32 s25, $0x4  }
0x4: {  	s5 =	rddreg [dreg:$0x0];
	s26 =	sor.u32 s0, s1  }
0x5: {  	s24 =	rddreg [dreg:$0x1];
	s2 =	simm.s32 $0x0;
	s3 =	smul.u32 $0x48, s26  }
0x6: {  	[smem:$0x7FF] =	sst s2  }
0x7: {  	s1 =	rddreg [dreg:$0x2];
	s3 =	sadd.s32 s3, s5  }
0x8: {  	_ =	strace $0x80000050;
	s4 =	sadd.s32 $0x122C00, s3;
	s3 =	simm.s32 $0x2  }
0x9: {  	[tilespmem:s2], [sflag:$0x2] =	stream.linear.gather [hbm4b:s4+s2], $0x240, $0x38;
	[tilespmem:$0x9240] =	vst v63  }
0xa: {  	_ =	swait.ge [sflag:s3], $0x240  }
0xb: {  	s6 =	simm.s32 $0x40;
	[sflag:s3] =	ssyncset.done $0x0  }
0xc: {  	s7 =	simm.s32 $0x240;
	s5 =	sadd.s32 $0x75600, s5;
	[sflag:s3] =	ssyncadd.s32 $0xFFFFFDC0  }
0xd: {  	[tilespmem:s7], [sflag:$0x1] =	stream.indirect.gather [hbm4b:s5+s6], $0x40, s2, s6, $0xb8;
	[tilespmem:$0x9240] =	vst v63  }
0xe: {  	s8 =	simm.s32 $0x1240  }
0xf: {  	[tilespmem:s8], [sflag:$0x1] =	stream.indirect.gather [hbm4b:s5+s6], $0x40, s6, s6, $0xb8;
	[tilespmem:$0x9240] =	vst v63  }
0x10: {  	s9 =	simm.s32 $0x80;
	s10 =	simm.s32 $0x2240  }
0x11: {  	[tilespmem:s10], [sflag:$0x1] =	stream.indirect.gather [hbm4b:s5+s6], $0x40, s9, s6, $0xb8;
	[tilespmem:$0x9240] =	vst v63  }
0x12: {  	s11 =	simm.s32 $0xC0;
	s12 =	simm.s32 $0x3240  }
0x13: {  	[tilespmem:s12], [sflag:$0x1] =	stream.indirect.gather [hbm4b:s5+s6], $0x40, s11, s6, $0xb8;
	[tilespmem:$0x9240] =	vst v63  }
0x14: {  	s13 =	simm.s32 $0x100;
	s14 =	simm.s32 $0x4240  }
0x15: {  	[tilespmem:s14], [sflag:$0x1] =	stream.indirect.gather [hbm4b:s5+s6], $0x40, s13, s6, $0xb8;
	[tilespmem:$0x9240] =	vst v63  }
0x16: {  	s15 =	simm.s32 $0x140;
	s16 =	simm.s32 $0x5240  }
0x17: {  	[tilespmem:s16], [sflag:$0x1] =	stream.indirect.gather [hbm4b:s5+s6], $0x40, s15, s6, $0xb8;
	[tilespmem:$0x9240] =	vst v63  }
0x18: {  	s17 =	simm.s32 $0x180;
	s18 =	simm.s32 $0x6240  }
0x19: {  	[tilespmem:s18], [sflag:$0x1] =	stream.indirect.gather [hbm4b:s5+s6], $0x40, s17, s6, $0xb8;
	[tilespmem:$0x9240] =	vst v63  }
0x1a: {  	s19 =	simm.s32 $0x1C0;
	s20 =	simm.s32 $0x7240  }
0x1b: {  	[tilespmem:s20], [sflag:$0x1] =	stream.indirect.gather [hbm4b:s5+s6], $0x40, s19, s6, $0xb8;
	[tilespmem:$0x9240] =	vst v63  }
0x1c: {  	s21 =	simm.s32 $0x200;
	s22 =	simm.s32 $0x8240;
	s23 =	simm.s32 $0x1  }
0x1d: {  	[tilespmem:s22], [sflag:$0x1] =	stream.indirect.gather [hbm4b:s5+s6], $0x40, s21, s6, $0xb8;
	[tilespmem:$0x9240] =	vst v63  }
0x1e: {  	_ =	swait.ge [sflag:s23], $0x1000  }
0x1f: {  	[sflag:s23] =	ssyncset.done $0x0  }
0x20: {  	[sflag:s23] =	ssyncadd.s32 $0xFFFFF000  }
0x21: {  	_ =	swait.ge [sflag:s23], $0x1000  }
0x22: {  	[sflag:s23] =	ssyncset.done $0x0  }
0x23: {  	[sflag:s23] =	ssyncadd.s32 $0xFFFFF000  }
0x24: {  	_ =	swait.ge [sflag:s23], $0x1000  }
0x25: {  	[sflag:s23] =	ssyncset.done $0x0  }
0x26: {  	[sflag:s23] =	ssyncadd.s32 $0xFFFFF000  }
0x27: {  	_ =	swait.ge [sflag:s23], $0x1000  }
0x28: {  	[sflag:s23] =	ssyncset.done $0x0  }
0x29: {  	[sflag:s23] =	ssyncadd.s32 $0xFFFFF000  }
0x2a: {  	_ =	swait.ge [sflag:s23], $0x1000  }
0x2b: {  	[sflag:s23] =	ssyncset.done $0x0  }
0x2c: {  	[sflag:s23] =	ssyncadd.s32 $0xFFFFF000  }
0x2d: {  	_ =	swait.ge [sflag:s23], $0x1000  }
0x2e: {  	[sflag:s23] =	ssyncset.done $0x0  }
0x2f: {  	[sflag:s23] =	ssyncadd.s32 $0xFFFFF000  }
0x30: {  	_ =	swait.ge [sflag:s23], $0x1000  }
0x31: {  	[sflag:s23] =	ssyncset.done $0x0  }
0x32: {  	s25 =	ssub.s32 $0x2, s25;
	[sflag:s23] =	ssyncadd.s32 $0xFFFFF000  }
0x33: {  	s28 =	sshrl.u32 s25, $0x1;
	_ =	swait.ge [sflag:s23], $0x1000  }
0x34: {  	s25 =	ssub.s32 s25, s28;
	[sflag:s23] =	ssyncset.done $0x0  }
0x35: {  	s25 =	smax.u32 s25, $0x1;
	[sflag:s23] =	ssyncadd.s32 $0xFFFFF000  }
0x36: {  	s26 =	smul.u32 $0x1200, s26;
	p0 =	sne.s32 s25, $0x1;
	_ =	swait.ge [sflag:s23], $0x1000  }
.Ltmp0:
0x37: {  	[sflag:s23] =	ssyncset.done $0x0;
	(pc) =	sbr.rel @!p0 .LBB2_2-.Ltmp0, $4  }
0x38: {  	s24 =	sadd.s32 s24, s26;
	[sflag:s23] =	ssyncadd.s32 $0xFFFFF000  }
0x39: {  	[hbm4b:s24+s2] =	stream.linear.scatter [tilespmem:s7], [sflag:$0x2], $0x9000, $0x38;
	[tilespmem:$0x9240] =	vst v63  }
0x3a: {  	_ =	swait.ge [sflag:s3], $0x9000  }
0x3b: {  	s25 =	sadd.s32 $0xFFFFFFFF, s25;
	[sflag:s3] =	ssyncset.done $0x0  }
.LBB2_1:
0x3c: {  	p0 =	sne.s32 s25, $0x1;
	s25 =	sadd.s32 $0xFFFFFFFF, s25;
	[sflag:s3] =	ssyncadd.s32 $0xFFFF7000  }
0x3d: {  	[tilespmem:s2], [sflag:$0x2] =	stream.linear.gather [hbm4b:s4+s2], $0x240, $0x38;
	[tilespmem:$0x9240] =	vst v63  }
0x3e: {  	_ =	swait.ge [sflag:s3], $0x240  }
0x3f: {  	[sflag:s3] =	ssyncset.done $0x0  }
0x40: {  	[sflag:s3] =	ssyncadd.s32 $0xFFFFFDC0  }
0x41: {  	[tilespmem:s7], [sflag:$0x1] =	stream.indirect.gather [hbm4b:s5+s6], $0x40, s2, s6, $0xb8;
	[tilespmem:$0x9240] =	vst v63  }
0x42: {  	_ = 	snop  }
0x43: {  	[tilespmem:s8], [sflag:$0x1] =	stream.indirect.gather [hbm4b:s5+s6], $0x40, s6, s6, $0xb8;
	[tilespmem:$0x9240] =	vst v63  }
0x44: {  	_ = 	snop  }
0x45: {  	[tilespmem:s10], [sflag:$0x1] =	stream.indirect.gather [hbm4b:s5+s6], $0x40, s9, s6, $0xb8;
	[tilespmem:$0x9240] =	vst v63  }
0x46: {  	_ = 	snop  }
0x47: {  	[tilespmem:s12], [sflag:$0x1] =	stream.indirect.gather [hbm4b:s5+s6], $0x40, s11, s6, $0xb8;
	[tilespmem:$0x9240] =	vst v63  }
0x48: {  	_ = 	snop  }
0x49: {  	[tilespmem:s14], [sflag:$0x1] =	stream.indirect.gather [hbm4b:s5+s6], $0x40, s13, s6, $0xb8;
	[tilespmem:$0x9240] =	vst v63  }
0x4a: {  	_ = 	snop  }
0x4b: {  	[tilespmem:s16], [sflag:$0x1] =	stream.indirect.gather [hbm4b:s5+s6], $0x40, s15, s6, $0xb8;
	[tilespmem:$0x9240] =	vst v63  }
0x4c: {  	_ = 	snop  }
0x4d: {  	[tilespmem:s18], [sflag:$0x1] =	stream.indirect.gather [hbm4b:s5+s6], $0x40, s17, s6, $0xb8;
	[tilespmem:$0x9240] =	vst v63  }
0x4e: {  	_ = 	snop  }
0x4f: {  	[tilespmem:s20], [sflag:$0x1] =	stream.indirect.gather [hbm4b:s5+s6], $0x40, s19, s6, $0xb8;
	[tilespmem:$0x9240] =	vst v63  }
0x50: {  	_ = 	snop  }
0x51: {  	[tilespmem:s22], [sflag:$0x1] =	stream.indirect.gather [hbm4b:s5+s6], $0x40, s21, s6, $0xb8;
	[tilespmem:$0x9240] =	vst v63  }
0x52: {  	_ =	swait.ge [sflag:s23], $0x1000  }
0x53: {  	[sflag:s23] =	ssyncset.done $0x0  }
0x54: {  	[sflag:s23] =	ssyncadd.s32 $0xFFFFF000  }
0x55: {  	_ =	swait.ge [sflag:s23], $0x1000  }
0x56: {  	[sflag:s23] =	ssyncset.done $0x0  }
0x57: {  	[sflag:s23] =	ssyncadd.s32 $0xFFFFF000  }
0x58: {  	_ =	swait.ge [sflag:s23], $0x1000  }
0x59: {  	[sflag:s23] =	ssyncset.done $0x0  }
0x5a: {  	[sflag:s23] =	ssyncadd.s32 $0xFFFFF000  }
0x5b: {  	_ =	swait.ge [sflag:s23], $0x1000  }
0x5c: {  	[sflag:s23] =	ssyncset.done $0x0  }
0x5d: {  	[sflag:s23] =	ssyncadd.s32 $0xFFFFF000  }
0x5e: {  	_ =	swait.ge [sflag:s23], $0x1000  }
0x5f: {  	[sflag:s23] =	ssyncset.done $0x0  }
0x60: {  	[sflag:s23] =	ssyncadd.s32 $0xFFFFF000  }
0x61: {  	_ =	swait.ge [sflag:s23], $0x1000  }
0x62: {  	[sflag:s23] =	ssyncset.done $0x0  }
0x63: {  	[sflag:s23] =	ssyncadd.s32 $0xFFFFF000  }
0x64: {  	_ =	swait.ge [sflag:s23], $0x1000  }
0x65: {  	[sflag:s23] =	ssyncset.done $0x0  }
0x66: {  	[sflag:s23] =	ssyncadd.s32 $0xFFFFF000  }
0x67: {  	_ =	swait.ge [sflag:s23], $0x1000  }
0x68: {  	[sflag:s23] =	ssyncset.done $0x0  }
0x69: {  	[sflag:s23] =	ssyncadd.s32 $0xFFFFF000  }
0x6a: {  	_ =	swait.ge [sflag:s23], $0x1000  }
.Ltmp1:
0x6b: {  	[sflag:s23] =	ssyncset.done $0x0;
	(pc) =	sbr.rel @p0 .LBB2_1-.Ltmp1, $4  }
0x6c: {  	[sflag:s23] =	ssyncadd.s32 $0xFFFFF000  }
0x6d: {  	[hbm4b:s24+s2] =	stream.linear.scatter [tilespmem:s7], [sflag:$0x2], $0x9000, $0x38;
	[tilespmem:$0x9240] =	vst v63  }
0x6e: {  	_ =	swait.ge [sflag:s3], $0x9000  }
0x6f: {  	[sflag:s3] =	ssyncset.done $0x0  }
.LBB2_2:
0x70: {  	[sflag:s3] =	ssyncadd.s32 $0xFFFF7000  }
0x71: {  	_ =	sfence.sel $0x180000  }
0x72: {  	[bflag:$0x0] =	sbarrier.arrive $0xFFFF  }
0x73: {  	p0 =	sne.s32 s0, $0x0;
	_ =	strace $0x90000050  }
0x74: {  	s0 =	sadd.s32 @!p0 $0x100000, s1;
	[bflag:$0x2] =	sbarrier.arrive $0xFFFF  }
0x75: {  	[sflag:s0] =	ssyncadd.tile.s32 @!p0 $0x1;
	_ =	shalt  }
.Lfunc_end2:
_tile_overlayer_lowered:
.L_overlay_start_2:
0x76: {  	(tag) =	ssettag $0x2  }
0x77: {  	s0 =	rddreg [dreg:$0x0];
	s2 =	stileid.u32  }
0x78: {  	s1 =	rddreg [dreg:$0x1];
	p0 =	sne.s32 s2, $0x0  }
0x79: {  	s3 =	rddreg [dreg:$0x2];
	[bflag:$0x3] =	sbarrier.arrive $0xFFFF;
	s2 =	simm.s32 @!p0 $0x1C02  }
0x7a: {  	[timem:s3], [sflag:s2] =	dma.local @!p0 [hbm:s0], s1  }
0x7b: {  	s0 =	simm.s32 @!p0 $0x2  }
0x7c: {  	_ =	swait.ge @!p0 [sflag:s0], s1  }
0x7d: {  	s1 =	ssub.s32 @!p0 $0x0, s1;
	[sflag:s0] =	ssyncset.done @!p0 $0x0  }
0x7e: {  	[sflag:s0] =	ssyncadd.s32 @!p0 s1  }
0x7f: {  	[bflag:$0x3] =	sbarrier.arrive $0xFFFF  }
0x80: {  	_ =	shalt  }

// kernel: kernel.17.cloned.1.call-start
scs
__scs_entry_jumppad:
0x0: {  	(pc) =	sbr.rel $0x88, $3  }
0x1: {  	(tag) =	ssettag $0x0;
	lr =	simm.s32 $0x1  }
0x2: {  	[smem:$0x3F9F] =	sst lr;
	_ =	strace $0xD0000000  }
0x3: {  	_ = 	snop  }
0x4: {  	_ = 	snop  }
0x5: {  	_ = 	snop  }
0x6: {  	_ = 	snop  }
0x7: {  	_ = 	snop  }
__scs_overlays_trampoline_lowered:
0x8: {  	[smem:$0x3FAE] =	sst s0  }
0x9: {  	[smem:$0x3FAF] =	sst s1  }
0xa: {  	[smem:$0x3FB0] =	sst s2  }
0xb: {  	[smem:$0x3FB1] =	sst s3  }
0xc: {  	[smem:$0x3FB2] =	sst s4  }
0xd: {  	[smem:$0x3FB3] =	sst s5  }
0xe: {  	[smem:$0x3FB4] =	sst s6  }
0xf: {  	[smem:$0x3FB5] =	sst s7  }
0x10: {  	[smem:$0x3FB6] =	sst s8  }
0x11: {  	[smem:$0x3FB7] =	sst s9;
	s0 =	simm.s32 @!p0 $0x0  }
0x12: {  	s1 =	sld [smem:$0x3F9D];
	s0 =	simm.s32 @p0 $0x1  }
0x13: {  	[smem:$0x3FB8] =	sst s0;
	s0 =	simm.s32 @!p1 $0x0  }
0x14: {  	s2 =	sld [smem:$0x3F9C];
	s0 =	simm.s32 @p1 $0x1  }
0x15: {  	[smem:$0x3FB9] =	sst s0;
	s0 =	simm.s32 @!p2 $0x0  }
0x16: {  	s3 =	sld [smem:$0x3FDB];
	s0 =	simm.s32 @p2 $0x1  }
0x17: {  	s4 =	simm.s32 $0x1BF5;
	[smem:$0x3FBB] =	sst s0  }
0x18: {  	s0 =	sld [smem:$0x3F9E];
	_ =	swait.ge [sflag:s4], $0x0  }
0x19: {  	s7 =	sld [smem:$0x3F9F]  }
0x1a: {  	s8 =	sadd.s32 $0xFFFFE003, lr  }
0x1b: {  	s9 =	sadd.s32 $0xFFFFFEF7, lr;
	s5 =	simm.s32 $0xFFFFFFFF;
	p2 =	slt.u32 s8, $0xFFFFF086  }
0x1c: {  	p1 =	slt.u32 s9, $0xF7A;
	s5 =	simm.s32 @!p2 $0x0  }
0x1d: {  	s5 =	simm.s32 @p1 $0x1;
	p0 =	seq.s32 s7, s2  }
0x1e: {  	s7 =	smul.u32 @!p0 $0xF7A, s2;
	p2 =	seq.s32 @!p0 s5, $0x0  }
0x1f: {  	s9 =	smul.u32 $0xF7A, s1;
	s8 =	simm.s32 @!p0 $0x1BF5;
	p2 =	por !p2, p0  }
0x20: {  	[sflag:s8] =	ssyncset.s32 @!p0 $0xFFFFF086;
	s6 =	sadd.s32 @!p0 s3, s7;
	s7 =	simm.s32 @!p0 $0x108  }
0x21: {  	s3 =	sadd.s32 s3, s9;
	s6 =	sadd.s32 @!p0 $0x88, s6;
	s7 =	simm.s32 @p2 $0x1082  }
0x22: {  	[simem:s7], [sflag:s8] =	dma.local @!p0 [hbm:s6], $0xF7A  }
0x23: {  	s9 =	sor.u32 $0xD0000000, s2;
	s6 =	simm.s32 $0x108;
	_ =	swait.ge @!p0 [sflag:s8], $0x0  }
0x24: {  	s3 =	sadd.s32 $0x88, s3;
	s6 =	simm.s32 @!p1 $0x1082;
	[sflag:s4] =	ssyncset.s32 $0xFFFFF086  }
0x25: {  	[simem:s6], [sflag:s4] =	dma.local [hbm:s3], $0xF7A  }
0x26: {  	[smem:$0x3F9F] =	sst s1;
	(tag) =	ssettag s2;
	_ =	strace s9  }
0x27: {  	s1 =	sld [smem:$0x3FAF]  }
0x28: {  	s2 =	sld [smem:$0x3FB0]  }
0x29: {  	s4 =	sld [smem:$0x3FB2]  }
0x2a: {  	p0 =	seq.s32 s5, $0x0;
	s5 =	sld [smem:$0x3FB3]  }
0x2b: {  	s6 =	sld [smem:$0x3FB4]  }
0x2c: {  	s7 =	sld [smem:$0x3FB5]  }
0x2d: {  	s3 =	simm.s32 $0x108;
	s8 =	sld [smem:$0x3FB6]  }
0x2e: {  	s3 =	simm.s32 @!p0 $0x1082;
	s9 =	sld [smem:$0x3FB7]  }
0x2f: {  	lr =	sadd.s32 s0, s3;
	s0 =	sld [smem:$0x3FAE]  }
0x30: {  	s3 =	sld [smem:$0x3FB1]  }
0x31: {  	[smem:$0x3FBA] =	sst s10  }
0x32: {  	s10 =	sld [smem:$0x3FB8];
	_ =	sdelay $0x3  }
0x33: {  	p0 =	seq.s32 s10, $0x1;
	s10 =	sld [smem:$0x3FBA];
	_ =	sdelay $0x3  }
0x34: {  	[smem:$0x3FBA] =	sst s10  }
0x35: {  	s10 =	sld [smem:$0x3FB9];
	_ =	sdelay $0x3  }
0x36: {  	p1 =	seq.s32 s10, $0x1;
	s10 =	sld [smem:$0x3FBA];
	_ =	sdelay $0x3  }
0x37: {  	[smem:$0x3FBA] =	sst s10  }
0x38: {  	s10 =	sld [smem:$0x3FBB]  }
0x39: {  	_ = 	snop;
	(pc) =	sbr.ind lr, $3  }
0x3a: {  	_ = 	snop  }
0x3b: {  	_ = 	snop  }
0x3c: {  	p2 =	seq.s32 s10, $0x1;
	s10 =	sld [smem:$0x3FBA]  }
0x3d: {  	_ =	shalt  }
0x3e: {  	_ =	shalt  }
0x3f: {  	_ =	shalt  }
0x40: {  	_ =	shalt  }
0x41: {  	_ =	shalt  }
0x42: {  	_ =	shalt  }
0x43: {  	_ =	shalt  }
0x44: {  	_ =	shalt  }
0x45: {  	_ =	shalt  }
0x46: {  	_ =	shalt  }
0x47: {  	_ =	shalt  }
0x48: {  	_ =	shalt  }
0x49: {  	_ =	shalt  }
0x4a: {  	_ =	shalt  }
0x4b: {  	_ =	shalt  }
0x4c: {  	_ =	shalt  }
0x4d: {  	_ =	shalt  }
0x4e: {  	_ =	shalt  }
0x4f: {  	_ =	shalt  }
0x50: {  	_ =	shalt  }
0x51: {  	_ =	shalt  }
0x52: {  	_ =	shalt  }
0x53: {  	_ =	shalt  }
0x54: {  	_ =	shalt  }
0x55: {  	_ =	shalt  }
0x56: {  	_ =	shalt  }
0x57: {  	_ =	shalt  }
0x58: {  	_ =	shalt  }
0x59: {  	_ =	shalt  }
0x5a: {  	_ =	shalt  }
0x5b: {  	_ =	shalt  }
0x5c: {  	_ =	shalt  }
0x5d: {  	_ =	shalt  }
0x5e: {  	_ =	shalt  }
0x5f: {  	_ =	shalt  }
0x60: {  	_ =	shalt  }
0x61: {  	_ =	shalt  }
0x62: {  	_ =	shalt  }
0x63: {  	_ =	shalt  }
0x64: {  	_ =	shalt  }
0x65: {  	_ =	shalt  }
0x66: {  	_ =	shalt  }
0x67: {  	_ =	shalt  }
0x68: {  	_ =	shalt  }
0x69: {  	_ =	shalt  }
0x6a: {  	_ =	shalt  }
0x6b: {  	_ =	shalt  }
0x6c: {  	_ =	shalt  }
0x6d: {  	_ =	shalt  }
0x6e: {  	_ =	shalt  }
0x6f: {  	_ =	shalt  }
0x70: {  	_ =	shalt  }
0x71: {  	_ =	shalt  }
0x72: {  	_ =	shalt  }
0x73: {  	_ =	shalt  }
0x74: {  	_ =	shalt  }
0x75: {  	_ =	shalt  }
0x76: {  	_ =	shalt  }
0x77: {  	_ =	shalt  }
0x78: {  	_ =	shalt  }
0x79: {  	_ =	shalt  }
0x7a: {  	_ =	shalt  }
0x7b: {  	_ =	shalt  }
0x7c: {  	_ =	shalt  }
0x7d: {  	_ =	shalt  }
0x7e: {  	_ =	shalt  }
0x7f: {  	_ =	shalt  }
0x80: {  	_ =	shalt  }
0x81: {  	_ =	shalt  }
0x82: {  	_ =	shalt  }
0x83: {  	_ =	shalt  }
0x84: {  	_ =	shalt  }
0x85: {  	_ =	shalt  }
0x86: {  	_ =	shalt  }
0x87: {  	_ =	shalt  }
.Lfunc_end0:
.L_simem_size_0:
called_computation.1_lowered:
.L_overlay_start_0:
0x88: {  	s2 =	sld [smem:$0x3FD9]  }
0x89: {  	s3 =	sld [smem:$0x3FFE];
	_ =	sdelay $0x1  }
0x8a: {  	s1 =	srdreg.scid  }
0x8b: {  	s0 =	sand.u32 $0x1, s1  }
0x8c: {  	s17 =	sshll.u32 s0, $0xA;
	s2 =	sadd.s32 s3, s2  }
0x8d: {  	s2 =	sadd.s32 s2, s17  }
0x8e: {  	[smem:$0x3FC6] =	sst s2  }
0x8f: {  	_ = 	snop  }
0x90: {  	(tm) =	ssettm $0x1  }
0x91: {  	s18 =	sld [smem:$0x3FFB];
	_ =	sdelay $0x3  }
0x92: {  	_ =	strace s18  }
0x93: {  	s2 =	sld [smem:$0x3FFC];
	_ =	sdelay $0x3  }
0x94: {  	_ =	strace s2  }
0x95: {  	s2 =	sld [smem:$0x3FFD];
	_ =	sdelay $0x3  }
0x96: {  	_ =	strace s2  }
0x97: {  	_ =	strace $0x8FFFFFFF  }
0x98: {  	s19 =	sld [smem:$0x3FDB];
	_ =	sdelay $0x1  }
0x99: {  	s20 =	simm.s32 $_scs_section_size  }
0x9a: {  	s4 =	simm.s32 $_size__tile_overlayer_lowered;
	s5 =	simm.s32 $_tile_overlayer_lowered  }
0x9b: {  	s6 =	simm.s32 $0x1BFF;
	s21 =	sshll.u32 s5, $0x1;
	s3 =	sadd.s32 s20, s19  }
0x9c: {  	s22 =	simm.s32 $0x0;
	s4 =	sshll.u32 s4, $0x1;
	s5 =	sadd.s32 s21, s3  }
0x9d: {  	[timem:s22], [sflag:s6] =	dma.local [hbm:s5], s4  }
0x9e: {  	_ =	swait.ge [sflag:s6], s4  }
0x9f: {  	s4 =	ssub.s32 $0x0, s4;
	[sflag:s6] =	ssyncset.done $0x0  }
0xa0: {  	[sflag:s6] =	ssyncadd.s32 s4;
	_ =	sdelay $0x1  }
0xa1: {  	s23 =	simm.s32 $0x1B8B  }
0xa2: {  	_ =	swait.ge [sflag:s23], $0x1  }
0xa3: {  	[sflag:s23] =	ssyncset.done $0x0  }
0xa4: {  	[sflag:s23] =	ssyncadd.s32 $0xFFFFFFFF  }
0xa5: {  	s4 =	sld [smem:$0x0]  }
0xa6: {  	s5 =	sand.u32 $0xFFFFFFFE, s1  }
0xa7: {  	p0 =	sne.s32 s1, s5  }
0xa8: {  	s5 =	sshll.u32 @p0 s5, $0xE  }
0xa9: {  	s5 =	sadd.s32 @p0 $0x11B8D, s5;
	s6 =	sshll.u32 @p0 s4, $0x11  }
0xaa: {  	s5 =	sor.u32 @p0 s6, s5  }
0xab: {  	[sflag:s5] =	ssyncadd.remote.s32 @p0 $0x1;
	_ =	sdelay $0x1  }
0xac: {  	s5 =	simm.s32 @p0 $0x1B8D  }
0xad: {  	_ =	swait.eq @p0 [sflag:s5], $0x1  }
0xae: {  	[sflag:s5] =	ssyncadd.s32 @p0 $0xFFFFFFFF  }
0xaf: {  	s6 =	sshll.u32 @!p0 s1, $0xE  }
0xb0: {  	s6 =	sor.u32 @!p0 $0x4000, s6;
	s5 =	simm.s32 @!p0 $0x1B8D  }
0xb1: {  	s4 =	sshll.u32 @!p0 s4, $0x11;
	s6 =	sadd.s32 @!p0 $0x11B8D, s6;
	_ =	swait.eq @!p0 [sflag:s5], $0x1  }
0xb2: {  	s4 =	sor.u32 @!p0 s4, s6;
	[sflag:s5] =	ssyncadd.s32 @!p0 $0xFFFFFFFF  }
0xb3: {  	s25 =	simm.s32 $0x1B8E;
	s24 =	sld [smem:$0x3FFE];
	[sflag:s4] =	ssyncadd.remote.s32 @!p0 $0x1  }
0xb4: {  	s26 =	simm.s32 $execute0_lowered;
	[smem:$0x3FD2] =	sst s25  }
0xb5: {  	s5 =	sshll.u32 s26, $0x1;
	_ =	strace $0x8000004C;
	[dreg:$0x1] =	wrdreg $0xFFFFFFFF  }
0xb6: {  	s28 =	simm.s32 $_size_execute0_lowered;
	s3 =	sadd.s32 s3, s5;
	[dreg:$0x0] =	wrdreg $0x0  }
0xb7: {  	s5 =	sshll.u32 s28, $0x1;
	[dreg:$0x2] =	wrdreg s3  }
0xb8: {  	[dreg:$0x3] =	wrdreg s5  }
0xb9: {  	[dreg:$0x4] =	wrdreg $0xC0  }
0xba: {  	_ =	task [dreg:s22], $0x5FFFF  }
0xbb: {  	[dreg:$0x1] =	wrdreg $0xFFFFFFFF  }
0xbc: {  	[dreg:$0x0] =	wrdreg $0x60  }
0xbd: {  	[dreg:$0x2] =	wrdreg s24  }
0xbe: {  	[dreg:$0x3] =	wrdreg $0xA  }
0xbf: {  	_ =	task.clear_ibuf [dreg:s22], $0x4FFFF;
	_ =	strace $0x9000004C  }
0xc0: {  	s29 =	simm.s32 $0xA;
	_ =	strace $0x8000004E  }
0xc1: {  	_ =	swait.ge [sflag:s29], $0x1  }
0xc2: {  	[sflag:s29] =	ssyncadd.s32 $0xFFFFFFFF  }
0xc3: {  	_ =	strace $0x9000004E  }
0xc4: {  	_ =	sfence  }
0xc5: {  	s30 =	sld [smem:$0x0];
	_ =	sdelay $0x2  }
0xc6: {  	s31 =	sshll.u32 s1, $0xD;
	s1 =	sshrl.u32 s1, $0x2  }
0xc7: {  	s4 =	sand.u32 $0x4000, s31;
	s1 =	sadd.s32 s1, s30  }
0xc8: {  	s0 =	sor.u32 s4, s0;
	s1 =	sshll.u32 s1, $0x11  }
0xc9: {  	s0 =	sor.u32 s1, s0  }
0xca: {  	s0 =	sadd.s32 $0x8F2B, s0  }
0xcb: {  	[sflag:s0] =	ssyncadd.remote.s32 $0x1  }
0xcc: {  	_ =	sfence.sel $0xFFFF  }
0xcd: {  	[dreg:$0x0] =	wrdreg $0xFFFFFFFF;
	(pc) =	sbr.abs _section_cstart, $3  }
0xce: {  	[dreg:$0x1] =	wrdreg $0xFFFFFFFF  }
0xcf: {  	_ =	task.clear_ibuf [dreg:s22], $0x2FFFF;
	_ =	strace $0x9FFFFFFF  }
0xd0: {  	(tm) =	ssettm $0x7FFFFFFF  }
0xd1: {  	_ =	shalt  }
tec
execute0_lowered:
.L_overlay_start_1:
0x0: {  	(tag) =	ssettag $0x1  }
0x1: {  	s0 =	srdreg.scid  }
0x2: {  	s25 =	sand.u32 $0x1, s0  }
0x3: {  	s0 =	stileid.u32;
	s1 =	sshll.u32 s25, $0x4  }
0x4: {  	s26 =	sor.u32 s0, s1  }
0x5: {  	s24 =	rddreg [dreg:$0x0];
	s2 =	simm.s32 $0x0;
	s3 =	smul.u32 $0x48, s26  }
0x6: {  	[smem:$0x7FF] =	sst s2  }
0x7: {  	s1 =	rddreg [dreg:$0x1];
	s3 =	sadd.s32 s3, s24  }
0x8: {  	_ =	strace $0x8000004D;
	s4 =	sadd.s32 $0x123600, s3;
	s3 =	simm.s32 $0x2  }
0x9: {  	[tilespmem:s2], [sflag:$0x2] =	stream.linear.gather [hbm4b:s4+s2], $0x240, $0x38;
	[tilespmem:$0x9240] =	vst v63  }
0xa: {  	_ =	swait.ge [sflag:s3], $0x240  }
0xb: {  	s6 =	simm.s32 $0x40;
	[sflag:s3] =	ssyncset.done $0x0  }
0xc: {  	s7 =	simm.s32 $0x240;
	s5 =	sadd.s32 $0x4F600, s24;
	[sflag:s3] =	ssyncadd.s32 $0xFFFFFDC0  }
0xd: {  	[tilespmem:s7], [sflag:$0x1] =	stream.indirect.gather [hbm4b:s5+s6], $0x40, s2, s6, $0xb8;
	[tilespmem:$0x9240] =	vst v63  }
0xe: {  	s8 =	simm.s32 $0x1240  }
0xf: {  	[tilespmem:s8], [sflag:$0x1] =	stream.indirect.gather [hbm4b:s5+s6], $0x40, s6, s6, $0xb8;
	[tilespmem:$0x9240] =	vst v63  }
0x10: {  	s9 =	simm.s32 $0x80;
	s10 =	simm.s32 $0x2240  }
0x11: {  	[tilespmem:s10], [sflag:$0x1] =	stream.indirect.gather [hbm4b:s5+s6], $0x40, s9, s6, $0xb8;
	[tilespmem:$0x9240] =	vst v63  }
0x12: {  	s11 =	simm.s32 $0xC0;
	s12 =	simm.s32 $0x3240  }
0x13: {  	[tilespmem:s12], [sflag:$0x1] =	stream.indirect.gather [hbm4b:s5+s6], $0x40, s11, s6, $0xb8;
	[tilespmem:$0x9240] =	vst v63  }
0x14: {  	s13 =	simm.s32 $0x100;
	s14 =	simm.s32 $0x4240  }
0x15: {  	[tilespmem:s14], [sflag:$0x1] =	stream.indirect.gather [hbm4b:s5+s6], $0x40, s13, s6, $0xb8;
	[tilespmem:$0x9240] =	vst v63  }
0x16: {  	s15 =	simm.s32 $0x140;
	s16 =	simm.s32 $0x5240  }
0x17: {  	[tilespmem:s16], [sflag:$0x1] =	stream.indirect.gather [hbm4b:s5+s6], $0x40, s15, s6, $0xb8;
	[tilespmem:$0x9240] =	vst v63  }
0x18: {  	s17 =	simm.s32 $0x180;
	s18 =	simm.s32 $0x6240  }
0x19: {  	[tilespmem:s18], [sflag:$0x1] =	stream.indirect.gather [hbm4b:s5+s6], $0x40, s17, s6, $0xb8;
	[tilespmem:$0x9240] =	vst v63  }
0x1a: {  	s19 =	simm.s32 $0x1C0;
	s20 =	simm.s32 $0x7240  }
0x1b: {  	[tilespmem:s20], [sflag:$0x1] =	stream.indirect.gather [hbm4b:s5+s6], $0x40, s19, s6, $0xb8;
	[tilespmem:$0x9240] =	vst v63  }
0x1c: {  	s21 =	simm.s32 $0x200;
	s22 =	simm.s32 $0x8240;
	s23 =	simm.s32 $0x1  }
0x1d: {  	[tilespmem:s22], [sflag:$0x1] =	stream.indirect.gather [hbm4b:s5+s6], $0x40, s21, s6, $0xb8;
	[tilespmem:$0x9240] =	vst v63  }
0x1e: {  	_ =	swait.ge [sflag:s23], $0x1000  }
0x1f: {  	[sflag:s23] =	ssyncset.done $0x0  }
0x20: {  	[sflag:s23] =	ssyncadd.s32 $0xFFFFF000  }
0x21: {  	_ =	swait.ge [sflag:s23], $0x1000  }
0x22: {  	[sflag:s23] =	ssyncset.done $0x0  }
0x23: {  	[sflag:s23] =	ssyncadd.s32 $0xFFFFF000  }
0x24: {  	_ =	swait.ge [sflag:s23], $0x1000  }
0x25: {  	[sflag:s23] =	ssyncset.done $0x0  }
0x26: {  	[sflag:s23] =	ssyncadd.s32 $0xFFFFF000  }
0x27: {  	_ =	swait.ge [sflag:s23], $0x1000  }
0x28: {  	[sflag:s23] =	ssyncset.done $0x0  }
0x29: {  	[sflag:s23] =	ssyncadd.s32 $0xFFFFF000  }
0x2a: {  	_ =	swait.ge [sflag:s23], $0x1000  }
0x2b: {  	[sflag:s23] =	ssyncset.done $0x0  }
0x2c: {  	[sflag:s23] =	ssyncadd.s32 $0xFFFFF000  }
0x2d: {  	_ =	swait.ge [sflag:s23], $0x1000  }
0x2e: {  	[sflag:s23] =	ssyncset.done $0x0  }
0x2f: {  	[sflag:s23] =	ssyncadd.s32 $0xFFFFF000  }
0x30: {  	_ =	swait.ge [sflag:s23], $0x1000  }
0x31: {  	[sflag:s23] =	ssyncset.done $0x0  }
0x32: {  	s25 =	ssub.s32 $0x2, s25;
	[sflag:s23] =	ssyncadd.s32 $0xFFFFF000  }
0x33: {  	s28 =	sshrl.u32 s25, $0x1;
	_ =	swait.ge [sflag:s23], $0x1000  }
0x34: {  	s25 =	ssub.s32 s25, s28;
	[sflag:s23] =	ssyncset.done $0x0  }
0x35: {  	s26 =	smul.u32 $0x1200, s26;
	s25 =	smax.u32 s25, $0x1;
	[sflag:s23] =	ssyncadd.s32 $0xFFFFF000  }
0x36: {  	p0 =	sne.s32 s25, $0x1;
	_ =	swait.ge [sflag:s23], $0x1000  }
.Ltmp0:
0x37: {  	s24 =	sadd.s32 s26, s24;
	[sflag:s23] =	ssyncset.done $0x0;
	(pc) =	sbr.rel @!p0 .LBB2_2-.Ltmp0, $4  }
0x38: {  	s24 =	sadd.s32 $0x51600, s24;
	[sflag:s23] =	ssyncadd.s32 $0xFFFFF000  }
0x39: {  	[hbm4b:s24+s2] =	stream.linear.scatter [tilespmem:s7], [sflag:$0x2], $0x9000, $0x38;
	[tilespmem:$0x9240] =	vst v63  }
0x3a: {  	_ =	swait.ge [sflag:s3], $0x9000  }
0x3b: {  	s25 =	sadd.s32 $0xFFFFFFFF, s25;
	[sflag:s3] =	ssyncset.done $0x0  }
.LBB2_1:
0x3c: {  	p0 =	sne.s32 s25, $0x1;
	s25 =	sadd.s32 $0xFFFFFFFF, s25;
	[sflag:s3] =	ssyncadd.s32 $0xFFFF7000  }
0x3d: {  	[tilespmem:s2], [sflag:$0x2] =	stream.linear.gather [hbm4b:s4+s2], $0x240, $0x38;
	[tilespmem:$0x9240] =	vst v63  }
0x3e: {  	_ =	swait.ge [sflag:s3], $0x240  }
0x3f: {  	[sflag:s3] =	ssyncset.done $0x0  }
0x40: {  	[sflag:s3] =	ssyncadd.s32 $0xFFFFFDC0  }
0x41: {  	[tilespmem:s7], [sflag:$0x1] =	stream.indirect.gather [hbm4b:s5+s6], $0x40, s2, s6, $0xb8;
	[tilespmem:$0x9240] =	vst v63  }
0x42: {  	_ = 	snop  }
0x43: {  	[tilespmem:s8], [sflag:$0x1] =	stream.indirect.gather [hbm4b:s5+s6], $0x40, s6, s6, $0xb8;
	[tilespmem:$0x9240] =	vst v63  }
0x44: {  	_ = 	snop  }
0x45: {  	[tilespmem:s10], [sflag:$0x1] =	stream.indirect.gather [hbm4b:s5+s6], $0x40, s9, s6, $0xb8;
	[tilespmem:$0x9240] =	vst v63  }
0x46: {  	_ = 	snop  }
0x47: {  	[tilespmem:s12], [sflag:$0x1] =	stream.indirect.gather [hbm4b:s5+s6], $0x40, s11, s6, $0xb8;
	[tilespmem:$0x9240] =	vst v63  }
0x48: {  	_ = 	snop  }
0x49: {  	[tilespmem:s14], [sflag:$0x1] =	stream.indirect.gather [hbm4b:s5+s6], $0x40, s13, s6, $0xb8;
	[tilespmem:$0x9240] =	vst v63  }
0x4a: {  	_ = 	snop  }
0x4b: {  	[tilespmem:s16], [sflag:$0x1] =	stream.indirect.gather [hbm4b:s5+s6], $0x40, s15, s6, $0xb8;
	[tilespmem:$0x9240] =	vst v63  }
0x4c: {  	_ = 	snop  }
0x4d: {  	[tilespmem:s18], [sflag:$0x1] =	stream.indirect.gather [hbm4b:s5+s6], $0x40, s17, s6, $0xb8;
	[tilespmem:$0x9240] =	vst v63  }
0x4e: {  	_ = 	snop  }
0x4f: {  	[tilespmem:s20], [sflag:$0x1] =	stream.indirect.gather [hbm4b:s5+s6], $0x40, s19, s6, $0xb8;
	[tilespmem:$0x9240] =	vst v63  }
0x50: {  	_ = 	snop  }
0x51: {  	[tilespmem:s22], [sflag:$0x1] =	stream.indirect.gather [hbm4b:s5+s6], $0x40, s21, s6, $0xb8;
	[tilespmem:$0x9240] =	vst v63  }
0x52: {  	_ =	swait.ge [sflag:s23], $0x1000  }
0x53: {  	[sflag:s23] =	ssyncset.done $0x0  }
0x54: {  	[sflag:s23] =	ssyncadd.s32 $0xFFFFF000  }
0x55: {  	_ =	swait.ge [sflag:s23], $0x1000  }
0x56: {  	[sflag:s23] =	ssyncset.done $0x0  }
0x57: {  	[sflag:s23] =	ssyncadd.s32 $0xFFFFF000  }
0x58: {  	_ =	swait.ge [sflag:s23], $0x1000  }
0x59: {  	[sflag:s23] =	ssyncset.done $0x0  }
0x5a: {  	[sflag:s23] =	ssyncadd.s32 $0xFFFFF000  }
0x5b: {  	_ =	swait.ge [sflag:s23], $0x1000  }
0x5c: {  	[sflag:s23] =	ssyncset.done $0x0  }
0x5d: {  	[sflag:s23] =	ssyncadd.s32 $0xFFFFF000  }
0x5e: {  	_ =	swait.ge [sflag:s23], $0x1000  }
0x5f: {  	[sflag:s23] =	ssyncset.done $0x0  }
0x60: {  	[sflag:s23] =	ssyncadd.s32 $0xFFFFF000  }
0x61: {  	_ =	swait.ge [sflag:s23], $0x1000  }
0x62: {  	[sflag:s23] =	ssyncset.done $0x0  }
0x63: {  	[sflag:s23] =	ssyncadd.s32 $0xFFFFF000  }
0x64: {  	_ =	swait.ge [sflag:s23], $0x1000  }
0x65: {  	[sflag:s23] =	ssyncset.done $0x0  }
0x66: {  	[sflag:s23] =	ssyncadd.s32 $0xFFFFF000  }
0x67: {  	_ =	swait.ge [sflag:s23], $0x1000  }
0x68: {  	[sflag:s23] =	ssyncset.done $0x0  }
0x69: {  	[sflag:s23] =	ssyncadd.s32 $0xFFFFF000  }
0x6a: {  	_ =	swait.ge [sflag:s23], $0x1000  }
.Ltmp1:
0x6b: {  	[sflag:s23] =	ssyncset.done $0x0;
	(pc) =	sbr.rel @p0 .LBB2_1-.Ltmp1, $4  }
0x6c: {  	[sflag:s23] =	ssyncadd.s32 $0xFFFFF000  }
0x6d: {  	[hbm4b:s24+s2] =	stream.linear.scatter [tilespmem:s7], [sflag:$0x2], $0x9000, $0x38;
	[tilespmem:$0x9240] =	vst v63  }
0x6e: {  	_ =	swait.ge [sflag:s3], $0x9000  }
0x6f: {  	[sflag:s3] =	ssyncset.done $0x0  }
.LBB2_2:
0x70: {  	[sflag:s3] =	ssyncadd.s32 $0xFFFF7000  }
0x71: {  	_ =	sfence.sel $0x180000  }
0x72: {  	[bflag:$0x0] =	sbarrier.arrive $0xFFFF  }
0x73: {  	p0 =	sne.s32 s0, $0x0;
	_ =	strace $0x9000004D  }
0x74: {  	s0 =	sadd.s32 @!p0 $0x100000, s1;
	[bflag:$0x2] =	sbarrier.arrive $0xFFFF  }
0x75: {  	[sflag:s0] =	ssyncadd.tile.s32 @!p0 $0x1;
	_ =	shalt  }
.Lfunc_end2:
_tile_overlayer_lowered:
.L_overlay_start_2:
0x76: {  	(tag) =	ssettag $0x2  }
0x77: {  	s0 =	rddreg [dreg:$0x0];
	s2 =	stileid.u32  }
0x78: {  	s1 =	rddreg [dreg:$0x1];
	p0 =	sne.s32 s2, $0x0  }
0x79: {  	s3 =	rddreg [dreg:$0x2];
	[bflag:$0x3] =	sbarrier.arrive $0xFFFF;
	s2 =	simm.s32 @!p0 $0x1C02  }
0x7a: {  	[timem:s3], [sflag:s2] =	dma.local @!p0 [hbm:s0], s1  }
0x7b: {  	s0 =	simm.s32 @!p0 $0x2  }
0x7c: {  	_ =	swait.ge @!p0 [sflag:s0], s1  }
0x7d: {  	s1 =	ssub.s32 @!p0 $0x0, s1;
	[sflag:s0] =	ssyncset.done @!p0 $0x0  }
0x7e: {  	[sflag:s0] =	ssyncadd.s32 @!p0 s1  }
0x7f: {  	[bflag:$0x3] =	sbarrier.arrive $0xFFFF  }
0x80: {  	_ =	shalt  }

// kernel: kernel.20.cloned.1.call-start
scs
__scs_entry_jumppad:
0x0: {  	(pc) =	sbr.rel $0x88, $3  }
0x1: {  	(tag) =	ssettag $0x0;
	lr =	simm.s32 $0x1  }
0x2: {  	[smem:$0x3F9F] =	sst lr;
	_ =	strace $0xD0000000  }
0x3: {  	_ = 	snop  }
0x4: {  	_ = 	snop  }
0x5: {  	_ = 	snop  }
0x6: {  	_ = 	snop  }
0x7: {  	_ = 	snop  }
__scs_overlays_trampoline_lowered:
0x8: {  	[smem:$0x3FAE] =	sst s0  }
0x9: {  	[smem:$0x3FAF] =	sst s1  }
0xa: {  	[smem:$0x3FB0] =	sst s2  }
0xb: {  	[smem:$0x3FB1] =	sst s3  }
0xc: {  	[smem:$0x3FB2] =	sst s4  }
0xd: {  	[smem:$0x3FB3] =	sst s5  }
0xe: {  	[smem:$0x3FB4] =	sst s6  }
0xf: {  	[smem:$0x3FB5] =	sst s7  }
0x10: {  	[smem:$0x3FB6] =	sst s8  }
0x11: {  	[smem:$0x3FB7] =	sst s9;
	s0 =	simm.s32 @!p0 $0x0  }
0x12: {  	s1 =	sld [smem:$0x3F9D];
	s0 =	simm.s32 @p0 $0x1  }
0x13: {  	[smem:$0x3FB8] =	sst s0;
	s0 =	simm.s32 @!p1 $0x0  }
0x14: {  	s2 =	sld [smem:$0x3F9C];
	s0 =	simm.s32 @p1 $0x1  }
0x15: {  	[smem:$0x3FB9] =	sst s0;
	s0 =	simm.s32 @!p2 $0x0  }
0x16: {  	s3 =	sld [smem:$0x3FDB];
	s0 =	simm.s32 @p2 $0x1  }
0x17: {  	s4 =	simm.s32 $0x1BF5;
	[smem:$0x3FBB] =	sst s0  }
0x18: {  	s0 =	sld [smem:$0x3F9E];
	_ =	swait.ge [sflag:s4], $0x0  }
0x19: {  	s7 =	sld [smem:$0x3F9F]  }
0x1a: {  	s8 =	sadd.s32 $0xFFFFE003, lr  }
0x1b: {  	s9 =	sadd.s32 $0xFFFFFEF7, lr;
	s5 =	simm.s32 $0xFFFFFFFF;
	p2 =	slt.u32 s8, $0xFFFFF086  }
0x1c: {  	p1 =	slt.u32 s9, $0xF7A;
	s5 =	simm.s32 @!p2 $0x0  }
0x1d: {  	s5 =	simm.s32 @p1 $0x1;
	p0 =	seq.s32 s7, s2  }
0x1e: {  	s7 =	smul.u32 @!p0 $0xF7A, s2;
	p2 =	seq.s32 @!p0 s5, $0x0  }
0x1f: {  	s9 =	smul.u32 $0xF7A, s1;
	s8 =	simm.s32 @!p0 $0x1BF5;
	p2 =	por !p2, p0  }
0x20: {  	[sflag:s8] =	ssyncset.s32 @!p0 $0xFFFFF086;
	s6 =	sadd.s32 @!p0 s3, s7;
	s7 =	simm.s32 @!p0 $0x108  }
0x21: {  	s3 =	sadd.s32 s3, s9;
	s6 =	sadd.s32 @!p0 $0x88, s6;
	s7 =	simm.s32 @p2 $0x1082  }
0x22: {  	[simem:s7], [sflag:s8] =	dma.local @!p0 [hbm:s6], $0xF7A  }
0x23: {  	s9 =	sor.u32 $0xD0000000, s2;
	s6 =	simm.s32 $0x108;
	_ =	swait.ge @!p0 [sflag:s8], $0x0  }
0x24: {  	s3 =	sadd.s32 $0x88, s3;
	s6 =	simm.s32 @!p1 $0x1082;
	[sflag:s4] =	ssyncset.s32 $0xFFFFF086  }
0x25: {  	[simem:s6], [sflag:s4] =	dma.local [hbm:s3], $0xF7A  }
0x26: {  	[smem:$0x3F9F] =	sst s1;
	(tag) =	ssettag s2;
	_ =	strace s9  }
0x27: {  	s1 =	sld [smem:$0x3FAF]  }
0x28: {  	s2 =	sld [smem:$0x3FB0]  }
0x29: {  	s4 =	sld [smem:$0x3FB2]  }
0x2a: {  	p0 =	seq.s32 s5, $0x0;
	s5 =	sld [smem:$0x3FB3]  }
0x2b: {  	s6 =	sld [smem:$0x3FB4]  }
0x2c: {  	s7 =	sld [smem:$0x3FB5]  }
0x2d: {  	s3 =	simm.s32 $0x108;
	s8 =	sld [smem:$0x3FB6]  }
0x2e: {  	s3 =	simm.s32 @!p0 $0x1082;
	s9 =	sld [smem:$0x3FB7]  }
0x2f: {  	lr =	sadd.s32 s0, s3;
	s0 =	sld [smem:$0x3FAE]  }
0x30: {  	s3 =	sld [smem:$0x3FB1]  }
0x31: {  	[smem:$0x3FBA] =	sst s10  }
0x32: {  	s10 =	sld [smem:$0x3FB8];
	_ =	sdelay $0x3  }
0x33: {  	p0 =	seq.s32 s10, $0x1;
	s10 =	sld [smem:$0x3FBA];
	_ =	sdelay $0x3  }
0x34: {  	[smem:$0x3FBA] =	sst s10  }
0x35: {  	s10 =	sld [smem:$0x3FB9];
	_ =	sdelay $0x3  }
0x36: {  	p1 =	seq.s32 s10, $0x1;
	s10 =	sld [smem:$0x3FBA];
	_ =	sdelay $0x3  }
0x37: {  	[smem:$0x3FBA] =	sst s10  }
0x38: {  	s10 =	sld [smem:$0x3FBB]  }
0x39: {  	_ = 	snop;
	(pc) =	sbr.ind lr, $3  }
0x3a: {  	_ = 	snop  }
0x3b: {  	_ = 	snop  }
0x3c: {  	p2 =	seq.s32 s10, $0x1;
	s10 =	sld [smem:$0x3FBA]  }
0x3d: {  	_ =	shalt  }
0x3e: {  	_ =	shalt  }
0x3f: {  	_ =	shalt  }
0x40: {  	_ =	shalt  }
0x41: {  	_ =	shalt  }
0x42: {  	_ =	shalt  }
0x43: {  	_ =	shalt  }
0x44: {  	_ =	shalt  }
0x45: {  	_ =	shalt  }
0x46: {  	_ =	shalt  }
0x47: {  	_ =	shalt  }
0x48: {  	_ =	shalt  }
0x49: {  	_ =	shalt  }
0x4a: {  	_ =	shalt  }
0x4b: {  	_ =	shalt  }
0x4c: {  	_ =	shalt  }
0x4d: {  	_ =	shalt  }
0x4e: {  	_ =	shalt  }
0x4f: {  	_ =	shalt  }
0x50: {  	_ =	shalt  }
0x51: {  	_ =	shalt  }
0x52: {  	_ =	shalt  }
0x53: {  	_ =	shalt  }
0x54: {  	_ =	shalt  }
0x55: {  	_ =	shalt  }
0x56: {  	_ =	shalt  }
0x57: {  	_ =	shalt  }
0x58: {  	_ =	shalt  }
0x59: {  	_ =	shalt  }
0x5a: {  	_ =	shalt  }
0x5b: {  	_ =	shalt  }
0x5c: {  	_ =	shalt  }
0x5d: {  	_ =	shalt  }
0x5e: {  	_ =	shalt  }
0x5f: {  	_ =	shalt  }
0x60: {  	_ =	shalt  }
0x61: {  	_ =	shalt  }
0x62: {  	_ =	shalt  }
0x63: {  	_ =	shalt  }
0x64: {  	_ =	shalt  }
0x65: {  	_ =	shalt  }
0x66: {  	_ =	shalt  }
0x67: {  	_ =	shalt  }
0x68: {  	_ =	shalt  }
0x69: {  	_ =	shalt  }
0x6a: {  	_ =	shalt  }
0x6b: {  	_ =	shalt  }
0x6c: {  	_ =	shalt  }
0x6d: {  	_ =	shalt  }
0x6e: {  	_ =	shalt  }
0x6f: {  	_ =	shalt  }
0x70: {  	_ =	shalt  }
0x71: {  	_ =	shalt  }
0x72: {  	_ =	shalt  }
0x73: {  	_ =	shalt  }
0x74: {  	_ =	shalt  }
0x75: {  	_ =	shalt  }
0x76: {  	_ =	shalt  }
0x77: {  	_ =	shalt  }
0x78: {  	_ =	shalt  }
0x79: {  	_ =	shalt  }
0x7a: {  	_ =	shalt  }
0x7b: {  	_ =	shalt  }
0x7c: {  	_ =	shalt  }
0x7d: {  	_ =	shalt  }
0x7e: {  	_ =	shalt  }
0x7f: {  	_ =	shalt  }
0x80: {  	_ =	shalt  }
0x81: {  	_ =	shalt  }
0x82: {  	_ =	shalt  }
0x83: {  	_ =	shalt  }
0x84: {  	_ =	shalt  }
0x85: {  	_ =	shalt  }
0x86: {  	_ =	shalt  }
0x87: {  	_ =	shalt  }
.Lfunc_end0:
.L_simem_size_0:
called_computation.2_lowered:
.L_overlay_start_0:
0x88: {  	s2 =	sld [smem:$0x3FD9]  }
0x89: {  	s3 =	sld [smem:$0x3FFE];
	_ =	sdelay $0x1  }
0x8a: {  	s1 =	srdreg.scid  }
0x8b: {  	s0 =	sand.u32 $0x1, s1  }
0x8c: {  	s17 =	sshll.u32 s0, $0xA;
	s2 =	sadd.s32 s3, s2  }
0x8d: {  	s2 =	sadd.s32 s2, s17  }
0x8e: {  	[smem:$0x3FC6] =	sst s2  }
0x8f: {  	_ = 	snop  }
0x90: {  	(tm) =	ssettm $0x1  }
0x91: {  	s18 =	sld [smem:$0x3FFB];
	_ =	sdelay $0x3  }
0x92: {  	_ =	strace s18  }
0x93: {  	s2 =	sld [smem:$0x3FFC];
	_ =	sdelay $0x3  }
0x94: {  	_ =	strace s2  }
0x95: {  	s2 =	sld [smem:$0x3FFD];
	_ =	sdelay $0x3  }
0x96: {  	_ =	strace s2  }
0x97: {  	_ =	strace $0x8FFFFFFF  }
0x98: {  	s19 =	sld [smem:$0x3FDB];
	_ =	sdelay $0x1  }
0x99: {  	s20 =	simm.s32 $_scs_section_size  }
0x9a: {  	s4 =	simm.s32 $_size__tile_overlayer_lowered;
	s5 =	simm.s32 $_tile_overlayer_lowered  }
0x9b: {  	s6 =	simm.s32 $0x1BFF;
	s21 =	sshll.u32 s5, $0x1;
	s3 =	sadd.s32 s20, s19  }
0x9c: {  	s22 =	simm.s32 $0x0;
	s4 =	sshll.u32 s4, $0x1;
	s5 =	sadd.s32 s21, s3  }
0x9d: {  	[timem:s22], [sflag:s6] =	dma.local [hbm:s5], s4  }
0x9e: {  	_ =	swait.ge [sflag:s6], s4  }
0x9f: {  	s4 =	ssub.s32 $0x0, s4;
	[sflag:s6] =	ssyncset.done $0x0  }
0xa0: {  	[sflag:s6] =	ssyncadd.s32 s4;
	_ =	sdelay $0x1  }
0xa1: {  	s23 =	simm.s32 $0x1B8B  }
0xa2: {  	_ =	swait.ge [sflag:s23], $0x1  }
0xa3: {  	[sflag:s23] =	ssyncset.done $0x0  }
0xa4: {  	[sflag:s23] =	ssyncadd.s32 $0xFFFFFFFF  }
0xa5: {  	s4 =	sld [smem:$0x0]  }
0xa6: {  	s5 =	sand.u32 $0xFFFFFFFE, s1  }
0xa7: {  	p0 =	sne.s32 s1, s5  }
0xa8: {  	s5 =	sshll.u32 @p0 s5, $0xE  }
0xa9: {  	s5 =	sadd.s32 @p0 $0x11B8D, s5;
	s6 =	sshll.u32 @p0 s4, $0x11  }
0xaa: {  	s5 =	sor.u32 @p0 s6, s5  }
0xab: {  	[sflag:s5] =	ssyncadd.remote.s32 @p0 $0x1;
	_ =	sdelay $0x1  }
0xac: {  	s5 =	simm.s32 @p0 $0x1B8D  }
0xad: {  	_ =	swait.eq @p0 [sflag:s5], $0x1  }
0xae: {  	[sflag:s5] =	ssyncadd.s32 @p0 $0xFFFFFFFF  }
0xaf: {  	s6 =	sshll.u32 @!p0 s1, $0xE  }
0xb0: {  	s6 =	sor.u32 @!p0 $0x4000, s6;
	s5 =	simm.s32 @!p0 $0x1B8D  }
0xb1: {  	s4 =	sshll.u32 @!p0 s4, $0x11;
	s6 =	sadd.s32 @!p0 $0x11B8D, s6;
	_ =	swait.eq @!p0 [sflag:s5], $0x1  }
0xb2: {  	s4 =	sor.u32 @!p0 s4, s6;
	[sflag:s5] =	ssyncadd.s32 @!p0 $0xFFFFFFFF  }
0xb3: {  	s25 =	simm.s32 $0x1B8E;
	s24 =	sld [smem:$0x3FFE];
	[sflag:s4] =	ssyncadd.remote.s32 @!p0 $0x1  }
0xb4: {  	s26 =	simm.s32 $execute0_lowered;
	[smem:$0x3FD2] =	sst s25  }
0xb5: {  	s5 =	sshll.u32 s26, $0x1;
	_ =	strace $0x80000049;
	[dreg:$0x1] =	wrdreg $0xFFFFFFFF  }
0xb6: {  	s28 =	simm.s32 $_size_execute0_lowered;
	s3 =	sadd.s32 s3, s5;
	[dreg:$0x0] =	wrdreg $0x0  }
0xb7: {  	s5 =	sshll.u32 s28, $0x1;
	[dreg:$0x2] =	wrdreg s3  }
0xb8: {  	[dreg:$0x3] =	wrdreg s5  }
0xb9: {  	[dreg:$0x4] =	wrdreg $0xC0  }
0xba: {  	_ =	task [dreg:s22], $0x5FFFF  }
0xbb: {  	[dreg:$0x1] =	wrdreg $0xFFFFFFFF  }
0xbc: {  	[dreg:$0x0] =	wrdreg $0x60  }
0xbd: {  	[dreg:$0x2] =	wrdreg s24  }
0xbe: {  	[dreg:$0x3] =	wrdreg $0xB  }
0xbf: {  	_ =	task.clear_ibuf [dreg:s22], $0x4FFFF;
	_ =	strace $0x90000049  }
0xc0: {  	s29 =	simm.s32 $0xB;
	_ =	strace $0x8000004B  }
0xc1: {  	_ =	swait.ge [sflag:s29], $0x1  }
0xc2: {  	[sflag:s29] =	ssyncadd.s32 $0xFFFFFFFF  }
0xc3: {  	_ =	strace $0x9000004B  }
0xc4: {  	_ =	sfence  }
0xc5: {  	s30 =	sld [smem:$0x0];
	_ =	sdelay $0x2  }
0xc6: {  	s31 =	sshll.u32 s1, $0xD;
	s1 =	sshrl.u32 s1, $0x2  }
0xc7: {  	s4 =	sand.u32 $0x4000, s31;
	s1 =	sadd.s32 s1, s30  }
0xc8: {  	s0 =	sor.u32 s4, s0;
	s1 =	sshll.u32 s1, $0x11  }
0xc9: {  	s0 =	sor.u32 s1, s0  }
0xca: {  	s0 =	sadd.s32 $0x8F2B, s0  }
0xcb: {  	[sflag:s0] =	ssyncadd.remote.s32 $0x1  }
0xcc: {  	_ =	sfence.sel $0xFFFF  }
0xcd: {  	[dreg:$0x0] =	wrdreg $0xFFFFFFFF;
	(pc) =	sbr.abs _section_cstart, $3  }
0xce: {  	[dreg:$0x1] =	wrdreg $0xFFFFFFFF  }
0xcf: {  	_ =	task.clear_ibuf [dreg:s22], $0x2FFFF;
	_ =	strace $0x9FFFFFFF  }
0xd0: {  	(tm) =	ssettm $0x7FFFFFFF  }
0xd1: {  	_ =	shalt  }
tec
execute0_lowered:
.L_overlay_start_1:
0x0: {  	(tag) =	ssettag $0x1  }
0x1: {  	s0 =	srdreg.scid  }
0x2: {  	s25 =	sand.u32 $0x1, s0  }
0x3: {  	s0 =	stileid.u32;
	s1 =	sshll.u32 s25, $0x4  }
0x4: {  	s26 =	sor.u32 s0, s1  }
0x5: {  	s24 =	rddreg [dreg:$0x0];
	s2 =	simm.s32 $0x0;
	s3 =	smul.u32 $0x48, s26  }
0x6: {  	[smem:$0x7FF] =	sst s2  }
0x7: {  	s1 =	rddreg [dreg:$0x1];
	s3 =	sadd.s32 s3, s24  }
0x8: {  	_ =	strace $0x8000004A;
	s4 =	sadd.s32 $0x124000, s3;
	s3 =	simm.s32 $0x2  }
0x9: {  	[tilespmem:s2], [sflag:$0x2] =	stream.linear.gather [hbm4b:s4+s2], $0x240, $0x38;
	[tilespmem:$0x9240] =	vst v63  }
0xa: {  	_ =	swait.ge [sflag:s3], $0x240  }
0xb: {  	s6 =	simm.s32 $0x40;
	[sflag:s3] =	ssyncset.done $0x0  }
0xc: {  	s7 =	simm.s32 $0x240;
	s5 =	sadd.s32 $0x29600, s24;
	[sflag:s3] =	ssyncadd.s32 $0xFFFFFDC0  }
0xd: {  	[tilespmem:s7], [sflag:$0x1] =	stream.indirect.gather [hbm4b:s5+s6], $0x40, s2, s6, $0xb8;
	[tilespmem:$0x9240] =	vst v63  }
0xe: {  	s8 =	simm.s32 $0x1240  }
0xf: {  	[tilespmem:s8], [sflag:$0x1] =	stream.indirect.gather [hbm4b:s5+s6], $0x40, s6, s6, $0xb8;
	[tilespmem:$0x9240] =	vst v63  }
0x10: {  	s9 =	simm.s32 $0x80;
	s10 =	simm.s32 $0x2240  }
0x11: {  	[tilespmem:s10], [sflag:$0x1] =	stream.indirect.gather [hbm4b:s5+s6], $0x40, s9, s6, $0xb8;
	[tilespmem:$0x9240] =	vst v63  }
0x12: {  	s11 =	simm.s32 $0xC0;
	s12 =	simm.s32 $0x3240  }
0x13: {  	[tilespmem:s12], [sflag:$0x1] =	stream.indirect.gather [hbm4b:s5+s6], $0x40, s11, s6, $0xb8;
	[tilespmem:$0x9240] =	vst v63  }
0x14: {  	s13 =	simm.s32 $0x100;
	s14 =	simm.s32 $0x4240  }
0x15: {  	[tilespmem:s14], [sflag:$0x1] =	stream.indirect.gather [hbm4b:s5+s6], $0x40, s13, s6, $0xb8;
	[tilespmem:$0x9240] =	vst v63  }
0x16: {  	s15 =	simm.s32 $0x140;
	s16 =	simm.s32 $0x5240  }
0x17: {  	[tilespmem:s16], [sflag:$0x1] =	stream.indirect.gather [hbm4b:s5+s6], $0x40, s15, s6, $0xb8;
	[tilespmem:$0x9240] =	vst v63  }
0x18: {  	s17 =	simm.s32 $0x180;
	s18 =	simm.s32 $0x6240  }
0x19: {  	[tilespmem:s18], [sflag:$0x1] =	stream.indirect.gather [hbm4b:s5+s6], $0x40, s17, s6, $0xb8;
	[tilespmem:$0x9240] =	vst v63  }
0x1a: {  	s19 =	simm.s32 $0x1C0;
	s20 =	simm.s32 $0x7240  }
0x1b: {  	[tilespmem:s20], [sflag:$0x1] =	stream.indirect.gather [hbm4b:s5+s6], $0x40, s19, s6, $0xb8;
	[tilespmem:$0x9240] =	vst v63  }
0x1c: {  	s21 =	simm.s32 $0x200;
	s22 =	simm.s32 $0x8240;
	s23 =	simm.s32 $0x1  }
0x1d: {  	[tilespmem:s22], [sflag:$0x1] =	stream.indirect.gather [hbm4b:s5+s6], $0x40, s21, s6, $0xb8;
	[tilespmem:$0x9240] =	vst v63  }
0x1e: {  	_ =	swait.ge [sflag:s23], $0x1000  }
0x1f: {  	[sflag:s23] =	ssyncset.done $0x0  }
0x20: {  	[sflag:s23] =	ssyncadd.s32 $0xFFFFF000  }
0x21: {  	_ =	swait.ge [sflag:s23], $0x1000  }
0x22: {  	[sflag:s23] =	ssyncset.done $0x0  }
0x23: {  	[sflag:s23] =	ssyncadd.s32 $0xFFFFF000  }
0x24: {  	_ =	swait.ge [sflag:s23], $0x1000  }
0x25: {  	[sflag:s23] =	ssyncset.done $0x0  }
0x26: {  	[sflag:s23] =	ssyncadd.s32 $0xFFFFF000  }
0x27: {  	_ =	swait.ge [sflag:s23], $0x1000  }
0x28: {  	[sflag:s23] =	ssyncset.done $0x0  }
0x29: {  	[sflag:s23] =	ssyncadd.s32 $0xFFFFF000  }
0x2a: {  	_ =	swait.ge [sflag:s23], $0x1000  }
0x2b: {  	[sflag:s23] =	ssyncset.done $0x0  }
0x2c: {  	[sflag:s23] =	ssyncadd.s32 $0xFFFFF000  }
0x2d: {  	_ =	swait.ge [sflag:s23], $0x1000  }
0x2e: {  	[sflag:s23] =	ssyncset.done $0x0  }
0x2f: {  	[sflag:s23] =	ssyncadd.s32 $0xFFFFF000  }
0x30: {  	_ =	swait.ge [sflag:s23], $0x1000  }
0x31: {  	[sflag:s23] =	ssyncset.done $0x0  }
0x32: {  	s25 =	ssub.s32 $0x2, s25;
	[sflag:s23] =	ssyncadd.s32 $0xFFFFF000  }
0x33: {  	s28 =	sshrl.u32 s25, $0x1;
	_ =	swait.ge [sflag:s23], $0x1000  }
0x34: {  	s25 =	ssub.s32 s25, s28;
	[sflag:s23] =	ssyncset.done $0x0  }
0x35: {  	s26 =	smul.u32 $0x1200, s26;
	s25 =	smax.u32 s25, $0x1;
	[sflag:s23] =	ssyncadd.s32 $0xFFFFF000  }
0x36: {  	p0 =	sne.s32 s25, $0x1;
	_ =	swait.ge [sflag:s23], $0x1000  }
.Ltmp0:
0x37: {  	s24 =	sadd.s32 s26, s24;
	[sflag:s23] =	ssyncset.done $0x0;
	(pc) =	sbr.rel @!p0 .LBB2_2-.Ltmp0, $4  }
0x38: {  	s24 =	sadd.s32 $0x2B600, s24;
	[sflag:s23] =	ssyncadd.s32 $0xFFFFF000  }
0x39: {  	[hbm4b:s24+s2] =	stream.linear.scatter [tilespmem:s7], [sflag:$0x2], $0x9000, $0x38;
	[tilespmem:$0x9240] =	vst v63  }
0x3a: {  	_ =	swait.ge [sflag:s3], $0x9000  }
0x3b: {  	s25 =	sadd.s32 $0xFFFFFFFF, s25;
	[sflag:s3] =	ssyncset.done $0x0  }
.LBB2_1:
0x3c: {  	p0 =	sne.s32 s25, $0x1;
	s25 =	sadd.s32 $0xFFFFFFFF, s25;
	[sflag:s3] =	ssyncadd.s32 $0xFFFF7000  }
0x3d: {  	[tilespmem:s2], [sflag:$0x2] =	stream.linear.gather [hbm4b:s4+s2], $0x240, $0x38;
	[tilespmem:$0x9240] =	vst v63  }
0x3e: {  	_ =	swait.ge [sflag:s3], $0x240  }
0x3f: {  	[sflag:s3] =	ssyncset.done $0x0  }
0x40: {  	[sflag:s3] =	ssyncadd.s32 $0xFFFFFDC0  }
0x41: {  	[tilespmem:s7], [sflag:$0x1] =	stream.indirect.gather [hbm4b:s5+s6], $0x40, s2, s6, $0xb8;
	[tilespmem:$0x9240] =	vst v63  }
0x42: {  	_ = 	snop  }
0x43: {  	[tilespmem:s8], [sflag:$0x1] =	stream.indirect.gather [hbm4b:s5+s6], $0x40, s6, s6, $0xb8;
	[tilespmem:$0x9240] =	vst v63  }
0x44: {  	_ = 	snop  }
0x45: {  	[tilespmem:s10], [sflag:$0x1] =	stream.indirect.gather [hbm4b:s5+s6], $0x40, s9, s6, $0xb8;
	[tilespmem:$0x9240] =	vst v63  }
0x46: {  	_ = 	snop  }
0x47: {  	[tilespmem:s12], [sflag:$0x1] =	stream.indirect.gather [hbm4b:s5+s6], $0x40, s11, s6, $0xb8;
	[tilespmem:$0x9240] =	vst v63  }
0x48: {  	_ = 	snop  }
0x49: {  	[tilespmem:s14], [sflag:$0x1] =	stream.indirect.gather [hbm4b:s5+s6], $0x40, s13, s6, $0xb8;
	[tilespmem:$0x9240] =	vst v63  }
0x4a: {  	_ = 	snop  }
0x4b: {  	[tilespmem:s16], [sflag:$0x1] =	stream.indirect.gather [hbm4b:s5+s6], $0x40, s15, s6, $0xb8;
	[tilespmem:$0x9240] =	vst v63  }
0x4c: {  	_ = 	snop  }
0x4d: {  	[tilespmem:s18], [sflag:$0x1] =	stream.indirect.gather [hbm4b:s5+s6], $0x40, s17, s6, $0xb8;
	[tilespmem:$0x9240] =	vst v63  }
0x4e: {  	_ = 	snop  }
0x4f: {  	[tilespmem:s20], [sflag:$0x1] =	stream.indirect.gather [hbm4b:s5+s6], $0x40, s19, s6, $0xb8;
	[tilespmem:$0x9240] =	vst v63  }
0x50: {  	_ = 	snop  }
0x51: {  	[tilespmem:s22], [sflag:$0x1] =	stream.indirect.gather [hbm4b:s5+s6], $0x40, s21, s6, $0xb8;
	[tilespmem:$0x9240] =	vst v63  }
0x52: {  	_ =	swait.ge [sflag:s23], $0x1000  }
0x53: {  	[sflag:s23] =	ssyncset.done $0x0  }
0x54: {  	[sflag:s23] =	ssyncadd.s32 $0xFFFFF000  }
0x55: {  	_ =	swait.ge [sflag:s23], $0x1000  }
0x56: {  	[sflag:s23] =	ssyncset.done $0x0  }
0x57: {  	[sflag:s23] =	ssyncadd.s32 $0xFFFFF000  }
0x58: {  	_ =	swait.ge [sflag:s23], $0x1000  }
0x59: {  	[sflag:s23] =	ssyncset.done $0x0  }
0x5a: {  	[sflag:s23] =	ssyncadd.s32 $0xFFFFF000  }
0x5b: {  	_ =	swait.ge [sflag:s23], $0x1000  }
0x5c: {  	[sflag:s23] =	ssyncset.done $0x0  }
0x5d: {  	[sflag:s23] =	ssyncadd.s32 $0xFFFFF000  }
0x5e: {  	_ =	swait.ge [sflag:s23], $0x1000  }
0x5f: {  	[sflag:s23] =	ssyncset.done $0x0  }
0x60: {  	[sflag:s23] =	ssyncadd.s32 $0xFFFFF000  }
0x61: {  	_ =	swait.ge [sflag:s23], $0x1000  }
0x62: {  	[sflag:s23] =	ssyncset.done $0x0  }
0x63: {  	[sflag:s23] =	ssyncadd.s32 $0xFFFFF000  }
0x64: {  	_ =	swait.ge [sflag:s23], $0x1000  }
0x65: {  	[sflag:s23] =	ssyncset.done $0x0  }
0x66: {  	[sflag:s23] =	ssyncadd.s32 $0xFFFFF000  }
0x67: {  	_ =	swait.ge [sflag:s23], $0x1000  }
0x68: {  	[sflag:s23] =	ssyncset.done $0x0  }
0x69: {  	[sflag:s23] =	ssyncadd.s32 $0xFFFFF000  }
0x6a: {  	_ =	swait.ge [sflag:s23], $0x1000  }
.Ltmp1:
0x6b: {  	[sflag:s23] =	ssyncset.done $0x0;
	(pc) =	sbr.rel @p0 .LBB2_1-.Ltmp1, $4  }
0x6c: {  	[sflag:s23] =	ssyncadd.s32 $0xFFFFF000  }
0x6d: {  	[hbm4b:s24+s2] =	stream.linear.scatter [tilespmem:s7], [sflag:$0x2], $0x9000, $0x38;
	[tilespmem:$0x9240] =	vst v63  }
0x6e: {  	_ =	swait.ge [sflag:s3], $0x9000  }
0x6f: {  	[sflag:s3] =	ssyncset.done $0x0  }
.LBB2_2:
0x70: {  	[sflag:s3] =	ssyncadd.s32 $0xFFFF7000  }
0x71: {  	_ =	sfence.sel $0x180000  }
0x72: {  	[bflag:$0x0] =	sbarrier.arrive $0xFFFF  }
0x73: {  	p0 =	sne.s32 s0, $0x0;
	_ =	strace $0x9000004A  }
0x74: {  	s0 =	sadd.s32 @!p0 $0x100000, s1;
	[bflag:$0x2] =	sbarrier.arrive $0xFFFF  }
0x75: {  	[sflag:s0] =	ssyncadd.tile.s32 @!p0 $0x1;
	_ =	shalt  }
.Lfunc_end2:
_tile_overlayer_lowered:
.L_overlay_start_2:
0x76: {  	(tag) =	ssettag $0x2  }
0x77: {  	s0 =	rddreg [dreg:$0x0];
	s2 =	stileid.u32  }
0x78: {  	s1 =	rddreg [dreg:$0x1];
	p0 =	sne.s32 s2, $0x0  }
0x79: {  	s3 =	rddreg [dreg:$0x2];
	[bflag:$0x3] =	sbarrier.arrive $0xFFFF;
	s2 =	simm.s32 @!p0 $0x1C02  }
0x7a: {  	[timem:s3], [sflag:s2] =	dma.local @!p0 [hbm:s0], s1  }
0x7b: {  	s0 =	simm.s32 @!p0 $0x2  }
0x7c: {  	_ =	swait.ge @!p0 [sflag:s0], s1  }
0x7d: {  	s1 =	ssub.s32 @!p0 $0x0, s1;
	[sflag:s0] =	ssyncset.done @!p0 $0x0  }
0x7e: {  	[sflag:s0] =	ssyncadd.s32 @!p0 s1  }
0x7f: {  	[bflag:$0x3] =	sbarrier.arrive $0xFFFF  }
0x80: {  	_ =	shalt  }

// kernel: kernel.23.cloned.1.call-start
scs
__scs_entry_jumppad:
0x0: {  	(pc) =	sbr.rel $0x88, $3  }
0x1: {  	(tag) =	ssettag $0x0;
	lr =	simm.s32 $0x1  }
0x2: {  	[smem:$0x3F9F] =	sst lr;
	_ =	strace $0xD0000000  }
0x3: {  	_ = 	snop  }
0x4: {  	_ = 	snop  }
0x5: {  	_ = 	snop  }
0x6: {  	_ = 	snop  }
0x7: {  	_ = 	snop  }
__scs_overlays_trampoline_lowered:
0x8: {  	[smem:$0x3FAE] =	sst s0  }
0x9: {  	[smem:$0x3FAF] =	sst s1  }
0xa: {  	[smem:$0x3FB0] =	sst s2  }
0xb: {  	[smem:$0x3FB1] =	sst s3  }
0xc: {  	[smem:$0x3FB2] =	sst s4  }
0xd: {  	[smem:$0x3FB3] =	sst s5  }
0xe: {  	[smem:$0x3FB4] =	sst s6  }
0xf: {  	[smem:$0x3FB5] =	sst s7  }
0x10: {  	[smem:$0x3FB6] =	sst s8  }
0x11: {  	[smem:$0x3FB7] =	sst s9;
	s0 =	simm.s32 @!p0 $0x0  }
0x12: {  	s1 =	sld [smem:$0x3F9D];
	s0 =	simm.s32 @p0 $0x1  }
0x13: {  	[smem:$0x3FB8] =	sst s0;
	s0 =	simm.s32 @!p1 $0x0  }
0x14: {  	s2 =	sld [smem:$0x3F9C];
	s0 =	simm.s32 @p1 $0x1  }
0x15: {  	[smem:$0x3FB9] =	sst s0;
	s0 =	simm.s32 @!p2 $0x0  }
0x16: {  	s3 =	sld [smem:$0x3FDB];
	s0 =	simm.s32 @p2 $0x1  }
0x17: {  	s4 =	simm.s32 $0x1BF5;
	[smem:$0x3FBB] =	sst s0  }
0x18: {  	s0 =	sld [smem:$0x3F9E];
	_ =	swait.ge [sflag:s4], $0x0  }
0x19: {  	s7 =	sld [smem:$0x3F9F]  }
0x1a: {  	s8 =	sadd.s32 $0xFFFFE003, lr  }
0x1b: {  	s9 =	sadd.s32 $0xFFFFFEF7, lr;
	s5 =	simm.s32 $0xFFFFFFFF;
	p2 =	slt.u32 s8, $0xFFFFF086  }
0x1c: {  	p1 =	slt.u32 s9, $0xF7A;
	s5 =	simm.s32 @!p2 $0x0  }
0x1d: {  	s5 =	simm.s32 @p1 $0x1;
	p0 =	seq.s32 s7, s2  }
0x1e: {  	s7 =	smul.u32 @!p0 $0xF7A, s2;
	p2 =	seq.s32 @!p0 s5, $0x0  }
0x1f: {  	s9 =	smul.u32 $0xF7A, s1;
	s8 =	simm.s32 @!p0 $0x1BF5;
	p2 =	por !p2, p0  }
0x20: {  	[sflag:s8] =	ssyncset.s32 @!p0 $0xFFFFF086;
	s6 =	sadd.s32 @!p0 s3, s7;
	s7 =	simm.s32 @!p0 $0x108  }
0x21: {  	s3 =	sadd.s32 s3, s9;
	s6 =	sadd.s32 @!p0 $0x88, s6;
	s7 =	simm.s32 @p2 $0x1082  }
0x22: {  	[simem:s7], [sflag:s8] =	dma.local @!p0 [hbm:s6], $0xF7A  }
0x23: {  	s9 =	sor.u32 $0xD0000000, s2;
	s6 =	simm.s32 $0x108;
	_ =	swait.ge @!p0 [sflag:s8], $0x0  }
0x24: {  	s3 =	sadd.s32 $0x88, s3;
	s6 =	simm.s32 @!p1 $0x1082;
	[sflag:s4] =	ssyncset.s32 $0xFFFFF086  }
0x25: {  	[simem:s6], [sflag:s4] =	dma.local [hbm:s3], $0xF7A  }
0x26: {  	[smem:$0x3F9F] =	sst s1;
	(tag) =	ssettag s2;
	_ =	strace s9  }
0x27: {  	s1 =	sld [smem:$0x3FAF]  }
0x28: {  	s2 =	sld [smem:$0x3FB0]  }
0x29: {  	s4 =	sld [smem:$0x3FB2]  }
0x2a: {  	p0 =	seq.s32 s5, $0x0;
	s5 =	sld [smem:$0x3FB3]  }
0x2b: {  	s6 =	sld [smem:$0x3FB4]  }
0x2c: {  	s7 =	sld [smem:$0x3FB5]  }
0x2d: {  	s3 =	simm.s32 $0x108;
	s8 =	sld [smem:$0x3FB6]  }
0x2e: {  	s3 =	simm.s32 @!p0 $0x1082;
	s9 =	sld [smem:$0x3FB7]  }
0x2f: {  	lr =	sadd.s32 s0, s3;
	s0 =	sld [smem:$0x3FAE]  }
0x30: {  	s3 =	sld [smem:$0x3FB1]  }
0x31: {  	[smem:$0x3FBA] =	sst s10  }
0x32: {  	s10 =	sld [smem:$0x3FB8];
	_ =	sdelay $0x3  }
0x33: {  	p0 =	seq.s32 s10, $0x1;
	s10 =	sld [smem:$0x3FBA];
	_ =	sdelay $0x3  }
0x34: {  	[smem:$0x3FBA] =	sst s10  }
0x35: {  	s10 =	sld [smem:$0x3FB9];
	_ =	sdelay $0x3  }
0x36: {  	p1 =	seq.s32 s10, $0x1;
	s10 =	sld [smem:$0x3FBA];
	_ =	sdelay $0x3  }
0x37: {  	[smem:$0x3FBA] =	sst s10  }
0x38: {  	s10 =	sld [smem:$0x3FBB]  }
0x39: {  	_ = 	snop;
	(pc) =	sbr.ind lr, $3  }
0x3a: {  	_ = 	snop  }
0x3b: {  	_ = 	snop  }
0x3c: {  	p2 =	seq.s32 s10, $0x1;
	s10 =	sld [smem:$0x3FBA]  }
0x3d: {  	_ =	shalt  }
0x3e: {  	_ =	shalt  }
0x3f: {  	_ =	shalt  }
0x40: {  	_ =	shalt  }
0x41: {  	_ =	shalt  }
0x42: {  	_ =	shalt  }
0x43: {  	_ =	shalt  }
0x44: {  	_ =	shalt  }
0x45: {  	_ =	shalt  }
0x46: {  	_ =	shalt  }
0x47: {  	_ =	shalt  }
0x48: {  	_ =	shalt  }
0x49: {  	_ =	shalt  }
0x4a: {  	_ =	shalt  }
0x4b: {  	_ =	shalt  }
0x4c: {  	_ =	shalt  }
0x4d: {  	_ =	shalt  }
0x4e: {  	_ =	shalt  }
0x4f: {  	_ =	shalt  }
0x50: {  	_ =	shalt  }
0x51: {  	_ =	shalt  }
0x52: {  	_ =	shalt  }
0x53: {  	_ =	shalt  }
0x54: {  	_ =	shalt  }
0x55: {  	_ =	shalt  }
0x56: {  	_ =	shalt  }
0x57: {  	_ =	shalt  }
0x58: {  	_ =	shalt  }
0x59: {  	_ =	shalt  }
0x5a: {  	_ =	shalt  }
0x5b: {  	_ =	shalt  }
0x5c: {  	_ =	shalt  }
0x5d: {  	_ =	shalt  }
0x5e: {  	_ =	shalt  }
0x5f: {  	_ =	shalt  }
0x60: {  	_ =	shalt  }
0x61: {  	_ =	shalt  }
0x62: {  	_ =	shalt  }
0x63: {  	_ =	shalt  }
0x64: {  	_ =	shalt  }
0x65: {  	_ =	shalt  }
0x66: {  	_ =	shalt  }
0x67: {  	_ =	shalt  }
0x68: {  	_ =	shalt  }
0x69: {  	_ =	shalt  }
0x6a: {  	_ =	shalt  }
0x6b: {  	_ =	shalt  }
0x6c: {  	_ =	shalt  }
0x6d: {  	_ =	shalt  }
0x6e: {  	_ =	shalt  }
0x6f: {  	_ =	shalt  }
0x70: {  	_ =	shalt  }
0x71: {  	_ =	shalt  }
0x72: {  	_ =	shalt  }
0x73: {  	_ =	shalt  }
0x74: {  	_ =	shalt  }
0x75: {  	_ =	shalt  }
0x76: {  	_ =	shalt  }
0x77: {  	_ =	shalt  }
0x78: {  	_ =	shalt  }
0x79: {  	_ =	shalt  }
0x7a: {  	_ =	shalt  }
0x7b: {  	_ =	shalt  }
0x7c: {  	_ =	shalt  }
0x7d: {  	_ =	shalt  }
0x7e: {  	_ =	shalt  }
0x7f: {  	_ =	shalt  }
0x80: {  	_ =	shalt  }
0x81: {  	_ =	shalt  }
0x82: {  	_ =	shalt  }
0x83: {  	_ =	shalt  }
0x84: {  	_ =	shalt  }
0x85: {  	_ =	shalt  }
0x86: {  	_ =	shalt  }
0x87: {  	_ =	shalt  }
.Lfunc_end0:
.L_simem_size_0:
called_computation.3_lowered:
.L_overlay_start_0:
0x88: {  	s2 =	sld [smem:$0x3FD9]  }
0x89: {  	s3 =	sld [smem:$0x3FFE];
	_ =	sdelay $0x1  }
0x8a: {  	s1 =	srdreg.scid  }
0x8b: {  	s0 =	sand.u32 $0x1, s1  }
0x8c: {  	s16 =	sshll.u32 s0, $0xA;
	s2 =	sadd.s32 s3, s2  }
0x8d: {  	s2 =	sadd.s32 s2, s16  }
0x8e: {  	[smem:$0x3FC6] =	sst s2  }
0x8f: {  	_ = 	snop  }
0x90: {  	(tm) =	ssettm $0x1  }
0x91: {  	s17 =	sld [smem:$0x3FFB];
	_ =	sdelay $0x3  }
0x92: {  	_ =	strace s17  }
0x93: {  	s2 =	sld [smem:$0x3FFC];
	_ =	sdelay $0x3  }
0x94: {  	_ =	strace s2  }
0x95: {  	s2 =	sld [smem:$0x3FFD];
	_ =	sdelay $0x3  }
0x96: {  	_ =	strace s2  }
0x97: {  	_ =	strace $0x8FFFFFFF  }
0x98: {  	s18 =	sld [smem:$0x3FDB];
	_ =	sdelay $0x1  }
0x99: {  	s19 =	simm.s32 $_scs_section_size  }
0x9a: {  	s4 =	simm.s32 $_size__tile_overlayer_lowered;
	s5 =	simm.s32 $_tile_overlayer_lowered  }
0x9b: {  	s22 =	simm.s32 $0x1BFF;
	s21 =	sshll.u32 s5, $0x1;
	s2 =	sadd.s32 s19, s18  }
0x9c: {  	s6 =	simm.s32 $0x0;
	s20 =	sshll.u32 s4, $0x1;
	s4 =	sadd.s32 s21, s2  }
0x9d: {  	[timem:s6], [sflag:s22] =	dma.local [hbm:s4], s20  }
0x9e: {  	_ =	swait.ge [sflag:s22], s20  }
0x9f: {  	s3 =	ssub.s32 $0x0, s20;
	[sflag:s22] =	ssyncset.done $0x0  }
0xa0: {  	[sflag:s22] =	ssyncadd.s32 s3;
	_ =	sdelay $0x1  }
0xa1: {  	s23 =	simm.s32 $0x1B8B  }
0xa2: {  	_ =	swait.ge [sflag:s23], $0x1  }
0xa3: {  	[sflag:s23] =	ssyncset.done $0x0  }
0xa4: {  	s25 =	simm.s32 $0x1B8E;
	s24 =	sld [smem:$0x3FFE];
	[sflag:s23] =	ssyncadd.s32 $0xFFFFFFFF  }
0xa5: {  	s26 =	simm.s32 $execute0_lowered;
	[smem:$0x3FD2] =	sst s25  }
0xa6: {  	s4 =	sshll.u32 s26, $0x1;
	_ =	strace $0x80000046;
	[dreg:$0x1] =	wrdreg $0xFFFFFFFF  }
0xa7: {  	s28 =	simm.s32 $_size_execute0_lowered;
	s2 =	sadd.s32 s2, s4;
	[dreg:$0x0] =	wrdreg $0x0  }
0xa8: {  	s4 =	sshll.u32 s28, $0x1;
	[dreg:$0x2] =	wrdreg s2  }
0xa9: {  	[dreg:$0x3] =	wrdreg s4  }
0xaa: {  	[dreg:$0x4] =	wrdreg $0xC0  }
0xab: {  	_ =	task [dreg:s6], $0x5FFFF  }
0xac: {  	[dreg:$0x1] =	wrdreg $0xFFFFFFFF  }
0xad: {  	[dreg:$0x0] =	wrdreg $0x60  }
0xae: {  	[dreg:$0x2] =	wrdreg s24  }
0xaf: {  	[dreg:$0x3] =	wrdreg $0xC  }
0xb0: {  	_ =	task.clear_ibuf [dreg:s6], $0x4FFFF;
	_ =	strace $0x90000046  }
0xb1: {  	s29 =	simm.s32 $0xC;
	_ =	strace $0x80000048  }
0xb2: {  	_ =	swait.ge [sflag:s29], $0x1  }
0xb3: {  	[sflag:s29] =	ssyncadd.s32 $0xFFFFFFFF  }
0xb4: {  	_ =	strace $0x90000048  }
0xb5: {  	_ =	sfence  }
0xb6: {  	s30 =	sld [smem:$0x0];
	_ =	sdelay $0x2  }
0xb7: {  	s31 =	sshll.u32 s1, $0xD;
	s1 =	sshrl.u32 s1, $0x2  }
0xb8: {  	s3 =	sand.u32 $0x4000, s31;
	s1 =	sadd.s32 s1, s30  }
0xb9: {  	s0 =	sor.u32 s3, s0;
	s1 =	sshll.u32 s1, $0x11  }
0xba: {  	s0 =	sor.u32 s1, s0  }
0xbb: {  	s0 =	sadd.s32 $0x8F2B, s0  }
0xbc: {  	[sflag:s0] =	ssyncadd.remote.s32 $0x1  }
0xbd: {  	_ =	sfence.sel $0xFFFF  }
0xbe: {  	[dreg:$0x0] =	wrdreg $0xFFFFFFFF;
	(pc) =	sbr.abs _section_cstart, $3  }
0xbf: {  	[dreg:$0x1] =	wrdreg $0xFFFFFFFF  }
0xc0: {  	_ =	task.clear_ibuf [dreg:s6], $0x2FFFF;
	_ =	strace $0x9FFFFFFF  }
0xc1: {  	(tm) =	ssettm $0x7FFFFFFF  }
tec
execute0_lowered:
.L_overlay_start_1:
0x0: {  	(tag) =	ssettag $0x1  }
0x1: {  	s0 =	srdreg.scid  }
0x2: {  	s25 =	sand.u32 $0x1, s0  }
0x3: {  	s0 =	stileid.u32;
	s1 =	sshll.u32 s25, $0x4  }
0x4: {  	s26 =	sor.u32 s0, s1  }
0x5: {  	s24 =	rddreg [dreg:$0x0];
	s2 =	simm.s32 $0x0;
	s3 =	smul.u32 $0x48, s26  }
0x6: {  	[smem:$0x7FF] =	sst s2  }
0x7: {  	s1 =	rddreg [dreg:$0x1];
	s3 =	sadd.s32 s3, s24  }
0x8: {  	_ =	strace $0x80000047;
	s4 =	sadd.s32 $0x2C00, s3;
	s3 =	simm.s32 $0x2  }
0x9: {  	[tilespmem:s2], [sflag:$0x2] =	stream.linear.gather [hbm4b:s4+s2], $0x240, $0x38;
	[tilespmem:$0x9240] =	vst v63  }
0xa: {  	_ =	swait.ge [sflag:s3], $0x240  }
0xb: {  	s6 =	simm.s32 $0x40;
	[sflag:s3] =	ssyncset.done $0x0  }
0xc: {  	s7 =	simm.s32 $0x240;
	s5 =	sadd.s32 $0x3600, s24;
	[sflag:s3] =	ssyncadd.s32 $0xFFFFFDC0  }
0xd: {  	[tilespmem:s7], [sflag:$0x1] =	stream.indirect.gather [hbm4b:s5+s6], $0x40, s2, s6, $0xb8;
	[tilespmem:$0x9240] =	vst v63  }
0xe: {  	s8 =	simm.s32 $0x1240  }
0xf: {  	[tilespmem:s8], [sflag:$0x1] =	stream.indirect.gather [hbm4b:s5+s6], $0x40, s6, s6, $0xb8;
	[tilespmem:$0x9240] =	vst v63  }
0x10: {  	s9 =	simm.s32 $0x80;
	s10 =	simm.s32 $0x2240  }
0x11: {  	[tilespmem:s10], [sflag:$0x1] =	stream.indirect.gather [hbm4b:s5+s6], $0x40, s9, s6, $0xb8;
	[tilespmem:$0x9240] =	vst v63  }
0x12: {  	s11 =	simm.s32 $0xC0;
	s12 =	simm.s32 $0x3240  }
0x13: {  	[tilespmem:s12], [sflag:$0x1] =	stream.indirect.gather [hbm4b:s5+s6], $0x40, s11, s6, $0xb8;
	[tilespmem:$0x9240] =	vst v63  }
0x14: {  	s13 =	simm.s32 $0x100;
	s14 =	simm.s32 $0x4240  }
0x15: {  	[tilespmem:s14], [sflag:$0x1] =	stream.indirect.gather [hbm4b:s5+s6], $0x40, s13, s6, $0xb8;
	[tilespmem:$0x9240] =	vst v63  }
0x16: {  	s15 =	simm.s32 $0x140;
	s16 =	simm.s32 $0x5240  }
0x17: {  	[tilespmem:s16], [sflag:$0x1] =	stream.indirect.gather [hbm4b:s5+s6], $0x40, s15, s6, $0xb8;
	[tilespmem:$0x9240] =	vst v63  }
0x18: {  	s17 =	simm.s32 $0x180;
	s18 =	simm.s32 $0x6240  }
0x19: {  	[tilespmem:s18], [sflag:$0x1] =	stream.indirect.gather [hbm4b:s5+s6], $0x40, s17, s6, $0xb8;
	[tilespmem:$0x9240] =	vst v63  }
0x1a: {  	s19 =	simm.s32 $0x1C0;
	s20 =	simm.s32 $0x7240  }
0x1b: {  	[tilespmem:s20], [sflag:$0x1] =	stream.indirect.gather [hbm4b:s5+s6], $0x40, s19, s6, $0xb8;
	[tilespmem:$0x9240] =	vst v63  }
0x1c: {  	s21 =	simm.s32 $0x200;
	s22 =	simm.s32 $0x8240;
	s23 =	simm.s32 $0x1  }
0x1d: {  	[tilespmem:s22], [sflag:$0x1] =	stream.indirect.gather [hbm4b:s5+s6], $0x40, s21, s6, $0xb8;
	[tilespmem:$0x9240] =	vst v63  }
0x1e: {  	_ =	swait.ge [sflag:s23], $0x1000  }
0x1f: {  	[sflag:s23] =	ssyncset.done $0x0  }
0x20: {  	[sflag:s23] =	ssyncadd.s32 $0xFFFFF000  }
0x21: {  	_ =	swait.ge [sflag:s23], $0x1000  }
0x22: {  	[sflag:s23] =	ssyncset.done $0x0  }
0x23: {  	[sflag:s23] =	ssyncadd.s32 $0xFFFFF000  }
0x24: {  	_ =	swait.ge [sflag:s23], $0x1000  }
0x25: {  	[sflag:s23] =	ssyncset.done $0x0  }
0x26: {  	[sflag:s23] =	ssyncadd.s32 $0xFFFFF000  }
0x27: {  	_ =	swait.ge [sflag:s23], $0x1000  }
0x28: {  	[sflag:s23] =	ssyncset.done $0x0  }
0x29: {  	[sflag:s23] =	ssyncadd.s32 $0xFFFFF000  }
0x2a: {  	_ =	swait.ge [sflag:s23], $0x1000  }
0x2b: {  	[sflag:s23] =	ssyncset.done $0x0  }
0x2c: {  	[sflag:s23] =	ssyncadd.s32 $0xFFFFF000  }
0x2d: {  	_ =	swait.ge [sflag:s23], $0x1000  }
0x2e: {  	[sflag:s23] =	ssyncset.done $0x0  }
0x2f: {  	[sflag:s23] =	ssyncadd.s32 $0xFFFFF000  }
0x30: {  	_ =	swait.ge [sflag:s23], $0x1000  }
0x31: {  	[sflag:s23] =	ssyncset.done $0x0  }
0x32: {  	s25 =	ssub.s32 $0x2, s25;
	[sflag:s23] =	ssyncadd.s32 $0xFFFFF000  }
0x33: {  	s28 =	sshrl.u32 s25, $0x1;
	_ =	swait.ge [sflag:s23], $0x1000  }
0x34: {  	s25 =	ssub.s32 s25, s28;
	[sflag:s23] =	ssyncset.done $0x0  }
0x35: {  	s26 =	smul.u32 $0x1200, s26;
	s25 =	smax.u32 s25, $0x1;
	[sflag:s23] =	ssyncadd.s32 $0xFFFFF000  }
0x36: {  	p0 =	sne.s32 s25, $0x1;
	_ =	swait.ge [sflag:s23], $0x1000  }
.Ltmp0:
0x37: {  	s24 =	sadd.s32 s26, s24;
	[sflag:s23] =	ssyncset.done $0x0;
	(pc) =	sbr.rel @!p0 .LBB2_2-.Ltmp0, $4  }
0x38: {  	s24 =	sadd.s32 $0x5600, s24;
	[sflag:s23] =	ssyncadd.s32 $0xFFFFF000  }
0x39: {  	[hbm4b:s24+s2] =	stream.linear.scatter [tilespmem:s7], [sflag:$0x2], $0x9000, $0x38;
	[tilespmem:$0x9240] =	vst v63  }
0x3a: {  	_ =	swait.ge [sflag:s3], $0x9000  }
0x3b: {  	s25 =	sadd.s32 $0xFFFFFFFF, s25;
	[sflag:s3] =	ssyncset.done $0x0  }
.LBB2_1:
0x3c: {  	p0 =	sne.s32 s25, $0x1;
	s25 =	sadd.s32 $0xFFFFFFFF, s25;
	[sflag:s3] =	ssyncadd.s32 $0xFFFF7000  }
0x3d: {  	[tilespmem:s2], [sflag:$0x2] =	stream.linear.gather [hbm4b:s4+s2], $0x240, $0x38;
	[tilespmem:$0x9240] =	vst v63  }
0x3e: {  	_ =	swait.ge [sflag:s3], $0x240  }
0x3f: {  	[sflag:s3] =	ssyncset.done $0x0  }
0x40: {  	[sflag:s3] =	ssyncadd.s32 $0xFFFFFDC0  }
0x41: {  	[tilespmem:s7], [sflag:$0x1] =	stream.indirect.gather [hbm4b:s5+s6], $0x40, s2, s6, $0xb8;
	[tilespmem:$0x9240] =	vst v63  }
0x42: {  	_ = 	snop  }
0x43: {  	[tilespmem:s8], [sflag:$0x1] =	stream.indirect.gather [hbm4b:s5+s6], $0x40, s6, s6, $0xb8;
	[tilespmem:$0x9240] =	vst v63  }
0x44: {  	_ = 	snop  }
0x45: {  	[tilespmem:s10], [sflag:$0x1] =	stream.indirect.gather [hbm4b:s5+s6], $0x40, s9, s6, $0xb8;
	[tilespmem:$0x9240] =	vst v63  }
0x46: {  	_ = 	snop  }
0x47: {  	[tilespmem:s12], [sflag:$0x1] =	stream.indirect.gather [hbm4b:s5+s6], $0x40, s11, s6, $0xb8;
	[tilespmem:$0x9240] =	vst v63  }
0x48: {  	_ = 	snop  }
0x49: {  	[tilespmem:s14], [sflag:$0x1] =	stream.indirect.gather [hbm4b:s5+s6], $0x40, s13, s6, $0xb8;
	[tilespmem:$0x9240] =	vst v63  }
0x4a: {  	_ = 	snop  }
0x4b: {  	[tilespmem:s16], [sflag:$0x1] =	stream.indirect.gather [hbm4b:s5+s6], $0x40, s15, s6, $0xb8;
	[tilespmem:$0x9240] =	vst v63  }
0x4c: {  	_ = 	snop  }
0x4d: {  	[tilespmem:s18], [sflag:$0x1] =	stream.indirect.gather [hbm4b:s5+s6], $0x40, s17, s6, $0xb8;
	[tilespmem:$0x9240] =	vst v63  }
0x4e: {  	_ = 	snop  }
0x4f: {  	[tilespmem:s20], [sflag:$0x1] =	stream.indirect.gather [hbm4b:s5+s6], $0x40, s19, s6, $0xb8;
	[tilespmem:$0x9240] =	vst v63  }
0x50: {  	_ = 	snop  }
0x51: {  	[tilespmem:s22], [sflag:$0x1] =	stream.indirect.gather [hbm4b:s5+s6], $0x40, s21, s6, $0xb8;
	[tilespmem:$0x9240] =	vst v63  }
0x52: {  	_ =	swait.ge [sflag:s23], $0x1000  }
0x53: {  	[sflag:s23] =	ssyncset.done $0x0  }
0x54: {  	[sflag:s23] =	ssyncadd.s32 $0xFFFFF000  }
0x55: {  	_ =	swait.ge [sflag:s23], $0x1000  }
0x56: {  	[sflag:s23] =	ssyncset.done $0x0  }
0x57: {  	[sflag:s23] =	ssyncadd.s32 $0xFFFFF000  }
0x58: {  	_ =	swait.ge [sflag:s23], $0x1000  }
0x59: {  	[sflag:s23] =	ssyncset.done $0x0  }
0x5a: {  	[sflag:s23] =	ssyncadd.s32 $0xFFFFF000  }
0x5b: {  	_ =	swait.ge [sflag:s23], $0x1000  }
0x5c: {  	[sflag:s23] =	ssyncset.done $0x0  }
0x5d: {  	[sflag:s23] =	ssyncadd.s32 $0xFFFFF000  }
0x5e: {  	_ =	swait.ge [sflag:s23], $0x1000  }
0x5f: {  	[sflag:s23] =	ssyncset.done $0x0  }
0x60: {  	[sflag:s23] =	ssyncadd.s32 $0xFFFFF000  }
0x61: {  	_ =	swait.ge [sflag:s23], $0x1000  }
0x62: {  	[sflag:s23] =	ssyncset.done $0x0  }
0x63: {  	[sflag:s23] =	ssyncadd.s32 $0xFFFFF000  }
0x64: {  	_ =	swait.ge [sflag:s23], $0x1000  }
0x65: {  	[sflag:s23] =	ssyncset.done $0x0  }
0x66: {  	[sflag:s23] =	ssyncadd.s32 $0xFFFFF000  }
0x67: {  	_ =	swait.ge [sflag:s23], $0x1000  }
0x68: {  	[sflag:s23] =	ssyncset.done $0x0  }
0x69: {  	[sflag:s23] =	ssyncadd.s32 $0xFFFFF000  }
0x6a: {  	_ =	swait.ge [sflag:s23], $0x1000  }
.Ltmp1:
0x6b: {  	[sflag:s23] =	ssyncset.done $0x0;
	(pc) =	sbr.rel @p0 .LBB2_1-.Ltmp1, $4  }
0x6c: {  	[sflag:s23] =	ssyncadd.s32 $0xFFFFF000  }
0x6d: {  	[hbm4b:s24+s2] =	stream.linear.scatter [tilespmem:s7], [sflag:$0x2], $0x9000, $0x38;
	[tilespmem:$0x9240] =	vst v63  }
0x6e: {  	_ =	swait.ge [sflag:s3], $0x9000  }
0x6f: {  	[sflag:s3] =	ssyncset.done $0x0  }
.LBB2_2:
0x70: {  	[sflag:s3] =	ssyncadd.s32 $0xFFFF7000  }
0x71: {  	_ =	sfence.sel $0x180000  }
0x72: {  	[bflag:$0x0] =	sbarrier.arrive $0xFFFF  }
0x73: {  	p0 =	sne.s32 s0, $0x0;
	_ =	strace $0x90000047  }
0x74: {  	s0 =	sadd.s32 @!p0 $0x100000, s1;
	[bflag:$0x2] =	sbarrier.arrive $0xFFFF  }
0x75: {  	[sflag:s0] =	ssyncadd.tile.s32 @!p0 $0x1;
	_ =	shalt  }
.Lfunc_end2:
_tile_overlayer_lowered:
.L_overlay_start_2:
0x76: {  	(tag) =	ssettag $0x2  }
0x77: {  	s0 =	rddreg [dreg:$0x0];
	s2 =	stileid.u32  }
0x78: {  	s1 =	rddreg [dreg:$0x1];
	p0 =	sne.s32 s2, $0x0  }
0x79: {  	s3 =	rddreg [dreg:$0x2];
	[bflag:$0x3] =	sbarrier.arrive $0xFFFF;
	s2 =	simm.s32 @!p0 $0x1C02  }
0x7a: {  	[timem:s3], [sflag:s2] =	dma.local @!p0 [hbm:s0], s1  }
0x7b: {  	s0 =	simm.s32 @!p0 $0x2  }
0x7c: {  	_ =	swait.ge @!p0 [sflag:s0], s1  }
0x7d: {  	s1 =	ssub.s32 @!p0 $0x0, s1;
	[sflag:s0] =	ssyncset.done @!p0 $0x0  }
0x7e: {  	[sflag:s0] =	ssyncadd.s32 @!p0 s1  }
0x7f: {  	[bflag:$0x3] =	sbarrier.arrive $0xFFFF  }
0x80: {  	_ =	shalt  }

</sc_bundles>
